<compile_context>
chip_gen: v7x
topology: tpu7x:2x2x1
jax: 0.10.2.dev20260603
libtpu: 0.0.44.dev20260713+nightly
codegen_flags: <defaults>
</compile_context>

<pallas_src>
import functools

import jax
import jax.numpy as jnp
from jax import lax
from jax.experimental import pallas as pl
from jax.experimental.pallas import tpu as pltpu
from jax.experimental.pallas import tpu_sc as plsc

VOCAB = 1_000_000
EMBED_DIM = 64
BATCH = 4096
SEQ = 200
NUM_SEGS = 2 * BATCH

NC = 2
NS = 16
NW = NC * NS
SEGS_PER_W = NUM_SEGS // NW


IDX_PAD = 208


def _pool_body(
    x_hbm, table_hbm, out_hbm,
    idx0_v, idx1_v, offs0_v, offs1_v, rows0_v, rows1_v, acc_v,
    sem_i0, sem_i1, sem_g0, sem_g1,
):
    wid = lax.axis_index("s") * NC + lax.axis_index("c")
    seg0 = wid * SEGS_PER_W

    idx_v = (idx0_v, idx1_v)
    offs_v = (offs0_v, offs1_v)
    rows_v = (rows0_v, rows1_v)
    sem_i = (sem_i0, sem_i1)
    sem_g = (sem_g0, sem_g1)

    def idx_start(seg, buf):
        pltpu.async_copy(
            x_hbm.at[pl.ds((seg0 + seg) * SEQ, SEQ)],
            idx_v[buf].at[pl.ds(0, SEQ)],
            sem_i[buf],
        )

    def idx_wait(seg, buf):
        pltpu.make_async_copy(
            x_hbm.at[pl.ds((seg0 + seg) * SEQ, SEQ)],
            idx_v[buf].at[pl.ds(0, SEQ)],
            sem_i[buf],
        ).wait()

    def prep_offs(buf):
        lane = lax.broadcasted_iota(jnp.int32, (16,), 0)
        for c in range(IDX_PAD // 16):
            v = idx_v[buf][pl.ds(c * 16, 16)]
            s = lax.shift_right_logical(v, 1)
            if (c + 1) * 16 > SEQ:
                s = jnp.where(lane < SEQ - c * 16, s, 0)
            offs_v[buf][pl.ds(c * 16, 16)] = s

    def gather_start(buf):
        pltpu.async_copy(table_hbm.at[offs_v[buf]], rows_v[buf], sem_g[buf])

    def gather_wait(buf):
        pltpu.make_async_copy(
            table_hbm.at[offs_v[buf]], rows_v[buf], sem_g[buf]
        ).wait()

    def reduce_into(buf, seg):
        zero = jnp.zeros((16,), jnp.float32)
        rv = rows_v[buf]
        iv = idx_v[buf]

        def add_row(row, base, carry):
            a0, a1, a2, a3 = carry
            a0 = a0 + rv[row, pl.ds(base, 16)]
            a1 = a1 + rv[row, pl.ds(base + 16, 16)]
            a2 = a2 + rv[row, pl.ds(base + 32, 16)]
            a3 = a3 + rv[row, pl.ds(base + 48, 16)]
            return (a0, a1, a2, a3)

        def red(c, carry):
            bases = (iv[pl.ds(c * 16, 16)] & 1) * EMBED_DIM
            for r in range(16):
                carry = add_row(c * 16 + r, bases[r], carry)
            return carry

        carry = lax.fori_loop(0, SEQ // 16, red, (zero, zero, zero, zero))
        tail0 = (SEQ // 16) * 16
        bases_t = (iv[pl.ds(tail0, 16)] & 1) * EMBED_DIM
        for r in range(SEQ - tail0):
            carry = add_row(tail0 + r, bases_t[r], carry)
        a0, a1, a2, a3 = carry
        acc_v[seg, pl.ds(0, 16)] = a0
        acc_v[seg, pl.ds(16, 16)] = a1
        acc_v[seg, pl.ds(32, 16)] = a2
        acc_v[seg, pl.ds(48, 16)] = a3

    idx_start(0, 0)
    idx_wait(0, 0)
    prep_offs(0)
    gather_start(0)
    idx_start(1, 1)

    def pair_loop(p, _):
        sa = 2 * p
        sb = 2 * p + 1
        gather_wait(0)
        idx_wait(sb, 1)
        prep_offs(1)
        gather_start(1)

        reduce_into(0, sa)

        @pl.when(sa + 2 < SEGS_PER_W)
        def _():
            idx_start(sa + 2, 0)

        gather_wait(1)

        @pl.when(sa + 2 < SEGS_PER_W)
        def _():
            idx_wait(sa + 2, 0)
            prep_offs(0)
            gather_start(0)

        reduce_into(1, sb)

        @pl.when(sb + 2 < SEGS_PER_W)
        def _():
            idx_start(sb + 2, 1)

        return 0

    lax.fori_loop(0, SEGS_PER_W // 2, pair_loop, 0)
    pltpu.sync_copy(acc_v, out_hbm.at[pl.ds(seg0, SEGS_PER_W)])


_pool = functools.partial(
    pl.kernel,
    out_type=jax.ShapeDtypeStruct((NUM_SEGS, EMBED_DIM), jnp.float32),
    mesh=plsc.VectorSubcoreMesh(core_axis_name="c", subcore_axis_name="s"),
    scratch_types=[
        pltpu.VMEM((IDX_PAD,), jnp.int32),
        pltpu.VMEM((IDX_PAD,), jnp.int32),
        pltpu.VMEM((IDX_PAD,), jnp.int32),
        pltpu.VMEM((IDX_PAD,), jnp.int32),
        pltpu.VMEM((IDX_PAD, 2 * EMBED_DIM), jnp.float32),
        pltpu.VMEM((IDX_PAD, 2 * EMBED_DIM), jnp.float32),
        pltpu.VMEM((SEGS_PER_W, EMBED_DIM), jnp.float32),
        pltpu.SemaphoreType.DMA,
        pltpu.SemaphoreType.DMA,
        pltpu.SemaphoreType.DMA,
        pltpu.SemaphoreType.DMA,
    ],
)(_pool_body)


def _mlp_body(s1_ref, s2_ref, w1a_ref, w1b_ref, b1_ref, w2_ref, out_ref):
    h = (
        jnp.dot(s1_ref[...], w1a_ref[...], preferred_element_type=jnp.float32)
        + jnp.dot(s2_ref[...], w1b_ref[...], preferred_element_type=jnp.float32)
        + b1_ref[...]
    )
    h = jnp.maximum(h, 0.0)
    logits = jnp.dot(h, w2_ref[...], preferred_element_type=jnp.float32)
    m = jnp.max(logits, axis=-1, keepdims=True)
    e = jnp.exp(logits - m)
    out_ref[...] = e / jnp.sum(e, axis=-1, keepdims=True)


def _mlp(pooled, w1, b1, w2):
    blk = 512
    nblk = BATCH // blk
    grid = (nblk,)
    return pl.pallas_call(
        _mlp_body,
        grid=grid,
        in_specs=[
            pl.BlockSpec((blk, EMBED_DIM), lambda i: (i, 0)),
            pl.BlockSpec((blk, EMBED_DIM), lambda i: (i + nblk, 0)),
            pl.BlockSpec((EMBED_DIM, 128), lambda i: (0, 0)),
            pl.BlockSpec((EMBED_DIM, 128), lambda i: (1, 0)),
            pl.BlockSpec((1, 128), lambda i: (0, 0)),
            pl.BlockSpec((128, 2), lambda i: (0, 0)),
        ],
        out_specs=pl.BlockSpec((blk, 2), lambda i: (i, 0)),
        out_shape=jax.ShapeDtypeStruct((BATCH, 2), jnp.float32),
    )(pooled, pooled, w1, w1, b1, w2)


def kernel(x, table, W1, b1, W2):
    x1d = x.reshape(NUM_SEGS * SEQ)
    table2 = table.reshape(VOCAB // 2, 2 * EMBED_DIM)
    pooled = _pool(x1d, table2)
    return _mlp(pooled, W1, b1.reshape(1, 128), W2)

# --- scband reference (transcript-rebuilt; emitter-appended) ---
"""Pipeline reference for scband-word-sum-concat2-cls-16492674417407 (READ-ONLY COPY).

The authoritative reference and input builder live on the scoring server;
editing this copy changes nothing except your own understanding.
"""

import jax, jax.numpy as jnp
import numpy as np

VOCAB = 1000000  # 999000 pretrained + 999 reserved + 1
EMBED_DIM = 64
BATCH = 4096
SEQ = 200


def setup_inputs(seed: int = 0) -> dict:
    key = jax.random.key(seed)
    k1, k2, k3, k4 = jax.random.split(key, 4)
    table = jax.random.normal(k1, (VOCAB, EMBED_DIM), dtype=jnp.float32) * 0.02
    x = jax.random.randint(k2, (2, BATCH, SEQ), 0, VOCAB, dtype=jnp.int32)
    W1 = jax.random.normal(k3, (2 * EMBED_DIM, 128), dtype=jnp.float32) * (1.0 / np.sqrt(2 * EMBED_DIM))
    b1 = jnp.zeros((128,), dtype=jnp.float32)
    W2 = jax.random.normal(k4, (128, 2), dtype=jnp.float32) * (1.0 / np.sqrt(128))
    return {"x": x, "table": table, "W1": W1, "b1": b1, "W2": W2}


def reference(x, table, W1, b1, W2):
    # unstack the two sentences
    x1 = x[0]
    x2 = x[1]
    # embedding lookup (gather) -- dropout is identity at inference
    e1 = jnp.take(table, x1, axis=0)  # [B, L, D]
    e2 = jnp.take(table, x2, axis=0)
    # sum over sequence axis (mask_zero does not affect reduce_sum in TF either)
    s1 = jnp.sum(e1, axis=1)  # [B, D]
    s2 = jnp.sum(e2, axis=1)
    concat = jnp.concatenate([s1, s2], axis=1)  # [B, 2D]
    h = jax.nn.relu(concat @ W1 + b1)
    logits = h @ W2
    return jax.nn.softmax(logits, axis=-1)

if __name__ == "__main__":
    import jax
    _d = setup_inputs()
    print(jax.jit(kernel)(*tuple(_d.values())))

</pallas_src>

<mosaic_0001>
#map = affine_map<(d0, d1) -> (0)>
#map1 = affine_map<(d0, d1) -> (0, 0)>
module attributes {stable_mosaic.version = 14 : i64} {
  func.func @_pool_body(%arg0: i32, %arg1: i32, %arg2: memref<1638400xi32, #tpu.memory_space<hbm>>, %arg3: memref<500000x128xf32, #tpu.memory_space<hbm>>, %arg4: memref<8192x64xf32, #tpu.memory_space<hbm>>, %arg5: memref<208xi32, #tpu.memory_space<vmem>>, %arg6: memref<208xi32, #tpu.memory_space<vmem>>, %arg7: memref<208xi32, #tpu.memory_space<vmem>>, %arg8: memref<208xi32, #tpu.memory_space<vmem>>, %arg9: memref<208x128xf32, #tpu.memory_space<vmem>>, %arg10: memref<208x128xf32, #tpu.memory_space<vmem>>, %arg11: memref<256x64xf32, #tpu.memory_space<vmem>>, %arg12: memref<!tpu.dma_semaphore, #tpu.memory_space<semaphore_mem>>, %arg13: memref<!tpu.dma_semaphore, #tpu.memory_space<semaphore_mem>>, %arg14: memref<!tpu.dma_semaphore, #tpu.memory_space<semaphore_mem>>, %arg15: memref<!tpu.dma_semaphore, #tpu.memory_space<semaphore_mem>>) attributes {dimension_semantics = [#tpu.dimension_semantics<core_parallel>, #tpu.dimension_semantics<subcore_parallel>], iteration_bounds = array<i64: 2, 16>, scalar_prefetch = 0 : i64, scratch_operands = 11 : i64, tpu.core_type = #tpu.core_type<sc_vector_subcore>, window_params = [{transform_indices = #map}, {transform_indices = #map1}, {transform_indices = #map1}]} {
    %mul3A = arith.constant 2 : i32
    %mul3A_0 = arith.muli %arg1, %mul3A : i32
    %add3A = arith.addi %mul3A_0, %arg0 : i32
    %mul3A_1 = arith.constant 256 : i32
    %mul3A_2 = arith.muli %add3A, %mul3A_1 : i32
    %add3A_3 = arith.constant 0 : i32
    %add3A_4 = arith.addi %mul3A_2, %add3A_3 : i32
    %mul3A_5 = arith.constant 200 : i32
    %mul3A_6 = arith.muli %add3A_4, %mul3A_5 : i32
    %dma_start3A = arith.constant 0 : i32
    %dma_start3A_7 = tpu.memref_slice %arg5[%dma_start3A] : memref<208xi32, #tpu.memory_space<vmem>> -> memref<200xi32, #tpu.memory_space<vmem>>
    %dma_start3A_8 = tpu.memref_slice %arg2[%mul3A_6] : memref<1638400xi32, #tpu.memory_space<hbm>> -> memref<200xi32, #tpu.memory_space<hbm>>
    %dma_start3A_9 = arith.constant 0 : i32
    %dma_start3A_10 = tpu.memref_slice %arg5[%dma_start3A_9] : memref<208xi32, #tpu.memory_space<vmem>> -> memref<200xi32, #tpu.memory_space<vmem>>
    %dma_start3A_11 = tpu.memref_slice %arg2[%mul3A_6] : memref<1638400xi32, #tpu.memory_space<hbm>> -> memref<200xi32, #tpu.memory_space<hbm>>
    tpu.enqueue_dma source(%dma_start3A_11 : memref<200xi32, #tpu.memory_space<hbm>>) target(%dma_start3A_10 : memref<200xi32, #tpu.memory_space<vmem>>) target_semaphore(%arg12 : memref<!tpu.dma_semaphore, #tpu.memory_space<semaphore_mem>>)
    %add3A_12 = arith.constant 0 : i32
    %add3A_13 = arith.addi %mul3A_2, %add3A_12 : i32
    %mul3A_14 = arith.constant 200 : i32
    %mul3A_15 = arith.muli %add3A_13, %mul3A_14 : i32
    %dma_wait3A = arith.constant 0 : i32
    %dma_wait3A_16 = tpu.memref_slice %arg5[%dma_wait3A] : memref<208xi32, #tpu.memory_space<vmem>> -> memref<200xi32, #tpu.memory_space<vmem>>
    %dma_wait3A_17 = tpu.memref_slice %arg2[%mul3A_15] : memref<1638400xi32, #tpu.memory_space<hbm>> -> memref<200xi32, #tpu.memory_space<hbm>>
    %dma_wait3A_18 = arith.constant 0 : i32
    %dma_wait3A_19 = tpu.memref_slice %arg5[%dma_wait3A_18] : memref<208xi32, #tpu.memory_space<vmem>> -> memref<200xi32, #tpu.memory_space<vmem>>
    %dma_wait3A_20 = tpu.memref_slice %arg2[%mul3A_15] : memref<1638400xi32, #tpu.memory_space<hbm>> -> memref<200xi32, #tpu.memory_space<hbm>>
    tpu.wait_dma2 semaphore(%arg12 : memref<!tpu.dma_semaphore, #tpu.memory_space<semaphore_mem>>) src(%dma_wait3A_20 : memref<200xi32, #tpu.memory_space<hbm>>) dst(%dma_wait3A_19 : memref<200xi32, #tpu.memory_space<vmem>>)
    %iota3A = tpu.iota {dimensions = array<i32: 0>} : vector<16xi32>
    %get3A = arith.constant 0 : index
    %get3A_21 = tpu.vector_load %arg5[%get3A] {strides = array<i32>} : memref<208xi32, #tpu.memory_space<vmem>>, vector<16xi32>,
    %get3A_22 = vector.shape_cast %get3A_21 : vector<16xi32> to vector<16xi32>
    %shift_right_logical3A = arith.constant 1 : i32
    %shift_right_logical3A_23 = vector.broadcast %shift_right_logical3A : i32 to vector<16xi32>
    %shift_right_logical3A_24 = arith.shrui %get3A_22, %shift_right_logical3A_23 : vector<16xi32>
    %swap3A = arith.constant 0 : index
    %swap3A_25 = tpu.vector_load %arg7[%swap3A] {strides = array<i32>} : memref<208xi32, #tpu.memory_space<vmem>>, vector<16xi32>,
    %swap3A_26 = vector.shape_cast %swap3A_25 : vector<16xi32> to vector<16xi32>
    %swap3A_27 = vector.shape_cast %shift_right_logical3A_24 : vector<16xi32> to vector<16xi32>
    tpu.vector_store %arg7[%swap3A], %swap3A_27 {strides = array<i32>} : memref<208xi32, #tpu.memory_space<vmem>>, vector<16xi32>,
    %get3A_28 = arith.constant 16 : index
    %get3A_29 = tpu.vector_load %arg5[%get3A_28] {strides = array<i32>} : memref<208xi32, #tpu.memory_space<vmem>>, vector<16xi32>,
    %get3A_30 = vector.shape_cast %get3A_29 : vector<16xi32> to vector<16xi32>
    %shift_right_logical3A_31 = arith.constant 1 : i32
    %shift_right_logical3A_32 = vector.broadcast %shift_right_logical3A_31 : i32 to vector<16xi32>
    %shift_right_logical3A_33 = arith.shrui %get3A_30, %shift_right_logical3A_32 : vector<16xi32>
    %swap3A_34 = arith.constant 16 : index
    %swap3A_35 = tpu.vector_load %arg7[%swap3A_34] {strides = array<i32>} : memref<208xi32, #tpu.memory_space<vmem>>, vector<16xi32>,
    %swap3A_36 = vector.shape_cast %swap3A_35 : vector<16xi32> to vector<16xi32>
    %swap3A_37 = vector.shape_cast %shift_right_logical3A_33 : vector<16xi32> to vector<16xi32>
    tpu.vector_store %arg7[%swap3A_34], %swap3A_37 {strides = array<i32>} : memref<208xi32, #tpu.memory_space<vmem>>, vector<16xi32>,
    %get3A_38 = arith.constant 32 : index
    %get3A_39 = tpu.vector_load %arg5[%get3A_38] {strides = array<i32>} : memref<208xi32, #tpu.memory_space<vmem>>, vector<16xi32>,
    %get3A_40 = vector.shape_cast %get3A_39 : vector<16xi32> to vector<16xi32>
    %shift_right_logical3A_41 = arith.constant 1 : i32
    %shift_right_logical3A_42 = vector.broadcast %shift_right_logical3A_41 : i32 to vector<16xi32>
    %shift_right_logical3A_43 = arith.shrui %get3A_40, %shift_right_logical3A_42 : vector<16xi32>
    %swap3A_44 = arith.constant 32 : index
    %swap3A_45 = tpu.vector_load %arg7[%swap3A_44] {strides = array<i32>} : memref<208xi32, #tpu.memory_space<vmem>>, vector<16xi32>,
    %swap3A_46 = vector.shape_cast %swap3A_45 : vector<16xi32> to vector<16xi32>
    %swap3A_47 = vector.shape_cast %shift_right_logical3A_43 : vector<16xi32> to vector<16xi32>
    tpu.vector_store %arg7[%swap3A_44], %swap3A_47 {strides = array<i32>} : memref<208xi32, #tpu.memory_space<vmem>>, vector<16xi32>,
    %get3A_48 = arith.constant 48 : index
    %get3A_49 = tpu.vector_load %arg5[%get3A_48] {strides = array<i32>} : memref<208xi32, #tpu.memory_space<vmem>>, vector<16xi32>,
    %get3A_50 = vector.shape_cast %get3A_49 : vector<16xi32> to vector<16xi32>
    %shift_right_logical3A_51 = arith.constant 1 : i32
    %shift_right_logical3A_52 = vector.broadcast %shift_right_logical3A_51 : i32 to vector<16xi32>
    %shift_right_logical3A_53 = arith.shrui %get3A_50, %shift_right_logical3A_52 : vector<16xi32>
    %swap3A_54 = arith.constant 48 : index
    %swap3A_55 = tpu.vector_load %arg7[%swap3A_54] {strides = array<i32>} : memref<208xi32, #tpu.memory_space<vmem>>, vector<16xi32>,
    %swap3A_56 = vector.shape_cast %swap3A_55 : vector<16xi32> to vector<16xi32>
    %swap3A_57 = vector.shape_cast %shift_right_logical3A_53 : vector<16xi32> to vector<16xi32>
    tpu.vector_store %arg7[%swap3A_54], %swap3A_57 {strides = array<i32>} : memref<208xi32, #tpu.memory_space<vmem>>, vector<16xi32>,
    %get3A_58 = arith.constant 64 : index
    %get3A_59 = tpu.vector_load %arg5[%get3A_58] {strides = array<i32>} : memref<208xi32, #tpu.memory_space<vmem>>, vector<16xi32>,
    %get3A_60 = vector.shape_cast %get3A_59 : vector<16xi32> to vector<16xi32>
    %shift_right_logical3A_61 = arith.constant 1 : i32
    %shift_right_logical3A_62 = vector.broadcast %shift_right_logical3A_61 : i32 to vector<16xi32>
    %shift_right_logical3A_63 = arith.shrui %get3A_60, %shift_right_logical3A_62 : vector<16xi32>
    %swap3A_64 = arith.constant 64 : index
    %swap3A_65 = tpu.vector_load %arg7[%swap3A_64] {strides = array<i32>} : memref<208xi32, #tpu.memory_space<vmem>>, vector<16xi32>,
    %swap3A_66 = vector.shape_cast %swap3A_65 : vector<16xi32> to vector<16xi32>
    %swap3A_67 = vector.shape_cast %shift_right_logical3A_63 : vector<16xi32> to vector<16xi32>
    tpu.vector_store %arg7[%swap3A_64], %swap3A_67 {strides = array<i32>} : memref<208xi32, #tpu.memory_space<vmem>>, vector<16xi32>,
    %get3A_68 = arith.constant 80 : index
    %get3A_69 = tpu.vector_load %arg5[%get3A_68] {strides = array<i32>} : memref<208xi32, #tpu.memory_space<vmem>>, vector<16xi32>,
    %get3A_70 = vector.shape_cast %get3A_69 : vector<16xi32> to vector<16xi32>
    %shift_right_logical3A_71 = arith.constant 1 : i32
    %shift_right_logical3A_72 = vector.broadcast %shift_right_logical3A_71 : i32 to vector<16xi32>
    %shift_right_logical3A_73 = arith.shrui %get3A_70, %shift_right_logical3A_72 : vector<16xi32>
    %swap3A_74 = arith.constant 80 : index
    %swap3A_75 = tpu.vector_load %arg7[%swap3A_74] {strides = array<i32>} : memref<208xi32, #tpu.memory_space<vmem>>, vector<16xi32>,
    %swap3A_76 = vector.shape_cast %swap3A_75 : vector<16xi32> to vector<16xi32>
    %swap3A_77 = vector.shape_cast %shift_right_logical3A_73 : vector<16xi32> to vector<16xi32>
    tpu.vector_store %arg7[%swap3A_74], %swap3A_77 {strides = array<i32>} : memref<208xi32, #tpu.memory_space<vmem>>, vector<16xi32>,
    %get3A_78 = arith.constant 96 : index
    %get3A_79 = tpu.vector_load %arg5[%get3A_78] {strides = array<i32>} : memref<208xi32, #tpu.memory_space<vmem>>, vector<16xi32>,
    %get3A_80 = vector.shape_cast %get3A_79 : vector<16xi32> to vector<16xi32>
    %shift_right_logical3A_81 = arith.constant 1 : i32
    %shift_right_logical3A_82 = vector.broadcast %shift_right_logical3A_81 : i32 to vector<16xi32>
    %shift_right_logical3A_83 = arith.shrui %get3A_80, %shift_right_logical3A_82 : vector<16xi32>
    %swap3A_84 = arith.constant 96 : index
    %swap3A_85 = tpu.vector_load %arg7[%swap3A_84] {strides = array<i32>} : memref<208xi32, #tpu.memory_space<vmem>>, vector<16xi32>,
    %swap3A_86 = vector.shape_cast %swap3A_85 : vector<16xi32> to vector<16xi32>
    %swap3A_87 = vector.shape_cast %shift_right_logical3A_83 : vector<16xi32> to vector<16xi32>
    tpu.vector_store %arg7[%swap3A_84], %swap3A_87 {strides = array<i32>} : memref<208xi32, #tpu.memory_space<vmem>>, vector<16xi32>,
    %get3A_88 = arith.constant 112 : index
    %get3A_89 = tpu.vector_load %arg5[%get3A_88] {strides = array<i32>} : memref<208xi32, #tpu.memory_space<vmem>>, vector<16xi32>,
    %get3A_90 = vector.shape_cast %get3A_89 : vector<16xi32> to vector<16xi32>
    %shift_right_logical3A_91 = arith.constant 1 : i32
    %shift_right_logical3A_92 = vector.broadcast %shift_right_logical3A_91 : i32 to vector<16xi32>
    %shift_right_logical3A_93 = arith.shrui %get3A_90, %shift_right_logical3A_92 : vector<16xi32>
    %swap3A_94 = arith.constant 112 : index
    %swap3A_95 = tpu.vector_load %arg7[%swap3A_94] {strides = array<i32>} : memref<208xi32, #tpu.memory_space<vmem>>, vector<16xi32>,
    %swap3A_96 = vector.shape_cast %swap3A_95 : vector<16xi32> to vector<16xi32>
    %swap3A_97 = vector.shape_cast %shift_right_logical3A_93 : vector<16xi32> to vector<16xi32>
    tpu.vector_store %arg7[%swap3A_94], %swap3A_97 {strides = array<i32>} : memref<208xi32, #tpu.memory_space<vmem>>, vector<16xi32>,
    %get3A_98 = arith.constant 128 : index
    %get3A_99 = tpu.vector_load %arg5[%get3A_98] {strides = array<i32>} : memref<208xi32, #tpu.memory_space<vmem>>, vector<16xi32>,
    %get3A_100 = vector.shape_cast %get3A_99 : vector<16xi32> to vector<16xi32>
    %shift_right_logical3A_101 = arith.constant 1 : i32
    %shift_right_logical3A_102 = vector.broadcast %shift_right_logical3A_101 : i32 to vector<16xi32>
    %shift_right_logical3A_103 = arith.shrui %get3A_100, %shift_right_logical3A_102 : vector<16xi32>
    %swap3A_104 = arith.constant 128 : index
    %swap3A_105 = tpu.vector_load %arg7[%swap3A_104] {strides = array<i32>} : memref<208xi32, #tpu.memory_space<vmem>>, vector<16xi32>,
    %swap3A_106 = vector.shape_cast %swap3A_105 : vector<16xi32> to vector<16xi32>
    %swap3A_107 = vector.shape_cast %shift_right_logical3A_103 : vector<16xi32> to vector<16xi32>
    tpu.vector_store %arg7[%swap3A_104], %swap3A_107 {strides = array<i32>} : memref<208xi32, #tpu.memory_space<vmem>>, vector<16xi32>,
    %get3A_108 = arith.constant 144 : index
    %get3A_109 = tpu.vector_load %arg5[%get3A_108] {strides = array<i32>} : memref<208xi32, #tpu.memory_space<vmem>>, vector<16xi32>,
    %get3A_110 = vector.shape_cast %get3A_109 : vector<16xi32> to vector<16xi32>
    %shift_right_logical3A_111 = arith.constant 1 : i32
    %shift_right_logical3A_112 = vector.broadcast %shift_right_logical3A_111 : i32 to vector<16xi32>
    %shift_right_logical3A_113 = arith.shrui %get3A_110, %shift_right_logical3A_112 : vector<16xi32>
    %swap3A_114 = arith.constant 144 : index
    %swap3A_115 = tpu.vector_load %arg7[%swap3A_114] {strides = array<i32>} : memref<208xi32, #tpu.memory_space<vmem>>, vector<16xi32>,
    %swap3A_116 = vector.shape_cast %swap3A_115 : vector<16xi32> to vector<16xi32>
    %swap3A_117 = vector.shape_cast %shift_right_logical3A_113 : vector<16xi32> to vector<16xi32>
    tpu.vector_store %arg7[%swap3A_114], %swap3A_117 {strides = array<i32>} : memref<208xi32, #tpu.memory_space<vmem>>, vector<16xi32>,
    %get3A_118 = arith.constant 160 : index
    %get3A_119 = tpu.vector_load %arg5[%get3A_118] {strides = array<i32>} : memref<208xi32, #tpu.memory_space<vmem>>, vector<16xi32>,
    %get3A_120 = vector.shape_cast %get3A_119 : vector<16xi32> to vector<16xi32>
    %shift_right_logical3A_121 = arith.constant 1 : i32
    %shift_right_logical3A_122 = vector.broadcast %shift_right_logical3A_121 : i32 to vector<16xi32>
    %shift_right_logical3A_123 = arith.shrui %get3A_120, %shift_right_logical3A_122 : vector<16xi32>
    %swap3A_124 = arith.constant 160 : index
    %swap3A_125 = tpu.vector_load %arg7[%swap3A_124] {strides = array<i32>} : memref<208xi32, #tpu.memory_space<vmem>>, vector<16xi32>,
    %swap3A_126 = vector.shape_cast %swap3A_125 : vector<16xi32> to vector<16xi32>
    %swap3A_127 = vector.shape_cast %shift_right_logical3A_123 : vector<16xi32> to vector<16xi32>
    tpu.vector_store %arg7[%swap3A_124], %swap3A_127 {strides = array<i32>} : memref<208xi32, #tpu.memory_space<vmem>>, vector<16xi32>,
    %get3A_128 = arith.constant 176 : index
    %get3A_129 = tpu.vector_load %arg5[%get3A_128] {strides = array<i32>} : memref<208xi32, #tpu.memory_space<vmem>>, vector<16xi32>,
    %get3A_130 = vector.shape_cast %get3A_129 : vector<16xi32> to vector<16xi32>
    %shift_right_logical3A_131 = arith.constant 1 : i32
    %shift_right_logical3A_132 = vector.broadcast %shift_right_logical3A_131 : i32 to vector<16xi32>
    %shift_right_logical3A_133 = arith.shrui %get3A_130, %shift_right_logical3A_132 : vector<16xi32>
    %swap3A_134 = arith.constant 176 : index
    %swap3A_135 = tpu.vector_load %arg7[%swap3A_134] {strides = array<i32>} : memref<208xi32, #tpu.memory_space<vmem>>, vector<16xi32>,
    %swap3A_136 = vector.shape_cast %swap3A_135 : vector<16xi32> to vector<16xi32>
    %swap3A_137 = vector.shape_cast %shift_right_logical3A_133 : vector<16xi32> to vector<16xi32>
    tpu.vector_store %arg7[%swap3A_134], %swap3A_137 {strides = array<i32>} : memref<208xi32, #tpu.memory_space<vmem>>, vector<16xi32>,
    %get3A_138 = arith.constant 192 : index
    %get3A_139 = tpu.vector_load %arg5[%get3A_138] {strides = array<i32>} : memref<208xi32, #tpu.memory_space<vmem>>, vector<16xi32>,
    %get3A_140 = vector.shape_cast %get3A_139 : vector<16xi32> to vector<16xi32>
    %shift_right_logical3A_141 = arith.constant 1 : i32
    %shift_right_logical3A_142 = vector.broadcast %shift_right_logical3A_141 : i32 to vector<16xi32>
    %shift_right_logical3A_143 = arith.shrui %get3A_140, %shift_right_logical3A_142 : vector<16xi32>
    %lt3A = arith.constant 8 : i32
    %lt3A_144 = vector.broadcast %lt3A : i32 to vector<16xi32>
    %lt3A_145 = arith.cmpi slt, %iota3A, %lt3A_144 : vector<16xi32>
    %jit3A = arith.constant 0 : i32
    %broadcast_in_dim3A = vector.broadcast %jit3A : i32 to vector<16xi32>
    %select_n3A = arith.select %lt3A_145, %shift_right_logical3A_143, %broadcast_in_dim3A : vector<16xi1>, vector<16xi32>
    %swap3A_146 = arith.constant 192 : index
    %swap3A_147 = tpu.vector_load %arg7[%swap3A_146] {strides = array<i32>} : memref<208xi32, #tpu.memory_space<vmem>>, vector<16xi32>,
    %swap3A_148 = vector.shape_cast %swap3A_147 : vector<16xi32> to vector<16xi32>
    %swap3A_149 = vector.shape_cast %select_n3A : vector<16xi32> to vector<16xi32>
    tpu.vector_store %arg7[%swap3A_146], %swap3A_149 {strides = array<i32>} : memref<208xi32, #tpu.memory_space<vmem>>, vector<16xi32>,
    %dma_start3A_150 = arith.constant 0 : i32
    %dma_start3A_151 = arith.constant 0 : i32
    %dma_start3A_152 = tpu.memref_slice %arg3[%dma_start3A_150, %dma_start3A_151] : memref<500000x128xf32, #tpu.memory_space<hbm>> -> memref<500000x128xf32, #tpu.memory_space<hbm>>
    tpu.enqueue_indirect_dma source(%dma_start3A_152 : memref<500000x128xf32, #tpu.memory_space<hbm>>) target(%arg9 : memref<208x128xf32, #tpu.memory_space<vmem>>) offsets(%arg7 : memref<208xi32, #tpu.memory_space<vmem>>) semaphore(%arg14 : memref<!tpu.dma_semaphore, #tpu.memory_space<semaphore_mem>>)
    %add3A_153 = arith.constant 1 : i32
    %add3A_154 = arith.addi %mul3A_2, %add3A_153 : i32
    %mul3A_155 = arith.constant 200 : i32
    %mul3A_156 = arith.muli %add3A_154, %mul3A_155 : i32
    %dma_start3A_157 = arith.constant 0 : i32
    %dma_start3A_158 = tpu.memref_slice %arg6[%dma_start3A_157] : memref<208xi32, #tpu.memory_space<vmem>> -> memref<200xi32, #tpu.memory_space<vmem>>
    %dma_start3A_159 = tpu.memref_slice %arg2[%mul3A_156] : memref<1638400xi32, #tpu.memory_space<hbm>> -> memref<200xi32, #tpu.memory_space<hbm>>
    %dma_start3A_160 = arith.constant 0 : i32
    %dma_start3A_161 = tpu.memref_slice %arg6[%dma_start3A_160] : memref<208xi32, #tpu.memory_space<vmem>> -> memref<200xi32, #tpu.memory_space<vmem>>
    %dma_start3A_162 = tpu.memref_slice %arg2[%mul3A_156] : memref<1638400xi32, #tpu.memory_space<hbm>> -> memref<200xi32, #tpu.memory_space<hbm>>
    tpu.enqueue_dma source(%dma_start3A_162 : memref<200xi32, #tpu.memory_space<hbm>>) target(%dma_start3A_161 : memref<200xi32, #tpu.memory_space<vmem>>) target_semaphore(%arg13 : memref<!tpu.dma_semaphore, #tpu.memory_space<semaphore_mem>>)
    %scan3A = arith.constant 0 : i32
    %scan3A_163 = arith.constant 0 : i32
    %scan3A_164 = arith.constant 128 : i32
    %scan3A_165 = arith.addi %scan3A_163, %scan3A_164 : i32
    %scan3A_166 = arith.constant 1 : i32
    %scan3A_167 = scf.for %scan3A_169 = %scan3A_163 to %scan3A_165 step %scan3A_166 iter_args(%scan3A_170 = %scan3A) -> (i32)  : i32 {
      %mul3A_171 = arith.constant 2 : i32
      %mul3A_172 = arith.muli %mul3A_171, %scan3A_169 : i32
      %mul3A_173 = arith.constant 2 : i32
      %mul3A_174 = arith.muli %mul3A_173, %scan3A_169 : i32
      %add3A_175 = arith.constant 1 : i32
      %add3A_176 = arith.addi %mul3A_174, %add3A_175 : i32
      %dma_wait3A_177 = arith.constant 0 : i32
      %dma_wait3A_178 = arith.constant 0 : i32
      %dma_wait3A_179 = tpu.memref_slice %arg3[%dma_wait3A_177, %dma_wait3A_178] : memref<500000x128xf32, #tpu.memory_space<hbm>> -> memref<500000x128xf32, #tpu.memory_space<hbm>>
      tpu.wait_indirect_dma semaphore(%arg14 : memref<!tpu.dma_semaphore, #tpu.memory_space<semaphore_mem>>) src(%dma_wait3A_179 : memref<500000x128xf32, #tpu.memory_space<hbm>>) dst(%arg9 : memref<208x128xf32, #tpu.memory_space<vmem>>)
      %add3A_180 = arith.addi %mul3A_2, %add3A_176 : i32
      %mul3A_181 = arith.constant 200 : i32
      %mul3A_182 = arith.muli %add3A_180, %mul3A_181 : i32
      %dma_wait3A_183 = arith.constant 0 : i32
      %dma_wait3A_184 = tpu.memref_slice %arg6[%dma_wait3A_183] : memref<208xi32, #tpu.memory_space<vmem>> -> memref<200xi32, #tpu.memory_space<vmem>>
      %dma_wait3A_185 = tpu.memref_slice %arg2[%mul3A_182] : memref<1638400xi32, #tpu.memory_space<hbm>> -> memref<200xi32, #tpu.memory_space<hbm>>
      %dma_wait3A_186 = arith.constant 0 : i32
      %dma_wait3A_187 = tpu.memref_slice %arg6[%dma_wait3A_186] : memref<208xi32, #tpu.memory_space<vmem>> -> memref<200xi32, #tpu.memory_space<vmem>>
      %dma_wait3A_188 = tpu.memref_slice %arg2[%mul3A_182] : memref<1638400xi32, #tpu.memory_space<hbm>> -> memref<200xi32, #tpu.memory_space<hbm>>
      tpu.wait_dma2 semaphore(%arg13 : memref<!tpu.dma_semaphore, #tpu.memory_space<semaphore_mem>>) src(%dma_wait3A_188 : memref<200xi32, #tpu.memory_space<hbm>>) dst(%dma_wait3A_187 : memref<200xi32, #tpu.memory_space<vmem>>)
      %iota3A_189 = tpu.iota {dimensions = array<i32: 0>} : vector<16xi32>
      %get3A_190 = arith.constant 0 : index
      %get3A_191 = tpu.vector_load %arg6[%get3A_190] {strides = array<i32>} : memref<208xi32, #tpu.memory_space<vmem>>, vector<16xi32>,
      %get3A_192 = vector.shape_cast %get3A_191 : vector<16xi32> to vector<16xi32>
      %shift_right_logical3A_193 = arith.constant 1 : i32
      %shift_right_logical3A_194 = vector.broadcast %shift_right_logical3A_193 : i32 to vector<16xi32>
      %shift_right_logical3A_195 = arith.shrui %get3A_192, %shift_right_logical3A_194 : vector<16xi32>
      %swap3A_196 = arith.constant 0 : index
      %swap3A_197 = tpu.vector_load %arg8[%swap3A_196] {strides = array<i32>} : memref<208xi32, #tpu.memory_space<vmem>>, vector<16xi32>,
      %swap3A_198 = vector.shape_cast %swap3A_197 : vector<16xi32> to vector<16xi32>
      %swap3A_199 = vector.shape_cast %shift_right_logical3A_195 : vector<16xi32> to vector<16xi32>
      tpu.vector_store %arg8[%swap3A_196], %swap3A_199 {strides = array<i32>} : memref<208xi32, #tpu.memory_space<vmem>>, vector<16xi32>,
      %get3A_200 = arith.constant 16 : index
      %get3A_201 = tpu.vector_load %arg6[%get3A_200] {strides = array<i32>} : memref<208xi32, #tpu.memory_space<vmem>>, vector<16xi32>,
      %get3A_202 = vector.shape_cast %get3A_201 : vector<16xi32> to vector<16xi32>
      %shift_right_logical3A_203 = arith.constant 1 : i32
      %shift_right_logical3A_204 = vector.broadcast %shift_right_logical3A_203 : i32 to vector<16xi32>
      %shift_right_logical3A_205 = arith.shrui %get3A_202, %shift_right_logical3A_204 : vector<16xi32>
      %swap3A_206 = arith.constant 16 : index
      %swap3A_207 = tpu.vector_load %arg8[%swap3A_206] {strides = array<i32>} : memref<208xi32, #tpu.memory_space<vmem>>, vector<16xi32>,
      %swap3A_208 = vector.shape_cast %swap3A_207 : vector<16xi32> to vector<16xi32>
      %swap3A_209 = vector.shape_cast %shift_right_logical3A_205 : vector<16xi32> to vector<16xi32>
      tpu.vector_store %arg8[%swap3A_206], %swap3A_209 {strides = array<i32>} : memref<208xi32, #tpu.memory_space<vmem>>, vector<16xi32>,
      %get3A_210 = arith.constant 32 : index
      %get3A_211 = tpu.vector_load %arg6[%get3A_210] {strides = array<i32>} : memref<208xi32, #tpu.memory_space<vmem>>, vector<16xi32>,
      %get3A_212 = vector.shape_cast %get3A_211 : vector<16xi32> to vector<16xi32>
      %shift_right_logical3A_213 = arith.constant 1 : i32
      %shift_right_logical3A_214 = vector.broadcast %shift_right_logical3A_213 : i32 to vector<16xi32>
      %shift_right_logical3A_215 = arith.shrui %get3A_212, %shift_right_logical3A_214 : vector<16xi32>
      %swap3A_216 = arith.constant 32 : index
      %swap3A_217 = tpu.vector_load %arg8[%swap3A_216] {strides = array<i32>} : memref<208xi32, #tpu.memory_space<vmem>>, vector<16xi32>,
      %swap3A_218 = vector.shape_cast %swap3A_217 : vector<16xi32> to vector<16xi32>
      %swap3A_219 = vector.shape_cast %shift_right_logical3A_215 : vector<16xi32> to vector<16xi32>
      tpu.vector_store %arg8[%swap3A_216], %swap3A_219 {strides = array<i32>} : memref<208xi32, #tpu.memory_space<vmem>>, vector<16xi32>,
      %get3A_220 = arith.constant 48 : index
      %get3A_221 = tpu.vector_load %arg6[%get3A_220] {strides = array<i32>} : memref<208xi32, #tpu.memory_space<vmem>>, vector<16xi32>,
      %get3A_222 = vector.shape_cast %get3A_221 : vector<16xi32> to vector<16xi32>
      %shift_right_logical3A_223 = arith.constant 1 : i32
      %shift_right_logical3A_224 = vector.broadcast %shift_right_logical3A_223 : i32 to vector<16xi32>
      %shift_right_logical3A_225 = arith.shrui %get3A_222, %shift_right_logical3A_224 : vector<16xi32>
      %swap3A_226 = arith.constant 48 : index
      %swap3A_227 = tpu.vector_load %arg8[%swap3A_226] {strides = array<i32>} : memref<208xi32, #tpu.memory_space<vmem>>, vector<16xi32>,
      %swap3A_228 = vector.shape_cast %swap3A_227 : vector<16xi32> to vector<16xi32>
      %swap3A_229 = vector.shape_cast %shift_right_logical3A_225 : vector<16xi32> to vector<16xi32>
      tpu.vector_store %arg8[%swap3A_226], %swap3A_229 {strides = array<i32>} : memref<208xi32, #tpu.memory_space<vmem>>, vector<16xi32>,
      %get3A_230 = arith.constant 64 : index
      %get3A_231 = tpu.vector_load %arg6[%get3A_230] {strides = array<i32>} : memref<208xi32, #tpu.memory_space<vmem>>, vector<16xi32>,
      %get3A_232 = vector.shape_cast %get3A_231 : vector<16xi32> to vector<16xi32>
      %shift_right_logical3A_233 = arith.constant 1 : i32
      %shift_right_logical3A_234 = vector.broadcast %shift_right_logical3A_233 : i32 to vector<16xi32>
      %shift_right_logical3A_235 = arith.shrui %get3A_232, %shift_right_logical3A_234 : vector<16xi32>
      %swap3A_236 = arith.constant 64 : index
      %swap3A_237 = tpu.vector_load %arg8[%swap3A_236] {strides = array<i32>} : memref<208xi32, #tpu.memory_space<vmem>>, vector<16xi32>,
      %swap3A_238 = vector.shape_cast %swap3A_237 : vector<16xi32> to vector<16xi32>
      %swap3A_239 = vector.shape_cast %shift_right_logical3A_235 : vector<16xi32> to vector<16xi32>
      tpu.vector_store %arg8[%swap3A_236], %swap3A_239 {strides = array<i32>} : memref<208xi32, #tpu.memory_space<vmem>>, vector<16xi32>,
      %get3A_240 = arith.constant 80 : index
      %get3A_241 = tpu.vector_load %arg6[%get3A_240] {strides = array<i32>} : memref<208xi32, #tpu.memory_space<vmem>>, vector<16xi32>,
      %get3A_242 = vector.shape_cast %get3A_241 : vector<16xi32> to vector<16xi32>
      %shift_right_logical3A_243 = arith.constant 1 : i32
      %shift_right_logical3A_244 = vector.broadcast %shift_right_logical3A_243 : i32 to vector<16xi32>
      %shift_right_logical3A_245 = arith.shrui %get3A_242, %shift_right_logical3A_244 : vector<16xi32>
      %swap3A_246 = arith.constant 80 : index
      %swap3A_247 = tpu.vector_load %arg8[%swap3A_246] {strides = array<i32>} : memref<208xi32, #tpu.memory_space<vmem>>, vector<16xi32>,
      %swap3A_248 = vector.shape_cast %swap3A_247 : vector<16xi32> to vector<16xi32>
      %swap3A_249 = vector.shape_cast %shift_right_logical3A_245 : vector<16xi32> to vector<16xi32>
      tpu.vector_store %arg8[%swap3A_246], %swap3A_249 {strides = array<i32>} : memref<208xi32, #tpu.memory_space<vmem>>, vector<16xi32>,
      %get3A_250 = arith.constant 96 : index
      %get3A_251 = tpu.vector_load %arg6[%get3A_250] {strides = array<i32>} : memref<208xi32, #tpu.memory_space<vmem>>, vector<16xi32>,
      %get3A_252 = vector.shape_cast %get3A_251 : vector<16xi32> to vector<16xi32>
      %shift_right_logical3A_253 = arith.constant 1 : i32
      %shift_right_logical3A_254 = vector.broadcast %shift_right_logical3A_253 : i32 to vector<16xi32>
      %shift_right_logical3A_255 = arith.shrui %get3A_252, %shift_right_logical3A_254 : vector<16xi32>
      %swap3A_256 = arith.constant 96 : index
      %swap3A_257 = tpu.vector_load %arg8[%swap3A_256] {strides = array<i32>} : memref<208xi32, #tpu.memory_space<vmem>>, vector<16xi32>,
      %swap3A_258 = vector.shape_cast %swap3A_257 : vector<16xi32> to vector<16xi32>
      %swap3A_259 = vector.shape_cast %shift_right_logical3A_255 : vector<16xi32> to vector<16xi32>
      tpu.vector_store %arg8[%swap3A_256], %swap3A_259 {strides = array<i32>} : memref<208xi32, #tpu.memory_space<vmem>>, vector<16xi32>,
      %get3A_260 = arith.constant 112 : index
      %get3A_261 = tpu.vector_load %arg6[%get3A_260] {strides = array<i32>} : memref<208xi32, #tpu.memory_space<vmem>>, vector<16xi32>,
      %get3A_262 = vector.shape_cast %get3A_261 : vector<16xi32> to vector<16xi32>
      %shift_right_logical3A_263 = arith.constant 1 : i32
      %shift_right_logical3A_264 = vector.broadcast %shift_right_logical3A_263 : i32 to vector<16xi32>
      %shift_right_logical3A_265 = arith.shrui %get3A_262, %shift_right_logical3A_264 : vector<16xi32>
      %swap3A_266 = arith.constant 112 : index
      %swap3A_267 = tpu.vector_load %arg8[%swap3A_266] {strides = array<i32>} : memref<208xi32, #tpu.memory_space<vmem>>, vector<16xi32>,
      %swap3A_268 = vector.shape_cast %swap3A_267 : vector<16xi32> to vector<16xi32>
      %swap3A_269 = vector.shape_cast %shift_right_logical3A_265 : vector<16xi32> to vector<16xi32>
      tpu.vector_store %arg8[%swap3A_266], %swap3A_269 {strides = array<i32>} : memref<208xi32, #tpu.memory_space<vmem>>, vector<16xi32>,
      %get3A_270 = arith.constant 128 : index
      %get3A_271 = tpu.vector_load %arg6[%get3A_270] {strides = array<i32>} : memref<208xi32, #tpu.memory_space<vmem>>, vector<16xi32>,
      %get3A_272 = vector.shape_cast %get3A_271 : vector<16xi32> to vector<16xi32>
      %shift_right_logical3A_273 = arith.constant 1 : i32
      %shift_right_logical3A_274 = vector.broadcast %shift_right_logical3A_273 : i32 to vector<16xi32>
      %shift_right_logical3A_275 = arith.shrui %get3A_272, %shift_right_logical3A_274 : vector<16xi32>
      %swap3A_276 = arith.constant 128 : index
      %swap3A_277 = tpu.vector_load %arg8[%swap3A_276] {strides = array<i32>} : memref<208xi32, #tpu.memory_space<vmem>>, vector<16xi32>,
      %swap3A_278 = vector.shape_cast %swap3A_277 : vector<16xi32> to vector<16xi32>
      %swap3A_279 = vector.shape_cast %shift_right_logical3A_275 : vector<16xi32> to vector<16xi32>
      tpu.vector_store %arg8[%swap3A_276], %swap3A_279 {strides = array<i32>} : memref<208xi32, #tpu.memory_space<vmem>>, vector<16xi32>,
      %get3A_280 = arith.constant 144 : index
      %get3A_281 = tpu.vector_load %arg6[%get3A_280] {strides = array<i32>} : memref<208xi32, #tpu.memory_space<vmem>>, vector<16xi32>,
      %get3A_282 = vector.shape_cast %get3A_281 : vector<16xi32> to vector<16xi32>
      %shift_right_logical3A_283 = arith.constant 1 : i32
      %shift_right_logical3A_284 = vector.broadcast %shift_right_logical3A_283 : i32 to vector<16xi32>
      %shift_right_logical3A_285 = arith.shrui %get3A_282, %shift_right_logical3A_284 : vector<16xi32>
      %swap3A_286 = arith.constant 144 : index
      %swap3A_287 = tpu.vector_load %arg8[%swap3A_286] {strides = array<i32>} : memref<208xi32, #tpu.memory_space<vmem>>, vector<16xi32>,
      %swap3A_288 = vector.shape_cast %swap3A_287 : vector<16xi32> to vector<16xi32>
      %swap3A_289 = vector.shape_cast %shift_right_logical3A_285 : vector<16xi32> to vector<16xi32>
      tpu.vector_store %arg8[%swap3A_286], %swap3A_289 {strides = array<i32>} : memref<208xi32, #tpu.memory_space<vmem>>, vector<16xi32>,
      %get3A_290 = arith.constant 160 : index
      %get3A_291 = tpu.vector_load %arg6[%get3A_290] {strides = array<i32>} : memref<208xi32, #tpu.memory_space<vmem>>, vector<16xi32>,
      %get3A_292 = vector.shape_cast %get3A_291 : vector<16xi32> to vector<16xi32>
      %shift_right_logical3A_293 = arith.constant 1 : i32
      %shift_right_logical3A_294 = vector.broadcast %shift_right_logical3A_293 : i32 to vector<16xi32>
      %shift_right_logical3A_295 = arith.shrui %get3A_292, %shift_right_logical3A_294 : vector<16xi32>
      %swap3A_296 = arith.constant 160 : index
      %swap3A_297 = tpu.vector_load %arg8[%swap3A_296] {strides = array<i32>} : memref<208xi32, #tpu.memory_space<vmem>>, vector<16xi32>,
      %swap3A_298 = vector.shape_cast %swap3A_297 : vector<16xi32> to vector<16xi32>
      %swap3A_299 = vector.shape_cast %shift_right_logical3A_295 : vector<16xi32> to vector<16xi32>
      tpu.vector_store %arg8[%swap3A_296], %swap3A_299 {strides = array<i32>} : memref<208xi32, #tpu.memory_space<vmem>>, vector<16xi32>,
      %get3A_300 = arith.constant 176 : index
      %get3A_301 = tpu.vector_load %arg6[%get3A_300] {strides = array<i32>} : memref<208xi32, #tpu.memory_space<vmem>>, vector<16xi32>,
      %get3A_302 = vector.shape_cast %get3A_301 : vector<16xi32> to vector<16xi32>
      %shift_right_logical3A_303 = arith.constant 1 : i32
      %shift_right_logical3A_304 = vector.broadcast %shift_right_logical3A_303 : i32 to vector<16xi32>
      %shift_right_logical3A_305 = arith.shrui %get3A_302, %shift_right_logical3A_304 : vector<16xi32>
      %swap3A_306 = arith.constant 176 : index
      %swap3A_307 = tpu.vector_load %arg8[%swap3A_306] {strides = array<i32>} : memref<208xi32, #tpu.memory_space<vmem>>, vector<16xi32>,
      %swap3A_308 = vector.shape_cast %swap3A_307 : vector<16xi32> to vector<16xi32>
      %swap3A_309 = vector.shape_cast %shift_right_logical3A_305 : vector<16xi32> to vector<16xi32>
      tpu.vector_store %arg8[%swap3A_306], %swap3A_309 {strides = array<i32>} : memref<208xi32, #tpu.memory_space<vmem>>, vector<16xi32>,
      %get3A_310 = arith.constant 192 : index
      %get3A_311 = tpu.vector_load %arg6[%get3A_310] {strides = array<i32>} : memref<208xi32, #tpu.memory_space<vmem>>, vector<16xi32>,
      %get3A_312 = vector.shape_cast %get3A_311 : vector<16xi32> to vector<16xi32>
      %shift_right_logical3A_313 = arith.constant 1 : i32
      %shift_right_logical3A_314 = vector.broadcast %shift_right_logical3A_313 : i32 to vector<16xi32>
      %shift_right_logical3A_315 = arith.shrui %get3A_312, %shift_right_logical3A_314 : vector<16xi32>
      %lt3A_316 = arith.constant 8 : i32
      %lt3A_317 = vector.broadcast %lt3A_316 : i32 to vector<16xi32>
      %lt3A_318 = arith.cmpi slt, %iota3A_189, %lt3A_317 : vector<16xi32>
      %jit3A_319 = arith.constant 0 : i32
      %broadcast_in_dim3A_320 = vector.broadcast %jit3A_319 : i32 to vector<16xi32>
      %select_n3A_321 = arith.select %lt3A_318, %shift_right_logical3A_315, %broadcast_in_dim3A_320 : vector<16xi1>, vector<16xi32>
      %swap3A_322 = arith.constant 192 : index
      %swap3A_323 = tpu.vector_load %arg8[%swap3A_322] {strides = array<i32>} : memref<208xi32, #tpu.memory_space<vmem>>, vector<16xi32>,
      %swap3A_324 = vector.shape_cast %swap3A_323 : vector<16xi32> to vector<16xi32>
      %swap3A_325 = vector.shape_cast %select_n3A_321 : vector<16xi32> to vector<16xi32>
      tpu.vector_store %arg8[%swap3A_322], %swap3A_325 {strides = array<i32>} : memref<208xi32, #tpu.memory_space<vmem>>, vector<16xi32>,
      %dma_start3A_326 = arith.constant 0 : i32
      %dma_start3A_327 = arith.constant 0 : i32
      %dma_start3A_328 = tpu.memref_slice %arg3[%dma_start3A_326, %dma_start3A_327] : memref<500000x128xf32, #tpu.memory_space<hbm>> -> memref<500000x128xf32, #tpu.memory_space<hbm>>
      tpu.enqueue_indirect_dma source(%dma_start3A_328 : memref<500000x128xf32, #tpu.memory_space<hbm>>) target(%arg10 : memref<208x128xf32, #tpu.memory_space<vmem>>) offsets(%arg8 : memref<208xi32, #tpu.memory_space<vmem>>) semaphore(%arg15 : memref<!tpu.dma_semaphore, #tpu.memory_space<semaphore_mem>>)
      %broadcast_in_dim3A_329 = arith.constant 0.000000e+00 : f32
      %broadcast_in_dim3A_330 = vector.broadcast %broadcast_in_dim3A_329 : f32 to vector<16xf32>
      %scan3A_331 = arith.constant 0 : i32
      %scan3A_332 = arith.constant 12 : i32
      %scan3A_333 = arith.addi %scan3A_331, %scan3A_332 : i32
      %scan3A_334 = arith.constant 1 : i32
      %scan3A_335:4 = scf.for %scan3A_935 = %scan3A_331 to %scan3A_333 step %scan3A_334 iter_args(%scan3A_936 = %broadcast_in_dim3A_330, %scan3A_937 = %broadcast_in_dim3A_330, %scan3A_938 = %broadcast_in_dim3A_330, %scan3A_939 = %broadcast_in_dim3A_330) -> (vector<16xf32>, vector<16xf32>, vector<16xf32>, vector<16xf32>)  : i32 {
        %mul3A_940 = arith.constant 16 : i32
        %mul3A_941 = arith.muli %scan3A_935, %mul3A_940 : i32
        %get3A_942 = arith.index_cast %mul3A_941 : i32 to index
        %get3A_943 = tpu.vector_load %arg5[%get3A_942] {strides = array<i32>} : memref<208xi32, #tpu.memory_space<vmem>>, vector<16xi32>,
        %get3A_944 = vector.shape_cast %get3A_943 : vector<16xi32> to vector<16xi32>
        %and3A_945 = arith.constant 1 : i32
        %and3A_946 = vector.broadcast %and3A_945 : i32 to vector<16xi32>
        %and3A_947 = arith.andi %get3A_944, %and3A_946 : vector<16xi32>
        %mul3A_948 = arith.constant 64 : i32
        %mul3A_949 = vector.broadcast %mul3A_948 : i32 to vector<16xi32>
        %mul3A_950 = arith.muli %and3A_947, %mul3A_949 : vector<16xi32>
        %mul3A_951 = arith.constant 16 : i32
        %mul3A_952 = arith.muli %scan3A_935, %mul3A_951 : i32
        %add3A_953 = arith.constant 0 : i32
        %add3A_954 = arith.addi %mul3A_952, %add3A_953 : i32
        %slice3A_955 = vector.extract_strided_slice %mul3A_950 {offsets = [0], sizes = [1], strides = [1]} : vector<16xi32> to vector<1xi32>
        %squeeze3A_956 = vector.extract %slice3A_955[0] : i32 from vector<1xi32>
        %get3A_957 = arith.index_cast %add3A_954 : i32 to index
        %get3A_958 = arith.index_cast %squeeze3A_956 : i32 to index
        %get3A_959 = tpu.vector_load %arg9[%get3A_957, %get3A_958] {strides = array<i32>} : memref<208x128xf32, #tpu.memory_space<vmem>>, vector<1x16xf32>,
        %get3A_960 = vector.shape_cast %get3A_959 : vector<1x16xf32> to vector<16xf32>
        %add3A_961 = arith.addf %scan3A_936, %get3A_960 : vector<16xf32>
        %add3A_962 = arith.constant 16 : i32
        %add3A_963 = arith.addi %squeeze3A_956, %add3A_962 : i32
        %get3A_964 = arith.index_cast %add3A_954 : i32 to index
        %get3A_965 = arith.index_cast %add3A_963 : i32 to index
        %get3A_966 = tpu.vector_load %arg9[%get3A_964, %get3A_965] {strides = array<i32>} : memref<208x128xf32, #tpu.memory_space<vmem>>, vector<1x16xf32>,
        %get3A_967 = vector.shape_cast %get3A_966 : vector<1x16xf32> to vector<16xf32>
        %add3A_968 = arith.addf %scan3A_937, %get3A_967 : vector<16xf32>
        %add3A_969 = arith.constant 32 : i32
        %add3A_970 = arith.addi %squeeze3A_956, %add3A_969 : i32
        %get3A_971 = arith.index_cast %add3A_954 : i32 to index
        %get3A_972 = arith.index_cast %add3A_970 : i32 to index
        %get3A_973 = tpu.vector_load %arg9[%get3A_971, %get3A_972] {strides = array<i32>} : memref<208x128xf32, #tpu.memory_space<vmem>>, vector<1x16xf32>,
        %get3A_974 = vector.shape_cast %get3A_973 : vector<1x16xf32> to vector<16xf32>
        %add3A_975 = arith.addf %scan3A_938, %get3A_974 : vector<16xf32>
        %add3A_976 = arith.constant 48 : i32
        %add3A_977 = arith.addi %squeeze3A_956, %add3A_976 : i32
        %get3A_978 = arith.index_cast %add3A_954 : i32 to index
        %get3A_979 = arith.index_cast %add3A_977 : i32 to index
        %get3A_980 = tpu.vector_load %arg9[%get3A_978, %get3A_979] {strides = array<i32>} : memref<208x128xf32, #tpu.memory_space<vmem>>, vector<1x16xf32>,
        %get3A_981 = vector.shape_cast %get3A_980 : vector<1x16xf32> to vector<16xf32>
        %add3A_982 = arith.addf %scan3A_939, %get3A_981 : vector<16xf32>
        %mul3A_983 = arith.constant 16 : i32
        %mul3A_984 = arith.muli %scan3A_935, %mul3A_983 : i32
        %add3A_985 = arith.constant 1 : i32
        %add3A_986 = arith.addi %mul3A_984, %add3A_985 : i32
        %slice3A_987 = vector.extract_strided_slice %mul3A_950 {offsets = [1], sizes = [1], strides = [1]} : vector<16xi32> to vector<1xi32>
        %squeeze3A_988 = vector.extract %slice3A_987[0] : i32 from vector<1xi32>
        %get3A_989 = arith.index_cast %add3A_986 : i32 to index
        %get3A_990 = arith.index_cast %squeeze3A_988 : i32 to index
        %get3A_991 = tpu.vector_load %arg9[%get3A_989, %get3A_990] {strides = array<i32>} : memref<208x128xf32, #tpu.memory_space<vmem>>, vector<1x16xf32>,
        %get3A_992 = vector.shape_cast %get3A_991 : vector<1x16xf32> to vector<16xf32>
        %add3A_993 = arith.addf %add3A_961, %get3A_992 : vector<16xf32>
        %add3A_994 = arith.constant 16 : i32
        %add3A_995 = arith.addi %squeeze3A_988, %add3A_994 : i32
        %get3A_996 = arith.index_cast %add3A_986 : i32 to index
        %get3A_997 = arith.index_cast %add3A_995 : i32 to index
        %get3A_998 = tpu.vector_load %arg9[%get3A_996, %get3A_997] {strides = array<i32>} : memref<208x128xf32, #tpu.memory_space<vmem>>, vector<1x16xf32>,
        %get3A_999 = vector.shape_cast %get3A_998 : vector<1x16xf32> to vector<16xf32>
        %add3A_1000 = arith.addf %add3A_968, %get3A_999 : vector<16xf32>
        %add3A_1001 = arith.constant 32 : i32
        %add3A_1002 = arith.addi %squeeze3A_988, %add3A_1001 : i32
        %get3A_1003 = arith.index_cast %add3A_986 : i32 to index
        %get3A_1004 = arith.index_cast %add3A_1002 : i32 to index
        %get3A_1005 = tpu.vector_load %arg9[%get3A_1003, %get3A_1004] {strides = array<i32>} : memref<208x128xf32, #tpu.memory_space<vmem>>, vector<1x16xf32>,
        %get3A_1006 = vector.shape_cast %get3A_1005 : vector<1x16xf32> to vector<16xf32>
        %add3A_1007 = arith.addf %add3A_975, %get3A_1006 : vector<16xf32>
        %add3A_1008 = arith.constant 48 : i32
        %add3A_1009 = arith.addi %squeeze3A_988, %add3A_1008 : i32
        %get3A_1010 = arith.index_cast %add3A_986 : i32 to index
        %get3A_1011 = arith.index_cast %add3A_1009 : i32 to index
        %get3A_1012 = tpu.vector_load %arg9[%get3A_1010, %get3A_1011] {strides = array<i32>} : memref<208x128xf32, #tpu.memory_space<vmem>>, vector<1x16xf32>,
        %get3A_1013 = vector.shape_cast %get3A_1012 : vector<1x16xf32> to vector<16xf32>
        %add3A_1014 = arith.addf %add3A_982, %get3A_1013 : vector<16xf32>
        %mul3A_1015 = arith.constant 16 : i32
        %mul3A_1016 = arith.muli %scan3A_935, %mul3A_1015 : i32
        %add3A_1017 = arith.constant 2 : i32
        %add3A_1018 = arith.addi %mul3A_1016, %add3A_1017 : i32
        %slice3A_1019 = vector.extract_strided_slice %mul3A_950 {offsets = [2], sizes = [1], strides = [1]} : vector<16xi32> to vector<1xi32>
        %squeeze3A_1020 = vector.extract %slice3A_1019[0] : i32 from vector<1xi32>
        %get3A_1021 = arith.index_cast %add3A_1018 : i32 to index
        %get3A_1022 = arith.index_cast %squeeze3A_1020 : i32 to index
        %get3A_1023 = tpu.vector_load %arg9[%get3A_1021, %get3A_1022] {strides = array<i32>} : memref<208x128xf32, #tpu.memory_space<vmem>>, vector<1x16xf32>,
        %get3A_1024 = vector.shape_cast %get3A_1023 : vector<1x16xf32> to vector<16xf32>
        %add3A_1025 = arith.addf %add3A_993, %get3A_1024 : vector<16xf32>
        %add3A_1026 = arith.constant 16 : i32
        %add3A_1027 = arith.addi %squeeze3A_1020, %add3A_1026 : i32
        %get3A_1028 = arith.index_cast %add3A_1018 : i32 to index
        %get3A_1029 = arith.index_cast %add3A_1027 : i32 to index
        %get3A_1030 = tpu.vector_load %arg9[%get3A_1028, %get3A_1029] {strides = array<i32>} : memref<208x128xf32, #tpu.memory_space<vmem>>, vector<1x16xf32>,
        %get3A_1031 = vector.shape_cast %get3A_1030 : vector<1x16xf32> to vector<16xf32>
        %add3A_1032 = arith.addf %add3A_1000, %get3A_1031 : vector<16xf32>
        %add3A_1033 = arith.constant 32 : i32
        %add3A_1034 = arith.addi %squeeze3A_1020, %add3A_1033 : i32
        %get3A_1035 = arith.index_cast %add3A_1018 : i32 to index
        %get3A_1036 = arith.index_cast %add3A_1034 : i32 to index
        %get3A_1037 = tpu.vector_load %arg9[%get3A_1035, %get3A_1036] {strides = array<i32>} : memref<208x128xf32, #tpu.memory_space<vmem>>, vector<1x16xf32>,
        %get3A_1038 = vector.shape_cast %get3A_1037 : vector<1x16xf32> to vector<16xf32>
        %add3A_1039 = arith.addf %add3A_1007, %get3A_1038 : vector<16xf32>
        %add3A_1040 = arith.constant 48 : i32
        %add3A_1041 = arith.addi %squeeze3A_1020, %add3A_1040 : i32
        %get3A_1042 = arith.index_cast %add3A_1018 : i32 to index
        %get3A_1043 = arith.index_cast %add3A_1041 : i32 to index
        %get3A_1044 = tpu.vector_load %arg9[%get3A_1042, %get3A_1043] {strides = array<i32>} : memref<208x128xf32, #tpu.memory_space<vmem>>, vector<1x16xf32>,
        %get3A_1045 = vector.shape_cast %get3A_1044 : vector<1x16xf32> to vector<16xf32>
        %add3A_1046 = arith.addf %add3A_1014, %get3A_1045 : vector<16xf32>
        %mul3A_1047 = arith.constant 16 : i32
        %mul3A_1048 = arith.muli %scan3A_935, %mul3A_1047 : i32
        %add3A_1049 = arith.constant 3 : i32
        %add3A_1050 = arith.addi %mul3A_1048, %add3A_1049 : i32
        %slice3A_1051 = vector.extract_strided_slice %mul3A_950 {offsets = [3], sizes = [1], strides = [1]} : vector<16xi32> to vector<1xi32>
        %squeeze3A_1052 = vector.extract %slice3A_1051[0] : i32 from vector<1xi32>
        %get3A_1053 = arith.index_cast %add3A_1050 : i32 to index
        %get3A_1054 = arith.index_cast %squeeze3A_1052 : i32 to index
        %get3A_1055 = tpu.vector_load %arg9[%get3A_1053, %get3A_1054] {strides = array<i32>} : memref<208x128xf32, #tpu.memory_space<vmem>>, vector<1x16xf32>,
        %get3A_1056 = vector.shape_cast %get3A_1055 : vector<1x16xf32> to vector<16xf32>
        %add3A_1057 = arith.addf %add3A_1025, %get3A_1056 : vector<16xf32>
        %add3A_1058 = arith.constant 16 : i32
        %add3A_1059 = arith.addi %squeeze3A_1052, %add3A_1058 : i32
        %get3A_1060 = arith.index_cast %add3A_1050 : i32 to index
        %get3A_1061 = arith.index_cast %add3A_1059 : i32 to index
        %get3A_1062 = tpu.vector_load %arg9[%get3A_1060, %get3A_1061] {strides = array<i32>} : memref<208x128xf32, #tpu.memory_space<vmem>>, vector<1x16xf32>,
        %get3A_1063 = vector.shape_cast %get3A_1062 : vector<1x16xf32> to vector<16xf32>
        %add3A_1064 = arith.addf %add3A_1032, %get3A_1063 : vector<16xf32>
        %add3A_1065 = arith.constant 32 : i32
        %add3A_1066 = arith.addi %squeeze3A_1052, %add3A_1065 : i32
        %get3A_1067 = arith.index_cast %add3A_1050 : i32 to index
        %get3A_1068 = arith.index_cast %add3A_1066 : i32 to index
        %get3A_1069 = tpu.vector_load %arg9[%get3A_1067, %get3A_1068] {strides = array<i32>} : memref<208x128xf32, #tpu.memory_space<vmem>>, vector<1x16xf32>,
        %get3A_1070 = vector.shape_cast %get3A_1069 : vector<1x16xf32> to vector<16xf32>
        %add3A_1071 = arith.addf %add3A_1039, %get3A_1070 : vector<16xf32>
        %add3A_1072 = arith.constant 48 : i32
        %add3A_1073 = arith.addi %squeeze3A_1052, %add3A_1072 : i32
        %get3A_1074 = arith.index_cast %add3A_1050 : i32 to index
        %get3A_1075 = arith.index_cast %add3A_1073 : i32 to index
        %get3A_1076 = tpu.vector_load %arg9[%get3A_1074, %get3A_1075] {strides = array<i32>} : memref<208x128xf32, #tpu.memory_space<vmem>>, vector<1x16xf32>,
        %get3A_1077 = vector.shape_cast %get3A_1076 : vector<1x16xf32> to vector<16xf32>
        %add3A_1078 = arith.addf %add3A_1046, %get3A_1077 : vector<16xf32>
        %mul3A_1079 = arith.constant 16 : i32
        %mul3A_1080 = arith.muli %scan3A_935, %mul3A_1079 : i32
        %add3A_1081 = arith.constant 4 : i32
        %add3A_1082 = arith.addi %mul3A_1080, %add3A_1081 : i32
        %slice3A_1083 = vector.extract_strided_slice %mul3A_950 {offsets = [4], sizes = [1], strides = [1]} : vector<16xi32> to vector<1xi32>
        %squeeze3A_1084 = vector.extract %slice3A_1083[0] : i32 from vector<1xi32>
        %get3A_1085 = arith.index_cast %add3A_1082 : i32 to index
        %get3A_1086 = arith.index_cast %squeeze3A_1084 : i32 to index
        %get3A_1087 = tpu.vector_load %arg9[%get3A_1085, %get3A_1086] {strides = array<i32>} : memref<208x128xf32, #tpu.memory_space<vmem>>, vector<1x16xf32>,
        %get3A_1088 = vector.shape_cast %get3A_1087 : vector<1x16xf32> to vector<16xf32>
        %add3A_1089 = arith.addf %add3A_1057, %get3A_1088 : vector<16xf32>
        %add3A_1090 = arith.constant 16 : i32
        %add3A_1091 = arith.addi %squeeze3A_1084, %add3A_1090 : i32
        %get3A_1092 = arith.index_cast %add3A_1082 : i32 to index
        %get3A_1093 = arith.index_cast %add3A_1091 : i32 to index
        %get3A_1094 = tpu.vector_load %arg9[%get3A_1092, %get3A_1093] {strides = array<i32>} : memref<208x128xf32, #tpu.memory_space<vmem>>, vector<1x16xf32>,
        %get3A_1095 = vector.shape_cast %get3A_1094 : vector<1x16xf32> to vector<16xf32>
        %add3A_1096 = arith.addf %add3A_1064, %get3A_1095 : vector<16xf32>
        %add3A_1097 = arith.constant 32 : i32
        %add3A_1098 = arith.addi %squeeze3A_1084, %add3A_1097 : i32
        %get3A_1099 = arith.index_cast %add3A_1082 : i32 to index
        %get3A_1100 = arith.index_cast %add3A_1098 : i32 to index
        %get3A_1101 = tpu.vector_load %arg9[%get3A_1099, %get3A_1100] {strides = array<i32>} : memref<208x128xf32, #tpu.memory_space<vmem>>, vector<1x16xf32>,
        %get3A_1102 = vector.shape_cast %get3A_1101 : vector<1x16xf32> to vector<16xf32>
        %add3A_1103 = arith.addf %add3A_1071, %get3A_1102 : vector<16xf32>
        %add3A_1104 = arith.constant 48 : i32
        %add3A_1105 = arith.addi %squeeze3A_1084, %add3A_1104 : i32
        %get3A_1106 = arith.index_cast %add3A_1082 : i32 to index
        %get3A_1107 = arith.index_cast %add3A_1105 : i32 to index
        %get3A_1108 = tpu.vector_load %arg9[%get3A_1106, %get3A_1107] {strides = array<i32>} : memref<208x128xf32, #tpu.memory_space<vmem>>, vector<1x16xf32>,
        %get3A_1109 = vector.shape_cast %get3A_1108 : vector<1x16xf32> to vector<16xf32>
        %add3A_1110 = arith.addf %add3A_1078, %get3A_1109 : vector<16xf32>
        %mul3A_1111 = arith.constant 16 : i32
        %mul3A_1112 = arith.muli %scan3A_935, %mul3A_1111 : i32
        %add3A_1113 = arith.constant 5 : i32
        %add3A_1114 = arith.addi %mul3A_1112, %add3A_1113 : i32
        %slice3A_1115 = vector.extract_strided_slice %mul3A_950 {offsets = [5], sizes = [1], strides = [1]} : vector<16xi32> to vector<1xi32>
        %squeeze3A_1116 = vector.extract %slice3A_1115[0] : i32 from vector<1xi32>
        %get3A_1117 = arith.index_cast %add3A_1114 : i32 to index
        %get3A_1118 = arith.index_cast %squeeze3A_1116 : i32 to index
        %get3A_1119 = tpu.vector_load %arg9[%get3A_1117, %get3A_1118] {strides = array<i32>} : memref<208x128xf32, #tpu.memory_space<vmem>>, vector<1x16xf32>,
        %get3A_1120 = vector.shape_cast %get3A_1119 : vector<1x16xf32> to vector<16xf32>
        %add3A_1121 = arith.addf %add3A_1089, %get3A_1120 : vector<16xf32>
        %add3A_1122 = arith.constant 16 : i32
        %add3A_1123 = arith.addi %squeeze3A_1116, %add3A_1122 : i32
        %get3A_1124 = arith.index_cast %add3A_1114 : i32 to index
        %get3A_1125 = arith.index_cast %add3A_1123 : i32 to index
        %get3A_1126 = tpu.vector_load %arg9[%get3A_1124, %get3A_1125] {strides = array<i32>} : memref<208x128xf32, #tpu.memory_space<vmem>>, vector<1x16xf32>,
        %get3A_1127 = vector.shape_cast %get3A_1126 : vector<1x16xf32> to vector<16xf32>
        %add3A_1128 = arith.addf %add3A_1096, %get3A_1127 : vector<16xf32>
        %add3A_1129 = arith.constant 32 : i32
        %add3A_1130 = arith.addi %squeeze3A_1116, %add3A_1129 : i32
        %get3A_1131 = arith.index_cast %add3A_1114 : i32 to index
        %get3A_1132 = arith.index_cast %add3A_1130 : i32 to index
        %get3A_1133 = tpu.vector_load %arg9[%get3A_1131, %get3A_1132] {strides = array<i32>} : memref<208x128xf32, #tpu.memory_space<vmem>>, vector<1x16xf32>,
        %get3A_1134 = vector.shape_cast %get3A_1133 : vector<1x16xf32> to vector<16xf32>
        %add3A_1135 = arith.addf %add3A_1103, %get3A_1134 : vector<16xf32>
        %add3A_1136 = arith.constant 48 : i32
        %add3A_1137 = arith.addi %squeeze3A_1116, %add3A_1136 : i32
        %get3A_1138 = arith.index_cast %add3A_1114 : i32 to index
        %get3A_1139 = arith.index_cast %add3A_1137 : i32 to index
        %get3A_1140 = tpu.vector_load %arg9[%get3A_1138, %get3A_1139] {strides = array<i32>} : memref<208x128xf32, #tpu.memory_space<vmem>>, vector<1x16xf32>,
        %get3A_1141 = vector.shape_cast %get3A_1140 : vector<1x16xf32> to vector<16xf32>
        %add3A_1142 = arith.addf %add3A_1110, %get3A_1141 : vector<16xf32>
        %mul3A_1143 = arith.constant 16 : i32
        %mul3A_1144 = arith.muli %scan3A_935, %mul3A_1143 : i32
        %add3A_1145 = arith.constant 6 : i32
        %add3A_1146 = arith.addi %mul3A_1144, %add3A_1145 : i32
        %slice3A_1147 = vector.extract_strided_slice %mul3A_950 {offsets = [6], sizes = [1], strides = [1]} : vector<16xi32> to vector<1xi32>
        %squeeze3A_1148 = vector.extract %slice3A_1147[0] : i32 from vector<1xi32>
        %get3A_1149 = arith.index_cast %add3A_1146 : i32 to index
        %get3A_1150 = arith.index_cast %squeeze3A_1148 : i32 to index
        %get3A_1151 = tpu.vector_load %arg9[%get3A_1149, %get3A_1150] {strides = array<i32>} : memref<208x128xf32, #tpu.memory_space<vmem>>, vector<1x16xf32>,
        %get3A_1152 = vector.shape_cast %get3A_1151 : vector<1x16xf32> to vector<16xf32>
        %add3A_1153 = arith.addf %add3A_1121, %get3A_1152 : vector<16xf32>
        %add3A_1154 = arith.constant 16 : i32
        %add3A_1155 = arith.addi %squeeze3A_1148, %add3A_1154 : i32
        %get3A_1156 = arith.index_cast %add3A_1146 : i32 to index
        %get3A_1157 = arith.index_cast %add3A_1155 : i32 to index
        %get3A_1158 = tpu.vector_load %arg9[%get3A_1156, %get3A_1157] {strides = array<i32>} : memref<208x128xf32, #tpu.memory_space<vmem>>, vector<1x16xf32>,
        %get3A_1159 = vector.shape_cast %get3A_1158 : vector<1x16xf32> to vector<16xf32>
        %add3A_1160 = arith.addf %add3A_1128, %get3A_1159 : vector<16xf32>
        %add3A_1161 = arith.constant 32 : i32
        %add3A_1162 = arith.addi %squeeze3A_1148, %add3A_1161 : i32
        %get3A_1163 = arith.index_cast %add3A_1146 : i32 to index
        %get3A_1164 = arith.index_cast %add3A_1162 : i32 to index
        %get3A_1165 = tpu.vector_load %arg9[%get3A_1163, %get3A_1164] {strides = array<i32>} : memref<208x128xf32, #tpu.memory_space<vmem>>, vector<1x16xf32>,
        %get3A_1166 = vector.shape_cast %get3A_1165 : vector<1x16xf32> to vector<16xf32>
        %add3A_1167 = arith.addf %add3A_1135, %get3A_1166 : vector<16xf32>
        %add3A_1168 = arith.constant 48 : i32
        %add3A_1169 = arith.addi %squeeze3A_1148, %add3A_1168 : i32
        %get3A_1170 = arith.index_cast %add3A_1146 : i32 to index
        %get3A_1171 = arith.index_cast %add3A_1169 : i32 to index
        %get3A_1172 = tpu.vector_load %arg9[%get3A_1170, %get3A_1171] {strides = array<i32>} : memref<208x128xf32, #tpu.memory_space<vmem>>, vector<1x16xf32>,
        %get3A_1173 = vector.shape_cast %get3A_1172 : vector<1x16xf32> to vector<16xf32>
        %add3A_1174 = arith.addf %add3A_1142, %get3A_1173 : vector<16xf32>
        %mul3A_1175 = arith.constant 16 : i32
        %mul3A_1176 = arith.muli %scan3A_935, %mul3A_1175 : i32
        %add3A_1177 = arith.constant 7 : i32
        %add3A_1178 = arith.addi %mul3A_1176, %add3A_1177 : i32
        %slice3A_1179 = vector.extract_strided_slice %mul3A_950 {offsets = [7], sizes = [1], strides = [1]} : vector<16xi32> to vector<1xi32>
        %squeeze3A_1180 = vector.extract %slice3A_1179[0] : i32 from vector<1xi32>
        %get3A_1181 = arith.index_cast %add3A_1178 : i32 to index
        %get3A_1182 = arith.index_cast %squeeze3A_1180 : i32 to index
        %get3A_1183 = tpu.vector_load %arg9[%get3A_1181, %get3A_1182] {strides = array<i32>} : memref<208x128xf32, #tpu.memory_space<vmem>>, vector<1x16xf32>,
        %get3A_1184 = vector.shape_cast %get3A_1183 : vector<1x16xf32> to vector<16xf32>
        %add3A_1185 = arith.addf %add3A_1153, %get3A_1184 : vector<16xf32>
        %add3A_1186 = arith.constant 16 : i32
        %add3A_1187 = arith.addi %squeeze3A_1180, %add3A_1186 : i32
        %get3A_1188 = arith.index_cast %add3A_1178 : i32 to index
        %get3A_1189 = arith.index_cast %add3A_1187 : i32 to index
        %get3A_1190 = tpu.vector_load %arg9[%get3A_1188, %get3A_1189] {strides = array<i32>} : memref<208x128xf32, #tpu.memory_space<vmem>>, vector<1x16xf32>,
        %get3A_1191 = vector.shape_cast %get3A_1190 : vector<1x16xf32> to vector<16xf32>
        %add3A_1192 = arith.addf %add3A_1160, %get3A_1191 : vector<16xf32>
        %add3A_1193 = arith.constant 32 : i32
        %add3A_1194 = arith.addi %squeeze3A_1180, %add3A_1193 : i32
        %get3A_1195 = arith.index_cast %add3A_1178 : i32 to index
        %get3A_1196 = arith.index_cast %add3A_1194 : i32 to index
        %get3A_1197 = tpu.vector_load %arg9[%get3A_1195, %get3A_1196] {strides = array<i32>} : memref<208x128xf32, #tpu.memory_space<vmem>>, vector<1x16xf32>,
        %get3A_1198 = vector.shape_cast %get3A_1197 : vector<1x16xf32> to vector<16xf32>
        %add3A_1199 = arith.addf %add3A_1167, %get3A_1198 : vector<16xf32>
        %add3A_1200 = arith.constant 48 : i32
        %add3A_1201 = arith.addi %squeeze3A_1180, %add3A_1200 : i32
        %get3A_1202 = arith.index_cast %add3A_1178 : i32 to index
        %get3A_1203 = arith.index_cast %add3A_1201 : i32 to index
        %get3A_1204 = tpu.vector_load %arg9[%get3A_1202, %get3A_1203] {strides = array<i32>} : memref<208x128xf32, #tpu.memory_space<vmem>>, vector<1x16xf32>,
        %get3A_1205 = vector.shape_cast %get3A_1204 : vector<1x16xf32> to vector<16xf32>
        %add3A_1206 = arith.addf %add3A_1174, %get3A_1205 : vector<16xf32>
        %mul3A_1207 = arith.constant 16 : i32
        %mul3A_1208 = arith.muli %scan3A_935, %mul3A_1207 : i32
        %add3A_1209 = arith.constant 8 : i32
        %add3A_1210 = arith.addi %mul3A_1208, %add3A_1209 : i32
        %slice3A_1211 = vector.extract_strided_slice %mul3A_950 {offsets = [8], sizes = [1], strides = [1]} : vector<16xi32> to vector<1xi32>
        %squeeze3A_1212 = vector.extract %slice3A_1211[0] : i32 from vector<1xi32>
        %get3A_1213 = arith.index_cast %add3A_1210 : i32 to index
        %get3A_1214 = arith.index_cast %squeeze3A_1212 : i32 to index
        %get3A_1215 = tpu.vector_load %arg9[%get3A_1213, %get3A_1214] {strides = array<i32>} : memref<208x128xf32, #tpu.memory_space<vmem>>, vector<1x16xf32>,
        %get3A_1216 = vector.shape_cast %get3A_1215 : vector<1x16xf32> to vector<16xf32>
        %add3A_1217 = arith.addf %add3A_1185, %get3A_1216 : vector<16xf32>
        %add3A_1218 = arith.constant 16 : i32
        %add3A_1219 = arith.addi %squeeze3A_1212, %add3A_1218 : i32
        %get3A_1220 = arith.index_cast %add3A_1210 : i32 to index
        %get3A_1221 = arith.index_cast %add3A_1219 : i32 to index
        %get3A_1222 = tpu.vector_load %arg9[%get3A_1220, %get3A_1221] {strides = array<i32>} : memref<208x128xf32, #tpu.memory_space<vmem>>, vector<1x16xf32>,
        %get3A_1223 = vector.shape_cast %get3A_1222 : vector<1x16xf32> to vector<16xf32>
        %add3A_1224 = arith.addf %add3A_1192, %get3A_1223 : vector<16xf32>
        %add3A_1225 = arith.constant 32 : i32
        %add3A_1226 = arith.addi %squeeze3A_1212, %add3A_1225 : i32
        %get3A_1227 = arith.index_cast %add3A_1210 : i32 to index
        %get3A_1228 = arith.index_cast %add3A_1226 : i32 to index
        %get3A_1229 = tpu.vector_load %arg9[%get3A_1227, %get3A_1228] {strides = array<i32>} : memref<208x128xf32, #tpu.memory_space<vmem>>, vector<1x16xf32>,
        %get3A_1230 = vector.shape_cast %get3A_1229 : vector<1x16xf32> to vector<16xf32>
        %add3A_1231 = arith.addf %add3A_1199, %get3A_1230 : vector<16xf32>
        %add3A_1232 = arith.constant 48 : i32
        %add3A_1233 = arith.addi %squeeze3A_1212, %add3A_1232 : i32
        %get3A_1234 = arith.index_cast %add3A_1210 : i32 to index
        %get3A_1235 = arith.index_cast %add3A_1233 : i32 to index
        %get3A_1236 = tpu.vector_load %arg9[%get3A_1234, %get3A_1235] {strides = array<i32>} : memref<208x128xf32, #tpu.memory_space<vmem>>, vector<1x16xf32>,
        %get3A_1237 = vector.shape_cast %get3A_1236 : vector<1x16xf32> to vector<16xf32>
        %add3A_1238 = arith.addf %add3A_1206, %get3A_1237 : vector<16xf32>
        %mul3A_1239 = arith.constant 16 : i32
        %mul3A_1240 = arith.muli %scan3A_935, %mul3A_1239 : i32
        %add3A_1241 = arith.constant 9 : i32
        %add3A_1242 = arith.addi %mul3A_1240, %add3A_1241 : i32
        %slice3A_1243 = vector.extract_strided_slice %mul3A_950 {offsets = [9], sizes = [1], strides = [1]} : vector<16xi32> to vector<1xi32>
        %squeeze3A_1244 = vector.extract %slice3A_1243[0] : i32 from vector<1xi32>
        %get3A_1245 = arith.index_cast %add3A_1242 : i32 to index
        %get3A_1246 = arith.index_cast %squeeze3A_1244 : i32 to index
        %get3A_1247 = tpu.vector_load %arg9[%get3A_1245, %get3A_1246] {strides = array<i32>} : memref<208x128xf32, #tpu.memory_space<vmem>>, vector<1x16xf32>,
        %get3A_1248 = vector.shape_cast %get3A_1247 : vector<1x16xf32> to vector<16xf32>
        %add3A_1249 = arith.addf %add3A_1217, %get3A_1248 : vector<16xf32>
        %add3A_1250 = arith.constant 16 : i32
        %add3A_1251 = arith.addi %squeeze3A_1244, %add3A_1250 : i32
        %get3A_1252 = arith.index_cast %add3A_1242 : i32 to index
        %get3A_1253 = arith.index_cast %add3A_1251 : i32 to index
        %get3A_1254 = tpu.vector_load %arg9[%get3A_1252, %get3A_1253] {strides = array<i32>} : memref<208x128xf32, #tpu.memory_space<vmem>>, vector<1x16xf32>,
        %get3A_1255 = vector.shape_cast %get3A_1254 : vector<1x16xf32> to vector<16xf32>
        %add3A_1256 = arith.addf %add3A_1224, %get3A_1255 : vector<16xf32>
        %add3A_1257 = arith.constant 32 : i32
        %add3A_1258 = arith.addi %squeeze3A_1244, %add3A_1257 : i32
        %get3A_1259 = arith.index_cast %add3A_1242 : i32 to index
        %get3A_1260 = arith.index_cast %add3A_1258 : i32 to index
        %get3A_1261 = tpu.vector_load %arg9[%get3A_1259, %get3A_1260] {strides = array<i32>} : memref<208x128xf32, #tpu.memory_space<vmem>>, vector<1x16xf32>,
        %get3A_1262 = vector.shape_cast %get3A_1261 : vector<1x16xf32> to vector<16xf32>
        %add3A_1263 = arith.addf %add3A_1231, %get3A_1262 : vector<16xf32>
        %add3A_1264 = arith.constant 48 : i32
        %add3A_1265 = arith.addi %squeeze3A_1244, %add3A_1264 : i32
        %get3A_1266 = arith.index_cast %add3A_1242 : i32 to index
        %get3A_1267 = arith.index_cast %add3A_1265 : i32 to index
        %get3A_1268 = tpu.vector_load %arg9[%get3A_1266, %get3A_1267] {strides = array<i32>} : memref<208x128xf32, #tpu.memory_space<vmem>>, vector<1x16xf32>,
        %get3A_1269 = vector.shape_cast %get3A_1268 : vector<1x16xf32> to vector<16xf32>
        %add3A_1270 = arith.addf %add3A_1238, %get3A_1269 : vector<16xf32>
        %mul3A_1271 = arith.constant 16 : i32
        %mul3A_1272 = arith.muli %scan3A_935, %mul3A_1271 : i32
        %add3A_1273 = arith.constant 10 : i32
        %add3A_1274 = arith.addi %mul3A_1272, %add3A_1273 : i32
        %slice3A_1275 = vector.extract_strided_slice %mul3A_950 {offsets = [10], sizes = [1], strides = [1]} : vector<16xi32> to vector<1xi32>
        %squeeze3A_1276 = vector.extract %slice3A_1275[0] : i32 from vector<1xi32>
        %get3A_1277 = arith.index_cast %add3A_1274 : i32 to index
        %get3A_1278 = arith.index_cast %squeeze3A_1276 : i32 to index
        %get3A_1279 = tpu.vector_load %arg9[%get3A_1277, %get3A_1278] {strides = array<i32>} : memref<208x128xf32, #tpu.memory_space<vmem>>, vector<1x16xf32>,
        %get3A_1280 = vector.shape_cast %get3A_1279 : vector<1x16xf32> to vector<16xf32>
        %add3A_1281 = arith.addf %add3A_1249, %get3A_1280 : vector<16xf32>
        %add3A_1282 = arith.constant 16 : i32
        %add3A_1283 = arith.addi %squeeze3A_1276, %add3A_1282 : i32
        %get3A_1284 = arith.index_cast %add3A_1274 : i32 to index
        %get3A_1285 = arith.index_cast %add3A_1283 : i32 to index
        %get3A_1286 = tpu.vector_load %arg9[%get3A_1284, %get3A_1285] {strides = array<i32>} : memref<208x128xf32, #tpu.memory_space<vmem>>, vector<1x16xf32>,
        %get3A_1287 = vector.shape_cast %get3A_1286 : vector<1x16xf32> to vector<16xf32>
        %add3A_1288 = arith.addf %add3A_1256, %get3A_1287 : vector<16xf32>
        %add3A_1289 = arith.constant 32 : i32
        %add3A_1290 = arith.addi %squeeze3A_1276, %add3A_1289 : i32
        %get3A_1291 = arith.index_cast %add3A_1274 : i32 to index
        %get3A_1292 = arith.index_cast %add3A_1290 : i32 to index
        %get3A_1293 = tpu.vector_load %arg9[%get3A_1291, %get3A_1292] {strides = array<i32>} : memref<208x128xf32, #tpu.memory_space<vmem>>, vector<1x16xf32>,
        %get3A_1294 = vector.shape_cast %get3A_1293 : vector<1x16xf32> to vector<16xf32>
        %add3A_1295 = arith.addf %add3A_1263, %get3A_1294 : vector<16xf32>
        %add3A_1296 = arith.constant 48 : i32
        %add3A_1297 = arith.addi %squeeze3A_1276, %add3A_1296 : i32
        %get3A_1298 = arith.index_cast %add3A_1274 : i32 to index
        %get3A_1299 = arith.index_cast %add3A_1297 : i32 to index
        %get3A_1300 = tpu.vector_load %arg9[%get3A_1298, %get3A_1299] {strides = array<i32>} : memref<208x128xf32, #tpu.memory_space<vmem>>, vector<1x16xf32>,
        %get3A_1301 = vector.shape_cast %get3A_1300 : vector<1x16xf32> to vector<16xf32>
        %add3A_1302 = arith.addf %add3A_1270, %get3A_1301 : vector<16xf32>
        %mul3A_1303 = arith.constant 16 : i32
        %mul3A_1304 = arith.muli %scan3A_935, %mul3A_1303 : i32
        %add3A_1305 = arith.constant 11 : i32
        %add3A_1306 = arith.addi %mul3A_1304, %add3A_1305 : i32
        %slice3A_1307 = vector.extract_strided_slice %mul3A_950 {offsets = [11], sizes = [1], strides = [1]} : vector<16xi32> to vector<1xi32>
        %squeeze3A_1308 = vector.extract %slice3A_1307[0] : i32 from vector<1xi32>
        %get3A_1309 = arith.index_cast %add3A_1306 : i32 to index
        %get3A_1310 = arith.index_cast %squeeze3A_1308 : i32 to index
        %get3A_1311 = tpu.vector_load %arg9[%get3A_1309, %get3A_1310] {strides = array<i32>} : memref<208x128xf32, #tpu.memory_space<vmem>>, vector<1x16xf32>,
        %get3A_1312 = vector.shape_cast %get3A_1311 : vector<1x16xf32> to vector<16xf32>
        %add3A_1313 = arith.addf %add3A_1281, %get3A_1312 : vector<16xf32>
        %add3A_1314 = arith.constant 16 : i32
        %add3A_1315 = arith.addi %squeeze3A_1308, %add3A_1314 : i32
        %get3A_1316 = arith.index_cast %add3A_1306 : i32 to index
        %get3A_1317 = arith.index_cast %add3A_1315 : i32 to index
        %get3A_1318 = tpu.vector_load %arg9[%get3A_1316, %get3A_1317] {strides = array<i32>} : memref<208x128xf32, #tpu.memory_space<vmem>>, vector<1x16xf32>,
        %get3A_1319 = vector.shape_cast %get3A_1318 : vector<1x16xf32> to vector<16xf32>
        %add3A_1320 = arith.addf %add3A_1288, %get3A_1319 : vector<16xf32>
        %add3A_1321 = arith.constant 32 : i32
        %add3A_1322 = arith.addi %squeeze3A_1308, %add3A_1321 : i32
        %get3A_1323 = arith.index_cast %add3A_1306 : i32 to index
        %get3A_1324 = arith.index_cast %add3A_1322 : i32 to index
        %get3A_1325 = tpu.vector_load %arg9[%get3A_1323, %get3A_1324] {strides = array<i32>} : memref<208x128xf32, #tpu.memory_space<vmem>>, vector<1x16xf32>,
        %get3A_1326 = vector.shape_cast %get3A_1325 : vector<1x16xf32> to vector<16xf32>
        %add3A_1327 = arith.addf %add3A_1295, %get3A_1326 : vector<16xf32>
        %add3A_1328 = arith.constant 48 : i32
        %add3A_1329 = arith.addi %squeeze3A_1308, %add3A_1328 : i32
        %get3A_1330 = arith.index_cast %add3A_1306 : i32 to index
        %get3A_1331 = arith.index_cast %add3A_1329 : i32 to index
        %get3A_1332 = tpu.vector_load %arg9[%get3A_1330, %get3A_1331] {strides = array<i32>} : memref<208x128xf32, #tpu.memory_space<vmem>>, vector<1x16xf32>,
        %get3A_1333 = vector.shape_cast %get3A_1332 : vector<1x16xf32> to vector<16xf32>
        %add3A_1334 = arith.addf %add3A_1302, %get3A_1333 : vector<16xf32>
        %mul3A_1335 = arith.constant 16 : i32
        %mul3A_1336 = arith.muli %scan3A_935, %mul3A_1335 : i32
        %add3A_1337 = arith.constant 12 : i32
        %add3A_1338 = arith.addi %mul3A_1336, %add3A_1337 : i32
        %slice3A_1339 = vector.extract_strided_slice %mul3A_950 {offsets = [12], sizes = [1], strides = [1]} : vector<16xi32> to vector<1xi32>
        %squeeze3A_1340 = vector.extract %slice3A_1339[0] : i32 from vector<1xi32>
        %get3A_1341 = arith.index_cast %add3A_1338 : i32 to index
        %get3A_1342 = arith.index_cast %squeeze3A_1340 : i32 to index
        %get3A_1343 = tpu.vector_load %arg9[%get3A_1341, %get3A_1342] {strides = array<i32>} : memref<208x128xf32, #tpu.memory_space<vmem>>, vector<1x16xf32>,
        %get3A_1344 = vector.shape_cast %get3A_1343 : vector<1x16xf32> to vector<16xf32>
        %add3A_1345 = arith.addf %add3A_1313, %get3A_1344 : vector<16xf32>
        %add3A_1346 = arith.constant 16 : i32
        %add3A_1347 = arith.addi %squeeze3A_1340, %add3A_1346 : i32
        %get3A_1348 = arith.index_cast %add3A_1338 : i32 to index
        %get3A_1349 = arith.index_cast %add3A_1347 : i32 to index
        %get3A_1350 = tpu.vector_load %arg9[%get3A_1348, %get3A_1349] {strides = array<i32>} : memref<208x128xf32, #tpu.memory_space<vmem>>, vector<1x16xf32>,
        %get3A_1351 = vector.shape_cast %get3A_1350 : vector<1x16xf32> to vector<16xf32>
        %add3A_1352 = arith.addf %add3A_1320, %get3A_1351 : vector<16xf32>
        %add3A_1353 = arith.constant 32 : i32
        %add3A_1354 = arith.addi %squeeze3A_1340, %add3A_1353 : i32
        %get3A_1355 = arith.index_cast %add3A_1338 : i32 to index
        %get3A_1356 = arith.index_cast %add3A_1354 : i32 to index
        %get3A_1357 = tpu.vector_load %arg9[%get3A_1355, %get3A_1356] {strides = array<i32>} : memref<208x128xf32, #tpu.memory_space<vmem>>, vector<1x16xf32>,
        %get3A_1358 = vector.shape_cast %get3A_1357 : vector<1x16xf32> to vector<16xf32>
        %add3A_1359 = arith.addf %add3A_1327, %get3A_1358 : vector<16xf32>
        %add3A_1360 = arith.constant 48 : i32
        %add3A_1361 = arith.addi %squeeze3A_1340, %add3A_1360 : i32
        %get3A_1362 = arith.index_cast %add3A_1338 : i32 to index
        %get3A_1363 = arith.index_cast %add3A_1361 : i32 to index
        %get3A_1364 = tpu.vector_load %arg9[%get3A_1362, %get3A_1363] {strides = array<i32>} : memref<208x128xf32, #tpu.memory_space<vmem>>, vector<1x16xf32>,
        %get3A_1365 = vector.shape_cast %get3A_1364 : vector<1x16xf32> to vector<16xf32>
        %add3A_1366 = arith.addf %add3A_1334, %get3A_1365 : vector<16xf32>
        %mul3A_1367 = arith.constant 16 : i32
        %mul3A_1368 = arith.muli %scan3A_935, %mul3A_1367 : i32
        %add3A_1369 = arith.constant 13 : i32
        %add3A_1370 = arith.addi %mul3A_1368, %add3A_1369 : i32
        %slice3A_1371 = vector.extract_strided_slice %mul3A_950 {offsets = [13], sizes = [1], strides = [1]} : vector<16xi32> to vector<1xi32>
        %squeeze3A_1372 = vector.extract %slice3A_1371[0] : i32 from vector<1xi32>
        %get3A_1373 = arith.index_cast %add3A_1370 : i32 to index
        %get3A_1374 = arith.index_cast %squeeze3A_1372 : i32 to index
        %get3A_1375 = tpu.vector_load %arg9[%get3A_1373, %get3A_1374] {strides = array<i32>} : memref<208x128xf32, #tpu.memory_space<vmem>>, vector<1x16xf32>,
        %get3A_1376 = vector.shape_cast %get3A_1375 : vector<1x16xf32> to vector<16xf32>
        %add3A_1377 = arith.addf %add3A_1345, %get3A_1376 : vector<16xf32>
        %add3A_1378 = arith.constant 16 : i32
        %add3A_1379 = arith.addi %squeeze3A_1372, %add3A_1378 : i32
        %get3A_1380 = arith.index_cast %add3A_1370 : i32 to index
        %get3A_1381 = arith.index_cast %add3A_1379 : i32 to index
        %get3A_1382 = tpu.vector_load %arg9[%get3A_1380, %get3A_1381] {strides = array<i32>} : memref<208x128xf32, #tpu.memory_space<vmem>>, vector<1x16xf32>,
        %get3A_1383 = vector.shape_cast %get3A_1382 : vector<1x16xf32> to vector<16xf32>
        %add3A_1384 = arith.addf %add3A_1352, %get3A_1383 : vector<16xf32>
        %add3A_1385 = arith.constant 32 : i32
        %add3A_1386 = arith.addi %squeeze3A_1372, %add3A_1385 : i32
        %get3A_1387 = arith.index_cast %add3A_1370 : i32 to index
        %get3A_1388 = arith.index_cast %add3A_1386 : i32 to index
        %get3A_1389 = tpu.vector_load %arg9[%get3A_1387, %get3A_1388] {strides = array<i32>} : memref<208x128xf32, #tpu.memory_space<vmem>>, vector<1x16xf32>,
        %get3A_1390 = vector.shape_cast %get3A_1389 : vector<1x16xf32> to vector<16xf32>
        %add3A_1391 = arith.addf %add3A_1359, %get3A_1390 : vector<16xf32>
        %add3A_1392 = arith.constant 48 : i32
        %add3A_1393 = arith.addi %squeeze3A_1372, %add3A_1392 : i32
        %get3A_1394 = arith.index_cast %add3A_1370 : i32 to index
        %get3A_1395 = arith.index_cast %add3A_1393 : i32 to index
        %get3A_1396 = tpu.vector_load %arg9[%get3A_1394, %get3A_1395] {strides = array<i32>} : memref<208x128xf32, #tpu.memory_space<vmem>>, vector<1x16xf32>,
        %get3A_1397 = vector.shape_cast %get3A_1396 : vector<1x16xf32> to vector<16xf32>
        %add3A_1398 = arith.addf %add3A_1366, %get3A_1397 : vector<16xf32>
        %mul3A_1399 = arith.constant 16 : i32
        %mul3A_1400 = arith.muli %scan3A_935, %mul3A_1399 : i32
        %add3A_1401 = arith.constant 14 : i32
        %add3A_1402 = arith.addi %mul3A_1400, %add3A_1401 : i32
        %slice3A_1403 = vector.extract_strided_slice %mul3A_950 {offsets = [14], sizes = [1], strides = [1]} : vector<16xi32> to vector<1xi32>
        %squeeze3A_1404 = vector.extract %slice3A_1403[0] : i32 from vector<1xi32>
        %get3A_1405 = arith.index_cast %add3A_1402 : i32 to index
        %get3A_1406 = arith.index_cast %squeeze3A_1404 : i32 to index
        %get3A_1407 = tpu.vector_load %arg9[%get3A_1405, %get3A_1406] {strides = array<i32>} : memref<208x128xf32, #tpu.memory_space<vmem>>, vector<1x16xf32>,
        %get3A_1408 = vector.shape_cast %get3A_1407 : vector<1x16xf32> to vector<16xf32>
        %add3A_1409 = arith.addf %add3A_1377, %get3A_1408 : vector<16xf32>
        %add3A_1410 = arith.constant 16 : i32
        %add3A_1411 = arith.addi %squeeze3A_1404, %add3A_1410 : i32
        %get3A_1412 = arith.index_cast %add3A_1402 : i32 to index
        %get3A_1413 = arith.index_cast %add3A_1411 : i32 to index
        %get3A_1414 = tpu.vector_load %arg9[%get3A_1412, %get3A_1413] {strides = array<i32>} : memref<208x128xf32, #tpu.memory_space<vmem>>, vector<1x16xf32>,
        %get3A_1415 = vector.shape_cast %get3A_1414 : vector<1x16xf32> to vector<16xf32>
        %add3A_1416 = arith.addf %add3A_1384, %get3A_1415 : vector<16xf32>
        %add3A_1417 = arith.constant 32 : i32
        %add3A_1418 = arith.addi %squeeze3A_1404, %add3A_1417 : i32
        %get3A_1419 = arith.index_cast %add3A_1402 : i32 to index
        %get3A_1420 = arith.index_cast %add3A_1418 : i32 to index
        %get3A_1421 = tpu.vector_load %arg9[%get3A_1419, %get3A_1420] {strides = array<i32>} : memref<208x128xf32, #tpu.memory_space<vmem>>, vector<1x16xf32>,
        %get3A_1422 = vector.shape_cast %get3A_1421 : vector<1x16xf32> to vector<16xf32>
        %add3A_1423 = arith.addf %add3A_1391, %get3A_1422 : vector<16xf32>
        %add3A_1424 = arith.constant 48 : i32
        %add3A_1425 = arith.addi %squeeze3A_1404, %add3A_1424 : i32
        %get3A_1426 = arith.index_cast %add3A_1402 : i32 to index
        %get3A_1427 = arith.index_cast %add3A_1425 : i32 to index
        %get3A_1428 = tpu.vector_load %arg9[%get3A_1426, %get3A_1427] {strides = array<i32>} : memref<208x128xf32, #tpu.memory_space<vmem>>, vector<1x16xf32>,
        %get3A_1429 = vector.shape_cast %get3A_1428 : vector<1x16xf32> to vector<16xf32>
        %add3A_1430 = arith.addf %add3A_1398, %get3A_1429 : vector<16xf32>
        %mul3A_1431 = arith.constant 16 : i32
        %mul3A_1432 = arith.muli %scan3A_935, %mul3A_1431 : i32
        %add3A_1433 = arith.constant 15 : i32
        %add3A_1434 = arith.addi %mul3A_1432, %add3A_1433 : i32
        %slice3A_1435 = vector.extract_strided_slice %mul3A_950 {offsets = [15], sizes = [1], strides = [1]} : vector<16xi32> to vector<1xi32>
        %squeeze3A_1436 = vector.extract %slice3A_1435[0] : i32 from vector<1xi32>
        %get3A_1437 = arith.index_cast %add3A_1434 : i32 to index
        %get3A_1438 = arith.index_cast %squeeze3A_1436 : i32 to index
        %get3A_1439 = tpu.vector_load %arg9[%get3A_1437, %get3A_1438] {strides = array<i32>} : memref<208x128xf32, #tpu.memory_space<vmem>>, vector<1x16xf32>,
        %get3A_1440 = vector.shape_cast %get3A_1439 : vector<1x16xf32> to vector<16xf32>
        %add3A_1441 = arith.addf %add3A_1409, %get3A_1440 : vector<16xf32>
        %add3A_1442 = arith.constant 16 : i32
        %add3A_1443 = arith.addi %squeeze3A_1436, %add3A_1442 : i32
        %get3A_1444 = arith.index_cast %add3A_1434 : i32 to index
        %get3A_1445 = arith.index_cast %add3A_1443 : i32 to index
        %get3A_1446 = tpu.vector_load %arg9[%get3A_1444, %get3A_1445] {strides = array<i32>} : memref<208x128xf32, #tpu.memory_space<vmem>>, vector<1x16xf32>,
        %get3A_1447 = vector.shape_cast %get3A_1446 : vector<1x16xf32> to vector<16xf32>
        %add3A_1448 = arith.addf %add3A_1416, %get3A_1447 : vector<16xf32>
        %add3A_1449 = arith.constant 32 : i32
        %add3A_1450 = arith.addi %squeeze3A_1436, %add3A_1449 : i32
        %get3A_1451 = arith.index_cast %add3A_1434 : i32 to index
        %get3A_1452 = arith.index_cast %add3A_1450 : i32 to index
        %get3A_1453 = tpu.vector_load %arg9[%get3A_1451, %get3A_1452] {strides = array<i32>} : memref<208x128xf32, #tpu.memory_space<vmem>>, vector<1x16xf32>,
        %get3A_1454 = vector.shape_cast %get3A_1453 : vector<1x16xf32> to vector<16xf32>
        %add3A_1455 = arith.addf %add3A_1423, %get3A_1454 : vector<16xf32>
        %add3A_1456 = arith.constant 48 : i32
        %add3A_1457 = arith.addi %squeeze3A_1436, %add3A_1456 : i32
        %get3A_1458 = arith.index_cast %add3A_1434 : i32 to index
        %get3A_1459 = arith.index_cast %add3A_1457 : i32 to index
        %get3A_1460 = tpu.vector_load %arg9[%get3A_1458, %get3A_1459] {strides = array<i32>} : memref<208x128xf32, #tpu.memory_space<vmem>>, vector<1x16xf32>,
        %get3A_1461 = vector.shape_cast %get3A_1460 : vector<1x16xf32> to vector<16xf32>
        %add3A_1462 = arith.addf %add3A_1430, %get3A_1461 : vector<16xf32>
        scf.yield %add3A_1441, %add3A_1448, %add3A_1455, %add3A_1462 : vector<16xf32>, vector<16xf32>, vector<16xf32>, vector<16xf32>
      }
      %scan3A_336 = arith.constant 12 : i32
      %get3A_337 = arith.constant 192 : index
      %get3A_338 = tpu.vector_load %arg5[%get3A_337] {strides = array<i32>} : memref<208xi32, #tpu.memory_space<vmem>>, vector<16xi32>,
      %get3A_339 = vector.shape_cast %get3A_338 : vector<16xi32> to vector<16xi32>
      %and3A = arith.constant 1 : i32
      %and3A_340 = vector.broadcast %and3A : i32 to vector<16xi32>
      %and3A_341 = arith.andi %get3A_339, %and3A_340 : vector<16xi32>
      %mul3A_342 = arith.constant 64 : i32
      %mul3A_343 = vector.broadcast %mul3A_342 : i32 to vector<16xi32>
      %mul3A_344 = arith.muli %and3A_341, %mul3A_343 : vector<16xi32>
      %slice3A = vector.extract_strided_slice %mul3A_344 {offsets = [0], sizes = [1], strides = [1]} : vector<16xi32> to vector<1xi32>
      %squeeze3A = vector.extract %slice3A[0] : i32 from vector<1xi32>
      %get3A_345 = arith.constant 192 : i32
      %get3A_346 = arith.index_cast %get3A_345 : i32 to index
      %get3A_347 = arith.index_cast %squeeze3A : i32 to index
      %get3A_348 = tpu.vector_load %arg9[%get3A_346, %get3A_347] {strides = array<i32>} : memref<208x128xf32, #tpu.memory_space<vmem>>, vector<1x16xf32>,
      %get3A_349 = vector.shape_cast %get3A_348 : vector<1x16xf32> to vector<16xf32>
      %add3A_350 = arith.addf %scan3A_335#0, %get3A_349 : vector<16xf32>
      %add3A_351 = arith.constant 16 : i32
      %add3A_352 = arith.addi %squeeze3A, %add3A_351 : i32
      %get3A_353 = arith.constant 192 : i32
      %get3A_354 = arith.index_cast %get3A_353 : i32 to index
      %get3A_355 = arith.index_cast %add3A_352 : i32 to index
      %get3A_356 = tpu.vector_load %arg9[%get3A_354, %get3A_355] {strides = array<i32>} : memref<208x128xf32, #tpu.memory_space<vmem>>, vector<1x16xf32>,
      %get3A_357 = vector.shape_cast %get3A_356 : vector<1x16xf32> to vector<16xf32>
      %add3A_358 = arith.addf %scan3A_335#1, %get3A_357 : vector<16xf32>
      %add3A_359 = arith.constant 32 : i32
      %add3A_360 = arith.addi %squeeze3A, %add3A_359 : i32
      %get3A_361 = arith.constant 192 : i32
      %get3A_362 = arith.index_cast %get3A_361 : i32 to index
      %get3A_363 = arith.index_cast %add3A_360 : i32 to index
      %get3A_364 = tpu.vector_load %arg9[%get3A_362, %get3A_363] {strides = array<i32>} : memref<208x128xf32, #tpu.memory_space<vmem>>, vector<1x16xf32>,
      %get3A_365 = vector.shape_cast %get3A_364 : vector<1x16xf32> to vector<16xf32>
      %add3A_366 = arith.addf %scan3A_335#2, %get3A_365 : vector<16xf32>
      %add3A_367 = arith.constant 48 : i32
      %add3A_368 = arith.addi %squeeze3A, %add3A_367 : i32
      %get3A_369 = arith.constant 192 : i32
      %get3A_370 = arith.index_cast %get3A_369 : i32 to index
      %get3A_371 = arith.index_cast %add3A_368 : i32 to index
      %get3A_372 = tpu.vector_load %arg9[%get3A_370, %get3A_371] {strides = array<i32>} : memref<208x128xf32, #tpu.memory_space<vmem>>, vector<1x16xf32>,
      %get3A_373 = vector.shape_cast %get3A_372 : vector<1x16xf32> to vector<16xf32>
      %add3A_374 = arith.addf %scan3A_335#3, %get3A_373 : vector<16xf32>
      %slice3A_375 = vector.extract_strided_slice %mul3A_344 {offsets = [1], sizes = [1], strides = [1]} : vector<16xi32> to vector<1xi32>
      %squeeze3A_376 = vector.extract %slice3A_375[0] : i32 from vector<1xi32>
      %get3A_377 = arith.constant 193 : i32
      %get3A_378 = arith.index_cast %get3A_377 : i32 to index
      %get3A_379 = arith.index_cast %squeeze3A_376 : i32 to index
      %get3A_380 = tpu.vector_load %arg9[%get3A_378, %get3A_379] {strides = array<i32>} : memref<208x128xf32, #tpu.memory_space<vmem>>, vector<1x16xf32>,
      %get3A_381 = vector.shape_cast %get3A_380 : vector<1x16xf32> to vector<16xf32>
      %add3A_382 = arith.addf %add3A_350, %get3A_381 : vector<16xf32>
      %add3A_383 = arith.constant 16 : i32
      %add3A_384 = arith.addi %squeeze3A_376, %add3A_383 : i32
      %get3A_385 = arith.constant 193 : i32
      %get3A_386 = arith.index_cast %get3A_385 : i32 to index
      %get3A_387 = arith.index_cast %add3A_384 : i32 to index
      %get3A_388 = tpu.vector_load %arg9[%get3A_386, %get3A_387] {strides = array<i32>} : memref<208x128xf32, #tpu.memory_space<vmem>>, vector<1x16xf32>,
      %get3A_389 = vector.shape_cast %get3A_388 : vector<1x16xf32> to vector<16xf32>
      %add3A_390 = arith.addf %add3A_358, %get3A_389 : vector<16xf32>
      %add3A_391 = arith.constant 32 : i32
      %add3A_392 = arith.addi %squeeze3A_376, %add3A_391 : i32
      %get3A_393 = arith.constant 193 : i32
      %get3A_394 = arith.index_cast %get3A_393 : i32 to index
      %get3A_395 = arith.index_cast %add3A_392 : i32 to index
      %get3A_396 = tpu.vector_load %arg9[%get3A_394, %get3A_395] {strides = array<i32>} : memref<208x128xf32, #tpu.memory_space<vmem>>, vector<1x16xf32>,
      %get3A_397 = vector.shape_cast %get3A_396 : vector<1x16xf32> to vector<16xf32>
      %add3A_398 = arith.addf %add3A_366, %get3A_397 : vector<16xf32>
      %add3A_399 = arith.constant 48 : i32
      %add3A_400 = arith.addi %squeeze3A_376, %add3A_399 : i32
      %get3A_401 = arith.constant 193 : i32
      %get3A_402 = arith.index_cast %get3A_401 : i32 to index
      %get3A_403 = arith.index_cast %add3A_400 : i32 to index
      %get3A_404 = tpu.vector_load %arg9[%get3A_402, %get3A_403] {strides = array<i32>} : memref<208x128xf32, #tpu.memory_space<vmem>>, vector<1x16xf32>,
      %get3A_405 = vector.shape_cast %get3A_404 : vector<1x16xf32> to vector<16xf32>
      %add3A_406 = arith.addf %add3A_374, %get3A_405 : vector<16xf32>
      %slice3A_407 = vector.extract_strided_slice %mul3A_344 {offsets = [2], sizes = [1], strides = [1]} : vector<16xi32> to vector<1xi32>
      %squeeze3A_408 = vector.extract %slice3A_407[0] : i32 from vector<1xi32>
      %get3A_409 = arith.constant 194 : i32
      %get3A_410 = arith.index_cast %get3A_409 : i32 to index
      %get3A_411 = arith.index_cast %squeeze3A_408 : i32 to index
      %get3A_412 = tpu.vector_load %arg9[%get3A_410, %get3A_411] {strides = array<i32>} : memref<208x128xf32, #tpu.memory_space<vmem>>, vector<1x16xf32>,
      %get3A_413 = vector.shape_cast %get3A_412 : vector<1x16xf32> to vector<16xf32>
      %add3A_414 = arith.addf %add3A_382, %get3A_413 : vector<16xf32>
      %add3A_415 = arith.constant 16 : i32
      %add3A_416 = arith.addi %squeeze3A_408, %add3A_415 : i32
      %get3A_417 = arith.constant 194 : i32
      %get3A_418 = arith.index_cast %get3A_417 : i32 to index
      %get3A_419 = arith.index_cast %add3A_416 : i32 to index
      %get3A_420 = tpu.vector_load %arg9[%get3A_418, %get3A_419] {strides = array<i32>} : memref<208x128xf32, #tpu.memory_space<vmem>>, vector<1x16xf32>,
      %get3A_421 = vector.shape_cast %get3A_420 : vector<1x16xf32> to vector<16xf32>
      %add3A_422 = arith.addf %add3A_390, %get3A_421 : vector<16xf32>
      %add3A_423 = arith.constant 32 : i32
      %add3A_424 = arith.addi %squeeze3A_408, %add3A_423 : i32
      %get3A_425 = arith.constant 194 : i32
      %get3A_426 = arith.index_cast %get3A_425 : i32 to index
      %get3A_427 = arith.index_cast %add3A_424 : i32 to index
      %get3A_428 = tpu.vector_load %arg9[%get3A_426, %get3A_427] {strides = array<i32>} : memref<208x128xf32, #tpu.memory_space<vmem>>, vector<1x16xf32>,
      %get3A_429 = vector.shape_cast %get3A_428 : vector<1x16xf32> to vector<16xf32>
      %add3A_430 = arith.addf %add3A_398, %get3A_429 : vector<16xf32>
      %add3A_431 = arith.constant 48 : i32
      %add3A_432 = arith.addi %squeeze3A_408, %add3A_431 : i32
      %get3A_433 = arith.constant 194 : i32
      %get3A_434 = arith.index_cast %get3A_433 : i32 to index
      %get3A_435 = arith.index_cast %add3A_432 : i32 to index
      %get3A_436 = tpu.vector_load %arg9[%get3A_434, %get3A_435] {strides = array<i32>} : memref<208x128xf32, #tpu.memory_space<vmem>>, vector<1x16xf32>,
      %get3A_437 = vector.shape_cast %get3A_436 : vector<1x16xf32> to vector<16xf32>
      %add3A_438 = arith.addf %add3A_406, %get3A_437 : vector<16xf32>
      %slice3A_439 = vector.extract_strided_slice %mul3A_344 {offsets = [3], sizes = [1], strides = [1]} : vector<16xi32> to vector<1xi32>
      %squeeze3A_440 = vector.extract %slice3A_439[0] : i32 from vector<1xi32>
      %get3A_441 = arith.constant 195 : i32
      %get3A_442 = arith.index_cast %get3A_441 : i32 to index
      %get3A_443 = arith.index_cast %squeeze3A_440 : i32 to index
      %get3A_444 = tpu.vector_load %arg9[%get3A_442, %get3A_443] {strides = array<i32>} : memref<208x128xf32, #tpu.memory_space<vmem>>, vector<1x16xf32>,
      %get3A_445 = vector.shape_cast %get3A_444 : vector<1x16xf32> to vector<16xf32>
      %add3A_446 = arith.addf %add3A_414, %get3A_445 : vector<16xf32>
      %add3A_447 = arith.constant 16 : i32
      %add3A_448 = arith.addi %squeeze3A_440, %add3A_447 : i32
      %get3A_449 = arith.constant 195 : i32
      %get3A_450 = arith.index_cast %get3A_449 : i32 to index
      %get3A_451 = arith.index_cast %add3A_448 : i32 to index
      %get3A_452 = tpu.vector_load %arg9[%get3A_450, %get3A_451] {strides = array<i32>} : memref<208x128xf32, #tpu.memory_space<vmem>>, vector<1x16xf32>,
      %get3A_453 = vector.shape_cast %get3A_452 : vector<1x16xf32> to vector<16xf32>
      %add3A_454 = arith.addf %add3A_422, %get3A_453 : vector<16xf32>
      %add3A_455 = arith.constant 32 : i32
      %add3A_456 = arith.addi %squeeze3A_440, %add3A_455 : i32
      %get3A_457 = arith.constant 195 : i32
      %get3A_458 = arith.index_cast %get3A_457 : i32 to index
      %get3A_459 = arith.index_cast %add3A_456 : i32 to index
      %get3A_460 = tpu.vector_load %arg9[%get3A_458, %get3A_459] {strides = array<i32>} : memref<208x128xf32, #tpu.memory_space<vmem>>, vector<1x16xf32>,
      %get3A_461 = vector.shape_cast %get3A_460 : vector<1x16xf32> to vector<16xf32>
      %add3A_462 = arith.addf %add3A_430, %get3A_461 : vector<16xf32>
      %add3A_463 = arith.constant 48 : i32
      %add3A_464 = arith.addi %squeeze3A_440, %add3A_463 : i32
      %get3A_465 = arith.constant 195 : i32
      %get3A_466 = arith.index_cast %get3A_465 : i32 to index
      %get3A_467 = arith.index_cast %add3A_464 : i32 to index
      %get3A_468 = tpu.vector_load %arg9[%get3A_466, %get3A_467] {strides = array<i32>} : memref<208x128xf32, #tpu.memory_space<vmem>>, vector<1x16xf32>,
      %get3A_469 = vector.shape_cast %get3A_468 : vector<1x16xf32> to vector<16xf32>
      %add3A_470 = arith.addf %add3A_438, %get3A_469 : vector<16xf32>
      %slice3A_471 = vector.extract_strided_slice %mul3A_344 {offsets = [4], sizes = [1], strides = [1]} : vector<16xi32> to vector<1xi32>
      %squeeze3A_472 = vector.extract %slice3A_471[0] : i32 from vector<1xi32>
      %get3A_473 = arith.constant 196 : i32
      %get3A_474 = arith.index_cast %get3A_473 : i32 to index
      %get3A_475 = arith.index_cast %squeeze3A_472 : i32 to index
      %get3A_476 = tpu.vector_load %arg9[%get3A_474, %get3A_475] {strides = array<i32>} : memref<208x128xf32, #tpu.memory_space<vmem>>, vector<1x16xf32>,
      %get3A_477 = vector.shape_cast %get3A_476 : vector<1x16xf32> to vector<16xf32>
      %add3A_478 = arith.addf %add3A_446, %get3A_477 : vector<16xf32>
      %add3A_479 = arith.constant 16 : i32
      %add3A_480 = arith.addi %squeeze3A_472, %add3A_479 : i32
      %get3A_481 = arith.constant 196 : i32
      %get3A_482 = arith.index_cast %get3A_481 : i32 to index
      %get3A_483 = arith.index_cast %add3A_480 : i32 to index
      %get3A_484 = tpu.vector_load %arg9[%get3A_482, %get3A_483] {strides = array<i32>} : memref<208x128xf32, #tpu.memory_space<vmem>>, vector<1x16xf32>,
      %get3A_485 = vector.shape_cast %get3A_484 : vector<1x16xf32> to vector<16xf32>
      %add3A_486 = arith.addf %add3A_454, %get3A_485 : vector<16xf32>
      %add3A_487 = arith.constant 32 : i32
      %add3A_488 = arith.addi %squeeze3A_472, %add3A_487 : i32
      %get3A_489 = arith.constant 196 : i32
      %get3A_490 = arith.index_cast %get3A_489 : i32 to index
      %get3A_491 = arith.index_cast %add3A_488 : i32 to index
      %get3A_492 = tpu.vector_load %arg9[%get3A_490, %get3A_491] {strides = array<i32>} : memref<208x128xf32, #tpu.memory_space<vmem>>, vector<1x16xf32>,
      %get3A_493 = vector.shape_cast %get3A_492 : vector<1x16xf32> to vector<16xf32>
      %add3A_494 = arith.addf %add3A_462, %get3A_493 : vector<16xf32>
      %add3A_495 = arith.constant 48 : i32
      %add3A_496 = arith.addi %squeeze3A_472, %add3A_495 : i32
      %get3A_497 = arith.constant 196 : i32
      %get3A_498 = arith.index_cast %get3A_497 : i32 to index
      %get3A_499 = arith.index_cast %add3A_496 : i32 to index
      %get3A_500 = tpu.vector_load %arg9[%get3A_498, %get3A_499] {strides = array<i32>} : memref<208x128xf32, #tpu.memory_space<vmem>>, vector<1x16xf32>,
      %get3A_501 = vector.shape_cast %get3A_500 : vector<1x16xf32> to vector<16xf32>
      %add3A_502 = arith.addf %add3A_470, %get3A_501 : vector<16xf32>
      %slice3A_503 = vector.extract_strided_slice %mul3A_344 {offsets = [5], sizes = [1], strides = [1]} : vector<16xi32> to vector<1xi32>
      %squeeze3A_504 = vector.extract %slice3A_503[0] : i32 from vector<1xi32>
      %get3A_505 = arith.constant 197 : i32
      %get3A_506 = arith.index_cast %get3A_505 : i32 to index
      %get3A_507 = arith.index_cast %squeeze3A_504 : i32 to index
      %get3A_508 = tpu.vector_load %arg9[%get3A_506, %get3A_507] {strides = array<i32>} : memref<208x128xf32, #tpu.memory_space<vmem>>, vector<1x16xf32>,
      %get3A_509 = vector.shape_cast %get3A_508 : vector<1x16xf32> to vector<16xf32>
      %add3A_510 = arith.addf %add3A_478, %get3A_509 : vector<16xf32>
      %add3A_511 = arith.constant 16 : i32
      %add3A_512 = arith.addi %squeeze3A_504, %add3A_511 : i32
      %get3A_513 = arith.constant 197 : i32
      %get3A_514 = arith.index_cast %get3A_513 : i32 to index
      %get3A_515 = arith.index_cast %add3A_512 : i32 to index
      %get3A_516 = tpu.vector_load %arg9[%get3A_514, %get3A_515] {strides = array<i32>} : memref<208x128xf32, #tpu.memory_space<vmem>>, vector<1x16xf32>,
      %get3A_517 = vector.shape_cast %get3A_516 : vector<1x16xf32> to vector<16xf32>
      %add3A_518 = arith.addf %add3A_486, %get3A_517 : vector<16xf32>
      %add3A_519 = arith.constant 32 : i32
      %add3A_520 = arith.addi %squeeze3A_504, %add3A_519 : i32
      %get3A_521 = arith.constant 197 : i32
      %get3A_522 = arith.index_cast %get3A_521 : i32 to index
      %get3A_523 = arith.index_cast %add3A_520 : i32 to index
      %get3A_524 = tpu.vector_load %arg9[%get3A_522, %get3A_523] {strides = array<i32>} : memref<208x128xf32, #tpu.memory_space<vmem>>, vector<1x16xf32>,
      %get3A_525 = vector.shape_cast %get3A_524 : vector<1x16xf32> to vector<16xf32>
      %add3A_526 = arith.addf %add3A_494, %get3A_525 : vector<16xf32>
      %add3A_527 = arith.constant 48 : i32
      %add3A_528 = arith.addi %squeeze3A_504, %add3A_527 : i32
      %get3A_529 = arith.constant 197 : i32
      %get3A_530 = arith.index_cast %get3A_529 : i32 to index
      %get3A_531 = arith.index_cast %add3A_528 : i32 to index
      %get3A_532 = tpu.vector_load %arg9[%get3A_530, %get3A_531] {strides = array<i32>} : memref<208x128xf32, #tpu.memory_space<vmem>>, vector<1x16xf32>,
      %get3A_533 = vector.shape_cast %get3A_532 : vector<1x16xf32> to vector<16xf32>
      %add3A_534 = arith.addf %add3A_502, %get3A_533 : vector<16xf32>
      %slice3A_535 = vector.extract_strided_slice %mul3A_344 {offsets = [6], sizes = [1], strides = [1]} : vector<16xi32> to vector<1xi32>
      %squeeze3A_536 = vector.extract %slice3A_535[0] : i32 from vector<1xi32>
      %get3A_537 = arith.constant 198 : i32
      %get3A_538 = arith.index_cast %get3A_537 : i32 to index
      %get3A_539 = arith.index_cast %squeeze3A_536 : i32 to index
      %get3A_540 = tpu.vector_load %arg9[%get3A_538, %get3A_539] {strides = array<i32>} : memref<208x128xf32, #tpu.memory_space<vmem>>, vector<1x16xf32>,
      %get3A_541 = vector.shape_cast %get3A_540 : vector<1x16xf32> to vector<16xf32>
      %add3A_542 = arith.addf %add3A_510, %get3A_541 : vector<16xf32>
      %add3A_543 = arith.constant 16 : i32
      %add3A_544 = arith.addi %squeeze3A_536, %add3A_543 : i32
      %get3A_545 = arith.constant 198 : i32
      %get3A_546 = arith.index_cast %get3A_545 : i32 to index
      %get3A_547 = arith.index_cast %add3A_544 : i32 to index
      %get3A_548 = tpu.vector_load %arg9[%get3A_546, %get3A_547] {strides = array<i32>} : memref<208x128xf32, #tpu.memory_space<vmem>>, vector<1x16xf32>,
      %get3A_549 = vector.shape_cast %get3A_548 : vector<1x16xf32> to vector<16xf32>
      %add3A_550 = arith.addf %add3A_518, %get3A_549 : vector<16xf32>
      %add3A_551 = arith.constant 32 : i32
      %add3A_552 = arith.addi %squeeze3A_536, %add3A_551 : i32
      %get3A_553 = arith.constant 198 : i32
      %get3A_554 = arith.index_cast %get3A_553 : i32 to index
      %get3A_555 = arith.index_cast %add3A_552 : i32 to index
      %get3A_556 = tpu.vector_load %arg9[%get3A_554, %get3A_555] {strides = array<i32>} : memref<208x128xf32, #tpu.memory_space<vmem>>, vector<1x16xf32>,
      %get3A_557 = vector.shape_cast %get3A_556 : vector<1x16xf32> to vector<16xf32>
      %add3A_558 = arith.addf %add3A_526, %get3A_557 : vector<16xf32>
      %add3A_559 = arith.constant 48 : i32
      %add3A_560 = arith.addi %squeeze3A_536, %add3A_559 : i32
      %get3A_561 = arith.constant 198 : i32
      %get3A_562 = arith.index_cast %get3A_561 : i32 to index
      %get3A_563 = arith.index_cast %add3A_560 : i32 to index
      %get3A_564 = tpu.vector_load %arg9[%get3A_562, %get3A_563] {strides = array<i32>} : memref<208x128xf32, #tpu.memory_space<vmem>>, vector<1x16xf32>,
      %get3A_565 = vector.shape_cast %get3A_564 : vector<1x16xf32> to vector<16xf32>
      %add3A_566 = arith.addf %add3A_534, %get3A_565 : vector<16xf32>
      %slice3A_567 = vector.extract_strided_slice %mul3A_344 {offsets = [7], sizes = [1], strides = [1]} : vector<16xi32> to vector<1xi32>
      %squeeze3A_568 = vector.extract %slice3A_567[0] : i32 from vector<1xi32>
      %get3A_569 = arith.constant 199 : i32
      %get3A_570 = arith.index_cast %get3A_569 : i32 to index
      %get3A_571 = arith.index_cast %squeeze3A_568 : i32 to index
      %get3A_572 = tpu.vector_load %arg9[%get3A_570, %get3A_571] {strides = array<i32>} : memref<208x128xf32, #tpu.memory_space<vmem>>, vector<1x16xf32>,
      %get3A_573 = vector.shape_cast %get3A_572 : vector<1x16xf32> to vector<16xf32>
      %add3A_574 = arith.addf %add3A_542, %get3A_573 : vector<16xf32>
      %add3A_575 = arith.constant 16 : i32
      %add3A_576 = arith.addi %squeeze3A_568, %add3A_575 : i32
      %get3A_577 = arith.constant 199 : i32
      %get3A_578 = arith.index_cast %get3A_577 : i32 to index
      %get3A_579 = arith.index_cast %add3A_576 : i32 to index
      %get3A_580 = tpu.vector_load %arg9[%get3A_578, %get3A_579] {strides = array<i32>} : memref<208x128xf32, #tpu.memory_space<vmem>>, vector<1x16xf32>,
      %get3A_581 = vector.shape_cast %get3A_580 : vector<1x16xf32> to vector<16xf32>
      %add3A_582 = arith.addf %add3A_550, %get3A_581 : vector<16xf32>
      %add3A_583 = arith.constant 32 : i32
      %add3A_584 = arith.addi %squeeze3A_568, %add3A_583 : i32
      %get3A_585 = arith.constant 199 : i32
      %get3A_586 = arith.index_cast %get3A_585 : i32 to index
      %get3A_587 = arith.index_cast %add3A_584 : i32 to index
      %get3A_588 = tpu.vector_load %arg9[%get3A_586, %get3A_587] {strides = array<i32>} : memref<208x128xf32, #tpu.memory_space<vmem>>, vector<1x16xf32>,
      %get3A_589 = vector.shape_cast %get3A_588 : vector<1x16xf32> to vector<16xf32>
      %add3A_590 = arith.addf %add3A_558, %get3A_589 : vector<16xf32>
      %add3A_591 = arith.constant 48 : i32
      %add3A_592 = arith.addi %squeeze3A_568, %add3A_591 : i32
      %get3A_593 = arith.constant 199 : i32
      %get3A_594 = arith.index_cast %get3A_593 : i32 to index
      %get3A_595 = arith.index_cast %add3A_592 : i32 to index
      %get3A_596 = tpu.vector_load %arg9[%get3A_594, %get3A_595] {strides = array<i32>} : memref<208x128xf32, #tpu.memory_space<vmem>>, vector<1x16xf32>,
      %get3A_597 = vector.shape_cast %get3A_596 : vector<1x16xf32> to vector<16xf32>
      %add3A_598 = arith.addf %add3A_566, %get3A_597 : vector<16xf32>
      %swap3A_599 = arith.index_cast %mul3A_172 : i32 to index
      %swap3A_600 = arith.constant 0 : index
      %swap3A_601 = tpu.vector_load %arg11[%swap3A_599, %swap3A_600] {strides = array<i32>} : memref<256x64xf32, #tpu.memory_space<vmem>>, vector<1x16xf32>,
      %swap3A_602 = vector.shape_cast %swap3A_601 : vector<1x16xf32> to vector<16xf32>
      %swap3A_603 = vector.shape_cast %add3A_574 : vector<16xf32> to vector<1x16xf32>
      tpu.vector_store %arg11[%swap3A_599, %swap3A_600], %swap3A_603 {strides = array<i32>} : memref<256x64xf32, #tpu.memory_space<vmem>>, vector<1x16xf32>,
      %swap3A_604 = arith.index_cast %mul3A_172 : i32 to index
      %swap3A_605 = arith.constant 16 : index
      %swap3A_606 = tpu.vector_load %arg11[%swap3A_604, %swap3A_605] {strides = array<i32>} : memref<256x64xf32, #tpu.memory_space<vmem>>, vector<1x16xf32>,
      %swap3A_607 = vector.shape_cast %swap3A_606 : vector<1x16xf32> to vector<16xf32>
      %swap3A_608 = vector.shape_cast %add3A_582 : vector<16xf32> to vector<1x16xf32>
      tpu.vector_store %arg11[%swap3A_604, %swap3A_605], %swap3A_608 {strides = array<i32>} : memref<256x64xf32, #tpu.memory_space<vmem>>, vector<1x16xf32>,
      %swap3A_609 = arith.index_cast %mul3A_172 : i32 to index
      %swap3A_610 = arith.constant 32 : index
      %swap3A_611 = tpu.vector_load %arg11[%swap3A_609, %swap3A_610] {strides = array<i32>} : memref<256x64xf32, #tpu.memory_space<vmem>>, vector<1x16xf32>,
      %swap3A_612 = vector.shape_cast %swap3A_611 : vector<1x16xf32> to vector<16xf32>
      %swap3A_613 = vector.shape_cast %add3A_590 : vector<16xf32> to vector<1x16xf32>
      tpu.vector_store %arg11[%swap3A_609, %swap3A_610], %swap3A_613 {strides = array<i32>} : memref<256x64xf32, #tpu.memory_space<vmem>>, vector<1x16xf32>,
      %swap3A_614 = arith.index_cast %mul3A_172 : i32 to index
      %swap3A_615 = arith.constant 48 : index
      %swap3A_616 = tpu.vector_load %arg11[%swap3A_614, %swap3A_615] {strides = array<i32>} : memref<256x64xf32, #tpu.memory_space<vmem>>, vector<1x16xf32>,
      %swap3A_617 = vector.shape_cast %swap3A_616 : vector<1x16xf32> to vector<16xf32>
      %swap3A_618 = vector.shape_cast %add3A_598 : vector<16xf32> to vector<1x16xf32>
      tpu.vector_store %arg11[%swap3A_614, %swap3A_615], %swap3A_618 {strides = array<i32>} : memref<256x64xf32, #tpu.memory_space<vmem>>, vector<1x16xf32>,
      %add3A_619 = arith.constant 2 : i32
      %add3A_620 = arith.addi %mul3A_172, %add3A_619 : i32
      %lt3A_621 = arith.constant 256 : i32
      %lt3A_622 = arith.cmpi slt, %add3A_620, %lt3A_621 : i32
      %convert_element_type3A = arith.extui %lt3A_622 : i1 to i32
      %cond3A = arith.constant 0 : i32
      %cond3A_623 = arith.cmpi ne, %convert_element_type3A, %cond3A : i32
      scf.if %cond3A_623 {
        %add3A_935 = arith.constant 2 : i32
        %add3A_936 = arith.addi %mul3A_172, %add3A_935 : i32
        %add3A_937 = arith.addi %mul3A_2, %add3A_936 : i32
        %mul3A_938 = arith.constant 200 : i32
        %mul3A_939 = arith.muli %add3A_937, %mul3A_938 : i32
        %dma_start3A_940 = arith.constant 0 : i32
        %dma_start3A_941 = tpu.memref_slice %arg5[%dma_start3A_940] : memref<208xi32, #tpu.memory_space<vmem>> -> memref<200xi32, #tpu.memory_space<vmem>>
        %dma_start3A_942 = tpu.memref_slice %arg2[%mul3A_939] : memref<1638400xi32, #tpu.memory_space<hbm>> -> memref<200xi32, #tpu.memory_space<hbm>>
        %dma_start3A_943 = arith.constant 0 : i32
        %dma_start3A_944 = tpu.memref_slice %arg5[%dma_start3A_943] : memref<208xi32, #tpu.memory_space<vmem>> -> memref<200xi32, #tpu.memory_space<vmem>>
        %dma_start3A_945 = tpu.memref_slice %arg2[%mul3A_939] : memref<1638400xi32, #tpu.memory_space<hbm>> -> memref<200xi32, #tpu.memory_space<hbm>>
        tpu.enqueue_dma source(%dma_start3A_945 : memref<200xi32, #tpu.memory_space<hbm>>) target(%dma_start3A_944 : memref<200xi32, #tpu.memory_space<vmem>>) target_semaphore(%arg12 : memref<!tpu.dma_semaphore, #tpu.memory_space<semaphore_mem>>)
      } else {
      }
      %dma_wait3A_624 = arith.constant 0 : i32
      %dma_wait3A_625 = arith.constant 0 : i32
      %dma_wait3A_626 = tpu.memref_slice %arg3[%dma_wait3A_624, %dma_wait3A_625] : memref<500000x128xf32, #tpu.memory_space<hbm>> -> memref<500000x128xf32, #tpu.memory_space<hbm>>
      tpu.wait_indirect_dma semaphore(%arg15 : memref<!tpu.dma_semaphore, #tpu.memory_space<semaphore_mem>>) src(%dma_wait3A_626 : memref<500000x128xf32, #tpu.memory_space<hbm>>) dst(%arg10 : memref<208x128xf32, #tpu.memory_space<vmem>>)
      %add3A_627 = arith.constant 2 : i32
      %add3A_628 = arith.addi %mul3A_172, %add3A_627 : i32
      %lt3A_629 = arith.constant 256 : i32
      %lt3A_630 = arith.cmpi slt, %add3A_628, %lt3A_629 : i32
      %convert_element_type3A_631 = arith.extui %lt3A_630 : i1 to i32
      %cond3A_632 = arith.constant 0 : i32
      %cond3A_633 = arith.cmpi ne, %convert_element_type3A_631, %cond3A_632 : i32
      scf.if %cond3A_633 {
        %add3A_935 = arith.constant 2 : i32
        %add3A_936 = arith.addi %mul3A_172, %add3A_935 : i32
        %add3A_937 = arith.addi %mul3A_2, %add3A_936 : i32
        %mul3A_938 = arith.constant 200 : i32
        %mul3A_939 = arith.muli %add3A_937, %mul3A_938 : i32
        %dma_wait3A_940 = arith.constant 0 : i32
        %dma_wait3A_941 = tpu.memref_slice %arg5[%dma_wait3A_940] : memref<208xi32, #tpu.memory_space<vmem>> -> memref<200xi32, #tpu.memory_space<vmem>>
        %dma_wait3A_942 = tpu.memref_slice %arg2[%mul3A_939] : memref<1638400xi32, #tpu.memory_space<hbm>> -> memref<200xi32, #tpu.memory_space<hbm>>
        %dma_wait3A_943 = arith.constant 0 : i32
        %dma_wait3A_944 = tpu.memref_slice %arg5[%dma_wait3A_943] : memref<208xi32, #tpu.memory_space<vmem>> -> memref<200xi32, #tpu.memory_space<vmem>>
        %dma_wait3A_945 = tpu.memref_slice %arg2[%mul3A_939] : memref<1638400xi32, #tpu.memory_space<hbm>> -> memref<200xi32, #tpu.memory_space<hbm>>
        tpu.wait_dma2 semaphore(%arg12 : memref<!tpu.dma_semaphore, #tpu.memory_space<semaphore_mem>>) src(%dma_wait3A_945 : memref<200xi32, #tpu.memory_space<hbm>>) dst(%dma_wait3A_944 : memref<200xi32, #tpu.memory_space<vmem>>)
        %iota3A_946 = tpu.iota {dimensions = array<i32: 0>} : vector<16xi32>
        %get3A_947 = arith.constant 0 : index
        %get3A_948 = tpu.vector_load %arg5[%get3A_947] {strides = array<i32>} : memref<208xi32, #tpu.memory_space<vmem>>, vector<16xi32>,
        %get3A_949 = vector.shape_cast %get3A_948 : vector<16xi32> to vector<16xi32>
        %shift_right_logical3A_950 = arith.constant 1 : i32
        %shift_right_logical3A_951 = vector.broadcast %shift_right_logical3A_950 : i32 to vector<16xi32>
        %shift_right_logical3A_952 = arith.shrui %get3A_949, %shift_right_logical3A_951 : vector<16xi32>
        %swap3A_953 = arith.constant 0 : index
        %swap3A_954 = tpu.vector_load %arg7[%swap3A_953] {strides = array<i32>} : memref<208xi32, #tpu.memory_space<vmem>>, vector<16xi32>,
        %swap3A_955 = vector.shape_cast %swap3A_954 : vector<16xi32> to vector<16xi32>
        %swap3A_956 = vector.shape_cast %shift_right_logical3A_952 : vector<16xi32> to vector<16xi32>
        tpu.vector_store %arg7[%swap3A_953], %swap3A_956 {strides = array<i32>} : memref<208xi32, #tpu.memory_space<vmem>>, vector<16xi32>,
        %get3A_957 = arith.constant 16 : index
        %get3A_958 = tpu.vector_load %arg5[%get3A_957] {strides = array<i32>} : memref<208xi32, #tpu.memory_space<vmem>>, vector<16xi32>,
        %get3A_959 = vector.shape_cast %get3A_958 : vector<16xi32> to vector<16xi32>
        %shift_right_logical3A_960 = arith.constant 1 : i32
        %shift_right_logical3A_961 = vector.broadcast %shift_right_logical3A_960 : i32 to vector<16xi32>
        %shift_right_logical3A_962 = arith.shrui %get3A_959, %shift_right_logical3A_961 : vector<16xi32>
        %swap3A_963 = arith.constant 16 : index
        %swap3A_964 = tpu.vector_load %arg7[%swap3A_963] {strides = array<i32>} : memref<208xi32, #tpu.memory_space<vmem>>, vector<16xi32>,
        %swap3A_965 = vector.shape_cast %swap3A_964 : vector<16xi32> to vector<16xi32>
        %swap3A_966 = vector.shape_cast %shift_right_logical3A_962 : vector<16xi32> to vector<16xi32>
        tpu.vector_store %arg7[%swap3A_963], %swap3A_966 {strides = array<i32>} : memref<208xi32, #tpu.memory_space<vmem>>, vector<16xi32>,
        %get3A_967 = arith.constant 32 : index
        %get3A_968 = tpu.vector_load %arg5[%get3A_967] {strides = array<i32>} : memref<208xi32, #tpu.memory_space<vmem>>, vector<16xi32>,
        %get3A_969 = vector.shape_cast %get3A_968 : vector<16xi32> to vector<16xi32>
        %shift_right_logical3A_970 = arith.constant 1 : i32
        %shift_right_logical3A_971 = vector.broadcast %shift_right_logical3A_970 : i32 to vector<16xi32>
        %shift_right_logical3A_972 = arith.shrui %get3A_969, %shift_right_logical3A_971 : vector<16xi32>
        %swap3A_973 = arith.constant 32 : index
        %swap3A_974 = tpu.vector_load %arg7[%swap3A_973] {strides = array<i32>} : memref<208xi32, #tpu.memory_space<vmem>>, vector<16xi32>,
        %swap3A_975 = vector.shape_cast %swap3A_974 : vector<16xi32> to vector<16xi32>
        %swap3A_976 = vector.shape_cast %shift_right_logical3A_972 : vector<16xi32> to vector<16xi32>
        tpu.vector_store %arg7[%swap3A_973], %swap3A_976 {strides = array<i32>} : memref<208xi32, #tpu.memory_space<vmem>>, vector<16xi32>,
        %get3A_977 = arith.constant 48 : index
        %get3A_978 = tpu.vector_load %arg5[%get3A_977] {strides = array<i32>} : memref<208xi32, #tpu.memory_space<vmem>>, vector<16xi32>,
        %get3A_979 = vector.shape_cast %get3A_978 : vector<16xi32> to vector<16xi32>
        %shift_right_logical3A_980 = arith.constant 1 : i32
        %shift_right_logical3A_981 = vector.broadcast %shift_right_logical3A_980 : i32 to vector<16xi32>
        %shift_right_logical3A_982 = arith.shrui %get3A_979, %shift_right_logical3A_981 : vector<16xi32>
        %swap3A_983 = arith.constant 48 : index
        %swap3A_984 = tpu.vector_load %arg7[%swap3A_983] {strides = array<i32>} : memref<208xi32, #tpu.memory_space<vmem>>, vector<16xi32>,
        %swap3A_985 = vector.shape_cast %swap3A_984 : vector<16xi32> to vector<16xi32>
        %swap3A_986 = vector.shape_cast %shift_right_logical3A_982 : vector<16xi32> to vector<16xi32>
        tpu.vector_store %arg7[%swap3A_983], %swap3A_986 {strides = array<i32>} : memref<208xi32, #tpu.memory_space<vmem>>, vector<16xi32>,
        %get3A_987 = arith.constant 64 : index
        %get3A_988 = tpu.vector_load %arg5[%get3A_987] {strides = array<i32>} : memref<208xi32, #tpu.memory_space<vmem>>, vector<16xi32>,
        %get3A_989 = vector.shape_cast %get3A_988 : vector<16xi32> to vector<16xi32>
        %shift_right_logical3A_990 = arith.constant 1 : i32
        %shift_right_logical3A_991 = vector.broadcast %shift_right_logical3A_990 : i32 to vector<16xi32>
        %shift_right_logical3A_992 = arith.shrui %get3A_989, %shift_right_logical3A_991 : vector<16xi32>
        %swap3A_993 = arith.constant 64 : index
        %swap3A_994 = tpu.vector_load %arg7[%swap3A_993] {strides = array<i32>} : memref<208xi32, #tpu.memory_space<vmem>>, vector<16xi32>,
        %swap3A_995 = vector.shape_cast %swap3A_994 : vector<16xi32> to vector<16xi32>
        %swap3A_996 = vector.shape_cast %shift_right_logical3A_992 : vector<16xi32> to vector<16xi32>
        tpu.vector_store %arg7[%swap3A_993], %swap3A_996 {strides = array<i32>} : memref<208xi32, #tpu.memory_space<vmem>>, vector<16xi32>,
        %get3A_997 = arith.constant 80 : index
        %get3A_998 = tpu.vector_load %arg5[%get3A_997] {strides = array<i32>} : memref<208xi32, #tpu.memory_space<vmem>>, vector<16xi32>,
        %get3A_999 = vector.shape_cast %get3A_998 : vector<16xi32> to vector<16xi32>
        %shift_right_logical3A_1000 = arith.constant 1 : i32
        %shift_right_logical3A_1001 = vector.broadcast %shift_right_logical3A_1000 : i32 to vector<16xi32>
        %shift_right_logical3A_1002 = arith.shrui %get3A_999, %shift_right_logical3A_1001 : vector<16xi32>
        %swap3A_1003 = arith.constant 80 : index
        %swap3A_1004 = tpu.vector_load %arg7[%swap3A_1003] {strides = array<i32>} : memref<208xi32, #tpu.memory_space<vmem>>, vector<16xi32>,
        %swap3A_1005 = vector.shape_cast %swap3A_1004 : vector<16xi32> to vector<16xi32>
        %swap3A_1006 = vector.shape_cast %shift_right_logical3A_1002 : vector<16xi32> to vector<16xi32>
        tpu.vector_store %arg7[%swap3A_1003], %swap3A_1006 {strides = array<i32>} : memref<208xi32, #tpu.memory_space<vmem>>, vector<16xi32>,
        %get3A_1007 = arith.constant 96 : index
        %get3A_1008 = tpu.vector_load %arg5[%get3A_1007] {strides = array<i32>} : memref<208xi32, #tpu.memory_space<vmem>>, vector<16xi32>,
        %get3A_1009 = vector.shape_cast %get3A_1008 : vector<16xi32> to vector<16xi32>
        %shift_right_logical3A_1010 = arith.constant 1 : i32
        %shift_right_logical3A_1011 = vector.broadcast %shift_right_logical3A_1010 : i32 to vector<16xi32>
        %shift_right_logical3A_1012 = arith.shrui %get3A_1009, %shift_right_logical3A_1011 : vector<16xi32>
        %swap3A_1013 = arith.constant 96 : index
        %swap3A_1014 = tpu.vector_load %arg7[%swap3A_1013] {strides = array<i32>} : memref<208xi32, #tpu.memory_space<vmem>>, vector<16xi32>,
        %swap3A_1015 = vector.shape_cast %swap3A_1014 : vector<16xi32> to vector<16xi32>
        %swap3A_1016 = vector.shape_cast %shift_right_logical3A_1012 : vector<16xi32> to vector<16xi32>
        tpu.vector_store %arg7[%swap3A_1013], %swap3A_1016 {strides = array<i32>} : memref<208xi32, #tpu.memory_space<vmem>>, vector<16xi32>,
        %get3A_1017 = arith.constant 112 : index
        %get3A_1018 = tpu.vector_load %arg5[%get3A_1017] {strides = array<i32>} : memref<208xi32, #tpu.memory_space<vmem>>, vector<16xi32>,
        %get3A_1019 = vector.shape_cast %get3A_1018 : vector<16xi32> to vector<16xi32>
        %shift_right_logical3A_1020 = arith.constant 1 : i32
        %shift_right_logical3A_1021 = vector.broadcast %shift_right_logical3A_1020 : i32 to vector<16xi32>
        %shift_right_logical3A_1022 = arith.shrui %get3A_1019, %shift_right_logical3A_1021 : vector<16xi32>
        %swap3A_1023 = arith.constant 112 : index
        %swap3A_1024 = tpu.vector_load %arg7[%swap3A_1023] {strides = array<i32>} : memref<208xi32, #tpu.memory_space<vmem>>, vector<16xi32>,
        %swap3A_1025 = vector.shape_cast %swap3A_1024 : vector<16xi32> to vector<16xi32>
        %swap3A_1026 = vector.shape_cast %shift_right_logical3A_1022 : vector<16xi32> to vector<16xi32>
        tpu.vector_store %arg7[%swap3A_1023], %swap3A_1026 {strides = array<i32>} : memref<208xi32, #tpu.memory_space<vmem>>, vector<16xi32>,
        %get3A_1027 = arith.constant 128 : index
        %get3A_1028 = tpu.vector_load %arg5[%get3A_1027] {strides = array<i32>} : memref<208xi32, #tpu.memory_space<vmem>>, vector<16xi32>,
        %get3A_1029 = vector.shape_cast %get3A_1028 : vector<16xi32> to vector<16xi32>
        %shift_right_logical3A_1030 = arith.constant 1 : i32
        %shift_right_logical3A_1031 = vector.broadcast %shift_right_logical3A_1030 : i32 to vector<16xi32>
        %shift_right_logical3A_1032 = arith.shrui %get3A_1029, %shift_right_logical3A_1031 : vector<16xi32>
        %swap3A_1033 = arith.constant 128 : index
        %swap3A_1034 = tpu.vector_load %arg7[%swap3A_1033] {strides = array<i32>} : memref<208xi32, #tpu.memory_space<vmem>>, vector<16xi32>,
        %swap3A_1035 = vector.shape_cast %swap3A_1034 : vector<16xi32> to vector<16xi32>
        %swap3A_1036 = vector.shape_cast %shift_right_logical3A_1032 : vector<16xi32> to vector<16xi32>
        tpu.vector_store %arg7[%swap3A_1033], %swap3A_1036 {strides = array<i32>} : memref<208xi32, #tpu.memory_space<vmem>>, vector<16xi32>,
        %get3A_1037 = arith.constant 144 : index
        %get3A_1038 = tpu.vector_load %arg5[%get3A_1037] {strides = array<i32>} : memref<208xi32, #tpu.memory_space<vmem>>, vector<16xi32>,
        %get3A_1039 = vector.shape_cast %get3A_1038 : vector<16xi32> to vector<16xi32>
        %shift_right_logical3A_1040 = arith.constant 1 : i32
        %shift_right_logical3A_1041 = vector.broadcast %shift_right_logical3A_1040 : i32 to vector<16xi32>
        %shift_right_logical3A_1042 = arith.shrui %get3A_1039, %shift_right_logical3A_1041 : vector<16xi32>
        %swap3A_1043 = arith.constant 144 : index
        %swap3A_1044 = tpu.vector_load %arg7[%swap3A_1043] {strides = array<i32>} : memref<208xi32, #tpu.memory_space<vmem>>, vector<16xi32>,
        %swap3A_1045 = vector.shape_cast %swap3A_1044 : vector<16xi32> to vector<16xi32>
        %swap3A_1046 = vector.shape_cast %shift_right_logical3A_1042 : vector<16xi32> to vector<16xi32>
        tpu.vector_store %arg7[%swap3A_1043], %swap3A_1046 {strides = array<i32>} : memref<208xi32, #tpu.memory_space<vmem>>, vector<16xi32>,
        %get3A_1047 = arith.constant 160 : index
        %get3A_1048 = tpu.vector_load %arg5[%get3A_1047] {strides = array<i32>} : memref<208xi32, #tpu.memory_space<vmem>>, vector<16xi32>,
        %get3A_1049 = vector.shape_cast %get3A_1048 : vector<16xi32> to vector<16xi32>
        %shift_right_logical3A_1050 = arith.constant 1 : i32
        %shift_right_logical3A_1051 = vector.broadcast %shift_right_logical3A_1050 : i32 to vector<16xi32>
        %shift_right_logical3A_1052 = arith.shrui %get3A_1049, %shift_right_logical3A_1051 : vector<16xi32>
        %swap3A_1053 = arith.constant 160 : index
        %swap3A_1054 = tpu.vector_load %arg7[%swap3A_1053] {strides = array<i32>} : memref<208xi32, #tpu.memory_space<vmem>>, vector<16xi32>,
        %swap3A_1055 = vector.shape_cast %swap3A_1054 : vector<16xi32> to vector<16xi32>
        %swap3A_1056 = vector.shape_cast %shift_right_logical3A_1052 : vector<16xi32> to vector<16xi32>
        tpu.vector_store %arg7[%swap3A_1053], %swap3A_1056 {strides = array<i32>} : memref<208xi32, #tpu.memory_space<vmem>>, vector<16xi32>,
        %get3A_1057 = arith.constant 176 : index
        %get3A_1058 = tpu.vector_load %arg5[%get3A_1057] {strides = array<i32>} : memref<208xi32, #tpu.memory_space<vmem>>, vector<16xi32>,
        %get3A_1059 = vector.shape_cast %get3A_1058 : vector<16xi32> to vector<16xi32>
        %shift_right_logical3A_1060 = arith.constant 1 : i32
        %shift_right_logical3A_1061 = vector.broadcast %shift_right_logical3A_1060 : i32 to vector<16xi32>
        %shift_right_logical3A_1062 = arith.shrui %get3A_1059, %shift_right_logical3A_1061 : vector<16xi32>
        %swap3A_1063 = arith.constant 176 : index
        %swap3A_1064 = tpu.vector_load %arg7[%swap3A_1063] {strides = array<i32>} : memref<208xi32, #tpu.memory_space<vmem>>, vector<16xi32>,
        %swap3A_1065 = vector.shape_cast %swap3A_1064 : vector<16xi32> to vector<16xi32>
        %swap3A_1066 = vector.shape_cast %shift_right_logical3A_1062 : vector<16xi32> to vector<16xi32>
        tpu.vector_store %arg7[%swap3A_1063], %swap3A_1066 {strides = array<i32>} : memref<208xi32, #tpu.memory_space<vmem>>, vector<16xi32>,
        %get3A_1067 = arith.constant 192 : index
        %get3A_1068 = tpu.vector_load %arg5[%get3A_1067] {strides = array<i32>} : memref<208xi32, #tpu.memory_space<vmem>>, vector<16xi32>,
        %get3A_1069 = vector.shape_cast %get3A_1068 : vector<16xi32> to vector<16xi32>
        %shift_right_logical3A_1070 = arith.constant 1 : i32
        %shift_right_logical3A_1071 = vector.broadcast %shift_right_logical3A_1070 : i32 to vector<16xi32>
        %shift_right_logical3A_1072 = arith.shrui %get3A_1069, %shift_right_logical3A_1071 : vector<16xi32>
        %lt3A_1073 = arith.constant 8 : i32
        %lt3A_1074 = vector.broadcast %lt3A_1073 : i32 to vector<16xi32>
        %lt3A_1075 = arith.cmpi slt, %iota3A_946, %lt3A_1074 : vector<16xi32>
        %jit3A_1076 = arith.constant 0 : i32
        %broadcast_in_dim3A_1077 = vector.broadcast %jit3A_1076 : i32 to vector<16xi32>
        %select_n3A_1078 = arith.select %lt3A_1075, %shift_right_logical3A_1072, %broadcast_in_dim3A_1077 : vector<16xi1>, vector<16xi32>
        %swap3A_1079 = arith.constant 192 : index
        %swap3A_1080 = tpu.vector_load %arg7[%swap3A_1079] {strides = array<i32>} : memref<208xi32, #tpu.memory_space<vmem>>, vector<16xi32>,
        %swap3A_1081 = vector.shape_cast %swap3A_1080 : vector<16xi32> to vector<16xi32>
        %swap3A_1082 = vector.shape_cast %select_n3A_1078 : vector<16xi32> to vector<16xi32>
        tpu.vector_store %arg7[%swap3A_1079], %swap3A_1082 {strides = array<i32>} : memref<208xi32, #tpu.memory_space<vmem>>, vector<16xi32>,
        %dma_start3A_1083 = arith.constant 0 : i32
        %dma_start3A_1084 = arith.constant 0 : i32
        %dma_start3A_1085 = tpu.memref_slice %arg3[%dma_start3A_1083, %dma_start3A_1084] : memref<500000x128xf32, #tpu.memory_space<hbm>> -> memref<500000x128xf32, #tpu.memory_space<hbm>>
        tpu.enqueue_indirect_dma source(%dma_start3A_1085 : memref<500000x128xf32, #tpu.memory_space<hbm>>) target(%arg9 : memref<208x128xf32, #tpu.memory_space<vmem>>) offsets(%arg7 : memref<208xi32, #tpu.memory_space<vmem>>) semaphore(%arg14 : memref<!tpu.dma_semaphore, #tpu.memory_space<semaphore_mem>>)
      } else {
      }
      %broadcast_in_dim3A_634 = arith.constant 0.000000e+00 : f32
      %broadcast_in_dim3A_635 = vector.broadcast %broadcast_in_dim3A_634 : f32 to vector<16xf32>
      %scan3A_636 = arith.constant 0 : i32
      %scan3A_637 = arith.constant 12 : i32
      %scan3A_638 = arith.addi %scan3A_636, %scan3A_637 : i32
      %scan3A_639 = arith.constant 1 : i32
      %scan3A_640:4 = scf.for %scan3A_935 = %scan3A_636 to %scan3A_638 step %scan3A_639 iter_args(%scan3A_936 = %broadcast_in_dim3A_635, %scan3A_937 = %broadcast_in_dim3A_635, %scan3A_938 = %broadcast_in_dim3A_635, %scan3A_939 = %broadcast_in_dim3A_635) -> (vector<16xf32>, vector<16xf32>, vector<16xf32>, vector<16xf32>)  : i32 {
        %mul3A_940 = arith.constant 16 : i32
        %mul3A_941 = arith.muli %scan3A_935, %mul3A_940 : i32
        %get3A_942 = arith.index_cast %mul3A_941 : i32 to index
        %get3A_943 = tpu.vector_load %arg6[%get3A_942] {strides = array<i32>} : memref<208xi32, #tpu.memory_space<vmem>>, vector<16xi32>,
        %get3A_944 = vector.shape_cast %get3A_943 : vector<16xi32> to vector<16xi32>
        %and3A_945 = arith.constant 1 : i32
        %and3A_946 = vector.broadcast %and3A_945 : i32 to vector<16xi32>
        %and3A_947 = arith.andi %get3A_944, %and3A_946 : vector<16xi32>
        %mul3A_948 = arith.constant 64 : i32
        %mul3A_949 = vector.broadcast %mul3A_948 : i32 to vector<16xi32>
        %mul3A_950 = arith.muli %and3A_947, %mul3A_949 : vector<16xi32>
        %mul3A_951 = arith.constant 16 : i32
        %mul3A_952 = arith.muli %scan3A_935, %mul3A_951 : i32
        %add3A_953 = arith.constant 0 : i32
        %add3A_954 = arith.addi %mul3A_952, %add3A_953 : i32
        %slice3A_955 = vector.extract_strided_slice %mul3A_950 {offsets = [0], sizes = [1], strides = [1]} : vector<16xi32> to vector<1xi32>
        %squeeze3A_956 = vector.extract %slice3A_955[0] : i32 from vector<1xi32>
        %get3A_957 = arith.index_cast %add3A_954 : i32 to index
        %get3A_958 = arith.index_cast %squeeze3A_956 : i32 to index
        %get3A_959 = tpu.vector_load %arg10[%get3A_957, %get3A_958] {strides = array<i32>} : memref<208x128xf32, #tpu.memory_space<vmem>>, vector<1x16xf32>,
        %get3A_960 = vector.shape_cast %get3A_959 : vector<1x16xf32> to vector<16xf32>
        %add3A_961 = arith.addf %scan3A_936, %get3A_960 : vector<16xf32>
        %add3A_962 = arith.constant 16 : i32
        %add3A_963 = arith.addi %squeeze3A_956, %add3A_962 : i32
        %get3A_964 = arith.index_cast %add3A_954 : i32 to index
        %get3A_965 = arith.index_cast %add3A_963 : i32 to index
        %get3A_966 = tpu.vector_load %arg10[%get3A_964, %get3A_965] {strides = array<i32>} : memref<208x128xf32, #tpu.memory_space<vmem>>, vector<1x16xf32>,
        %get3A_967 = vector.shape_cast %get3A_966 : vector<1x16xf32> to vector<16xf32>
        %add3A_968 = arith.addf %scan3A_937, %get3A_967 : vector<16xf32>
        %add3A_969 = arith.constant 32 : i32
        %add3A_970 = arith.addi %squeeze3A_956, %add3A_969 : i32
        %get3A_971 = arith.index_cast %add3A_954 : i32 to index
        %get3A_972 = arith.index_cast %add3A_970 : i32 to index
        %get3A_973 = tpu.vector_load %arg10[%get3A_971, %get3A_972] {strides = array<i32>} : memref<208x128xf32, #tpu.memory_space<vmem>>, vector<1x16xf32>,
        %get3A_974 = vector.shape_cast %get3A_973 : vector<1x16xf32> to vector<16xf32>
        %add3A_975 = arith.addf %scan3A_938, %get3A_974 : vector<16xf32>
        %add3A_976 = arith.constant 48 : i32
        %add3A_977 = arith.addi %squeeze3A_956, %add3A_976 : i32
        %get3A_978 = arith.index_cast %add3A_954 : i32 to index
        %get3A_979 = arith.index_cast %add3A_977 : i32 to index
        %get3A_980 = tpu.vector_load %arg10[%get3A_978, %get3A_979] {strides = array<i32>} : memref<208x128xf32, #tpu.memory_space<vmem>>, vector<1x16xf32>,
        %get3A_981 = vector.shape_cast %get3A_980 : vector<1x16xf32> to vector<16xf32>
        %add3A_982 = arith.addf %scan3A_939, %get3A_981 : vector<16xf32>
        %mul3A_983 = arith.constant 16 : i32
        %mul3A_984 = arith.muli %scan3A_935, %mul3A_983 : i32
        %add3A_985 = arith.constant 1 : i32
        %add3A_986 = arith.addi %mul3A_984, %add3A_985 : i32
        %slice3A_987 = vector.extract_strided_slice %mul3A_950 {offsets = [1], sizes = [1], strides = [1]} : vector<16xi32> to vector<1xi32>
        %squeeze3A_988 = vector.extract %slice3A_987[0] : i32 from vector<1xi32>
        %get3A_989 = arith.index_cast %add3A_986 : i32 to index
        %get3A_990 = arith.index_cast %squeeze3A_988 : i32 to index
        %get3A_991 = tpu.vector_load %arg10[%get3A_989, %get3A_990] {strides = array<i32>} : memref<208x128xf32, #tpu.memory_space<vmem>>, vector<1x16xf32>,
        %get3A_992 = vector.shape_cast %get3A_991 : vector<1x16xf32> to vector<16xf32>
        %add3A_993 = arith.addf %add3A_961, %get3A_992 : vector<16xf32>
        %add3A_994 = arith.constant 16 : i32
        %add3A_995 = arith.addi %squeeze3A_988, %add3A_994 : i32
        %get3A_996 = arith.index_cast %add3A_986 : i32 to index
        %get3A_997 = arith.index_cast %add3A_995 : i32 to index
        %get3A_998 = tpu.vector_load %arg10[%get3A_996, %get3A_997] {strides = array<i32>} : memref<208x128xf32, #tpu.memory_space<vmem>>, vector<1x16xf32>,
        %get3A_999 = vector.shape_cast %get3A_998 : vector<1x16xf32> to vector<16xf32>
        %add3A_1000 = arith.addf %add3A_968, %get3A_999 : vector<16xf32>
        %add3A_1001 = arith.constant 32 : i32
        %add3A_1002 = arith.addi %squeeze3A_988, %add3A_1001 : i32
        %get3A_1003 = arith.index_cast %add3A_986 : i32 to index
        %get3A_1004 = arith.index_cast %add3A_1002 : i32 to index
        %get3A_1005 = tpu.vector_load %arg10[%get3A_1003, %get3A_1004] {strides = array<i32>} : memref<208x128xf32, #tpu.memory_space<vmem>>, vector<1x16xf32>,
        %get3A_1006 = vector.shape_cast %get3A_1005 : vector<1x16xf32> to vector<16xf32>
        %add3A_1007 = arith.addf %add3A_975, %get3A_1006 : vector<16xf32>
        %add3A_1008 = arith.constant 48 : i32
        %add3A_1009 = arith.addi %squeeze3A_988, %add3A_1008 : i32
        %get3A_1010 = arith.index_cast %add3A_986 : i32 to index
        %get3A_1011 = arith.index_cast %add3A_1009 : i32 to index
        %get3A_1012 = tpu.vector_load %arg10[%get3A_1010, %get3A_1011] {strides = array<i32>} : memref<208x128xf32, #tpu.memory_space<vmem>>, vector<1x16xf32>,
        %get3A_1013 = vector.shape_cast %get3A_1012 : vector<1x16xf32> to vector<16xf32>
        %add3A_1014 = arith.addf %add3A_982, %get3A_1013 : vector<16xf32>
        %mul3A_1015 = arith.constant 16 : i32
        %mul3A_1016 = arith.muli %scan3A_935, %mul3A_1015 : i32
        %add3A_1017 = arith.constant 2 : i32
        %add3A_1018 = arith.addi %mul3A_1016, %add3A_1017 : i32
        %slice3A_1019 = vector.extract_strided_slice %mul3A_950 {offsets = [2], sizes = [1], strides = [1]} : vector<16xi32> to vector<1xi32>
        %squeeze3A_1020 = vector.extract %slice3A_1019[0] : i32 from vector<1xi32>
        %get3A_1021 = arith.index_cast %add3A_1018 : i32 to index
        %get3A_1022 = arith.index_cast %squeeze3A_1020 : i32 to index
        %get3A_1023 = tpu.vector_load %arg10[%get3A_1021, %get3A_1022] {strides = array<i32>} : memref<208x128xf32, #tpu.memory_space<vmem>>, vector<1x16xf32>,
        %get3A_1024 = vector.shape_cast %get3A_1023 : vector<1x16xf32> to vector<16xf32>
        %add3A_1025 = arith.addf %add3A_993, %get3A_1024 : vector<16xf32>
        %add3A_1026 = arith.constant 16 : i32
        %add3A_1027 = arith.addi %squeeze3A_1020, %add3A_1026 : i32
        %get3A_1028 = arith.index_cast %add3A_1018 : i32 to index
        %get3A_1029 = arith.index_cast %add3A_1027 : i32 to index
        %get3A_1030 = tpu.vector_load %arg10[%get3A_1028, %get3A_1029] {strides = array<i32>} : memref<208x128xf32, #tpu.memory_space<vmem>>, vector<1x16xf32>,
        %get3A_1031 = vector.shape_cast %get3A_1030 : vector<1x16xf32> to vector<16xf32>
        %add3A_1032 = arith.addf %add3A_1000, %get3A_1031 : vector<16xf32>
        %add3A_1033 = arith.constant 32 : i32
        %add3A_1034 = arith.addi %squeeze3A_1020, %add3A_1033 : i32
        %get3A_1035 = arith.index_cast %add3A_1018 : i32 to index
        %get3A_1036 = arith.index_cast %add3A_1034 : i32 to index
        %get3A_1037 = tpu.vector_load %arg10[%get3A_1035, %get3A_1036] {strides = array<i32>} : memref<208x128xf32, #tpu.memory_space<vmem>>, vector<1x16xf32>,
        %get3A_1038 = vector.shape_cast %get3A_1037 : vector<1x16xf32> to vector<16xf32>
        %add3A_1039 = arith.addf %add3A_1007, %get3A_1038 : vector<16xf32>
        %add3A_1040 = arith.constant 48 : i32
        %add3A_1041 = arith.addi %squeeze3A_1020, %add3A_1040 : i32
        %get3A_1042 = arith.index_cast %add3A_1018 : i32 to index
        %get3A_1043 = arith.index_cast %add3A_1041 : i32 to index
        %get3A_1044 = tpu.vector_load %arg10[%get3A_1042, %get3A_1043] {strides = array<i32>} : memref<208x128xf32, #tpu.memory_space<vmem>>, vector<1x16xf32>,
        %get3A_1045 = vector.shape_cast %get3A_1044 : vector<1x16xf32> to vector<16xf32>
        %add3A_1046 = arith.addf %add3A_1014, %get3A_1045 : vector<16xf32>
        %mul3A_1047 = arith.constant 16 : i32
        %mul3A_1048 = arith.muli %scan3A_935, %mul3A_1047 : i32
        %add3A_1049 = arith.constant 3 : i32
        %add3A_1050 = arith.addi %mul3A_1048, %add3A_1049 : i32
        %slice3A_1051 = vector.extract_strided_slice %mul3A_950 {offsets = [3], sizes = [1], strides = [1]} : vector<16xi32> to vector<1xi32>
        %squeeze3A_1052 = vector.extract %slice3A_1051[0] : i32 from vector<1xi32>
        %get3A_1053 = arith.index_cast %add3A_1050 : i32 to index
        %get3A_1054 = arith.index_cast %squeeze3A_1052 : i32 to index
        %get3A_1055 = tpu.vector_load %arg10[%get3A_1053, %get3A_1054] {strides = array<i32>} : memref<208x128xf32, #tpu.memory_space<vmem>>, vector<1x16xf32>,
        %get3A_1056 = vector.shape_cast %get3A_1055 : vector<1x16xf32> to vector<16xf32>
        %add3A_1057 = arith.addf %add3A_1025, %get3A_1056 : vector<16xf32>
        %add3A_1058 = arith.constant 16 : i32
        %add3A_1059 = arith.addi %squeeze3A_1052, %add3A_1058 : i32
        %get3A_1060 = arith.index_cast %add3A_1050 : i32 to index
        %get3A_1061 = arith.index_cast %add3A_1059 : i32 to index
        %get3A_1062 = tpu.vector_load %arg10[%get3A_1060, %get3A_1061] {strides = array<i32>} : memref<208x128xf32, #tpu.memory_space<vmem>>, vector<1x16xf32>,
        %get3A_1063 = vector.shape_cast %get3A_1062 : vector<1x16xf32> to vector<16xf32>
        %add3A_1064 = arith.addf %add3A_1032, %get3A_1063 : vector<16xf32>
        %add3A_1065 = arith.constant 32 : i32
        %add3A_1066 = arith.addi %squeeze3A_1052, %add3A_1065 : i32
        %get3A_1067 = arith.index_cast %add3A_1050 : i32 to index
        %get3A_1068 = arith.index_cast %add3A_1066 : i32 to index
        %get3A_1069 = tpu.vector_load %arg10[%get3A_1067, %get3A_1068] {strides = array<i32>} : memref<208x128xf32, #tpu.memory_space<vmem>>, vector<1x16xf32>,
        %get3A_1070 = vector.shape_cast %get3A_1069 : vector<1x16xf32> to vector<16xf32>
        %add3A_1071 = arith.addf %add3A_1039, %get3A_1070 : vector<16xf32>
        %add3A_1072 = arith.constant 48 : i32
        %add3A_1073 = arith.addi %squeeze3A_1052, %add3A_1072 : i32
        %get3A_1074 = arith.index_cast %add3A_1050 : i32 to index
        %get3A_1075 = arith.index_cast %add3A_1073 : i32 to index
        %get3A_1076 = tpu.vector_load %arg10[%get3A_1074, %get3A_1075] {strides = array<i32>} : memref<208x128xf32, #tpu.memory_space<vmem>>, vector<1x16xf32>,
        %get3A_1077 = vector.shape_cast %get3A_1076 : vector<1x16xf32> to vector<16xf32>
        %add3A_1078 = arith.addf %add3A_1046, %get3A_1077 : vector<16xf32>
        %mul3A_1079 = arith.constant 16 : i32
        %mul3A_1080 = arith.muli %scan3A_935, %mul3A_1079 : i32
        %add3A_1081 = arith.constant 4 : i32
        %add3A_1082 = arith.addi %mul3A_1080, %add3A_1081 : i32
        %slice3A_1083 = vector.extract_strided_slice %mul3A_950 {offsets = [4], sizes = [1], strides = [1]} : vector<16xi32> to vector<1xi32>
        %squeeze3A_1084 = vector.extract %slice3A_1083[0] : i32 from vector<1xi32>
        %get3A_1085 = arith.index_cast %add3A_1082 : i32 to index
        %get3A_1086 = arith.index_cast %squeeze3A_1084 : i32 to index
        %get3A_1087 = tpu.vector_load %arg10[%get3A_1085, %get3A_1086] {strides = array<i32>} : memref<208x128xf32, #tpu.memory_space<vmem>>, vector<1x16xf32>,
        %get3A_1088 = vector.shape_cast %get3A_1087 : vector<1x16xf32> to vector<16xf32>
        %add3A_1089 = arith.addf %add3A_1057, %get3A_1088 : vector<16xf32>
        %add3A_1090 = arith.constant 16 : i32
        %add3A_1091 = arith.addi %squeeze3A_1084, %add3A_1090 : i32
        %get3A_1092 = arith.index_cast %add3A_1082 : i32 to index
        %get3A_1093 = arith.index_cast %add3A_1091 : i32 to index
        %get3A_1094 = tpu.vector_load %arg10[%get3A_1092, %get3A_1093] {strides = array<i32>} : memref<208x128xf32, #tpu.memory_space<vmem>>, vector<1x16xf32>,
        %get3A_1095 = vector.shape_cast %get3A_1094 : vector<1x16xf32> to vector<16xf32>
        %add3A_1096 = arith.addf %add3A_1064, %get3A_1095 : vector<16xf32>
        %add3A_1097 = arith.constant 32 : i32
        %add3A_1098 = arith.addi %squeeze3A_1084, %add3A_1097 : i32
        %get3A_1099 = arith.index_cast %add3A_1082 : i32 to index
        %get3A_1100 = arith.index_cast %add3A_1098 : i32 to index
        %get3A_1101 = tpu.vector_load %arg10[%get3A_1099, %get3A_1100] {strides = array<i32>} : memref<208x128xf32, #tpu.memory_space<vmem>>, vector<1x16xf32>,
        %get3A_1102 = vector.shape_cast %get3A_1101 : vector<1x16xf32> to vector<16xf32>
        %add3A_1103 = arith.addf %add3A_1071, %get3A_1102 : vector<16xf32>
        %add3A_1104 = arith.constant 48 : i32
        %add3A_1105 = arith.addi %squeeze3A_1084, %add3A_1104 : i32
        %get3A_1106 = arith.index_cast %add3A_1082 : i32 to index
        %get3A_1107 = arith.index_cast %add3A_1105 : i32 to index
        %get3A_1108 = tpu.vector_load %arg10[%get3A_1106, %get3A_1107] {strides = array<i32>} : memref<208x128xf32, #tpu.memory_space<vmem>>, vector<1x16xf32>,
        %get3A_1109 = vector.shape_cast %get3A_1108 : vector<1x16xf32> to vector<16xf32>
        %add3A_1110 = arith.addf %add3A_1078, %get3A_1109 : vector<16xf32>
        %mul3A_1111 = arith.constant 16 : i32
        %mul3A_1112 = arith.muli %scan3A_935, %mul3A_1111 : i32
        %add3A_1113 = arith.constant 5 : i32
        %add3A_1114 = arith.addi %mul3A_1112, %add3A_1113 : i32
        %slice3A_1115 = vector.extract_strided_slice %mul3A_950 {offsets = [5], sizes = [1], strides = [1]} : vector<16xi32> to vector<1xi32>
        %squeeze3A_1116 = vector.extract %slice3A_1115[0] : i32 from vector<1xi32>
        %get3A_1117 = arith.index_cast %add3A_1114 : i32 to index
        %get3A_1118 = arith.index_cast %squeeze3A_1116 : i32 to index
        %get3A_1119 = tpu.vector_load %arg10[%get3A_1117, %get3A_1118] {strides = array<i32>} : memref<208x128xf32, #tpu.memory_space<vmem>>, vector<1x16xf32>,
        %get3A_1120 = vector.shape_cast %get3A_1119 : vector<1x16xf32> to vector<16xf32>
        %add3A_1121 = arith.addf %add3A_1089, %get3A_1120 : vector<16xf32>
        %add3A_1122 = arith.constant 16 : i32
        %add3A_1123 = arith.addi %squeeze3A_1116, %add3A_1122 : i32
        %get3A_1124 = arith.index_cast %add3A_1114 : i32 to index
        %get3A_1125 = arith.index_cast %add3A_1123 : i32 to index
        %get3A_1126 = tpu.vector_load %arg10[%get3A_1124, %get3A_1125] {strides = array<i32>} : memref<208x128xf32, #tpu.memory_space<vmem>>, vector<1x16xf32>,
        %get3A_1127 = vector.shape_cast %get3A_1126 : vector<1x16xf32> to vector<16xf32>
        %add3A_1128 = arith.addf %add3A_1096, %get3A_1127 : vector<16xf32>
        %add3A_1129 = arith.constant 32 : i32
        %add3A_1130 = arith.addi %squeeze3A_1116, %add3A_1129 : i32
        %get3A_1131 = arith.index_cast %add3A_1114 : i32 to index
        %get3A_1132 = arith.index_cast %add3A_1130 : i32 to index
        %get3A_1133 = tpu.vector_load %arg10[%get3A_1131, %get3A_1132] {strides = array<i32>} : memref<208x128xf32, #tpu.memory_space<vmem>>, vector<1x16xf32>,
        %get3A_1134 = vector.shape_cast %get3A_1133 : vector<1x16xf32> to vector<16xf32>
        %add3A_1135 = arith.addf %add3A_1103, %get3A_1134 : vector<16xf32>
        %add3A_1136 = arith.constant 48 : i32
        %add3A_1137 = arith.addi %squeeze3A_1116, %add3A_1136 : i32
        %get3A_1138 = arith.index_cast %add3A_1114 : i32 to index
        %get3A_1139 = arith.index_cast %add3A_1137 : i32 to index
        %get3A_1140 = tpu.vector_load %arg10[%get3A_1138, %get3A_1139] {strides = array<i32>} : memref<208x128xf32, #tpu.memory_space<vmem>>, vector<1x16xf32>,
        %get3A_1141 = vector.shape_cast %get3A_1140 : vector<1x16xf32> to vector<16xf32>
        %add3A_1142 = arith.addf %add3A_1110, %get3A_1141 : vector<16xf32>
        %mul3A_1143 = arith.constant 16 : i32
        %mul3A_1144 = arith.muli %scan3A_935, %mul3A_1143 : i32
        %add3A_1145 = arith.constant 6 : i32
        %add3A_1146 = arith.addi %mul3A_1144, %add3A_1145 : i32
        %slice3A_1147 = vector.extract_strided_slice %mul3A_950 {offsets = [6], sizes = [1], strides = [1]} : vector<16xi32> to vector<1xi32>
        %squeeze3A_1148 = vector.extract %slice3A_1147[0] : i32 from vector<1xi32>
        %get3A_1149 = arith.index_cast %add3A_1146 : i32 to index
        %get3A_1150 = arith.index_cast %squeeze3A_1148 : i32 to index
        %get3A_1151 = tpu.vector_load %arg10[%get3A_1149, %get3A_1150] {strides = array<i32>} : memref<208x128xf32, #tpu.memory_space<vmem>>, vector<1x16xf32>,
        %get3A_1152 = vector.shape_cast %get3A_1151 : vector<1x16xf32> to vector<16xf32>
        %add3A_1153 = arith.addf %add3A_1121, %get3A_1152 : vector<16xf32>
        %add3A_1154 = arith.constant 16 : i32
        %add3A_1155 = arith.addi %squeeze3A_1148, %add3A_1154 : i32
        %get3A_1156 = arith.index_cast %add3A_1146 : i32 to index
        %get3A_1157 = arith.index_cast %add3A_1155 : i32 to index
        %get3A_1158 = tpu.vector_load %arg10[%get3A_1156, %get3A_1157] {strides = array<i32>} : memref<208x128xf32, #tpu.memory_space<vmem>>, vector<1x16xf32>,
        %get3A_1159 = vector.shape_cast %get3A_1158 : vector<1x16xf32> to vector<16xf32>
        %add3A_1160 = arith.addf %add3A_1128, %get3A_1159 : vector<16xf32>
        %add3A_1161 = arith.constant 32 : i32
        %add3A_1162 = arith.addi %squeeze3A_1148, %add3A_1161 : i32
        %get3A_1163 = arith.index_cast %add3A_1146 : i32 to index
        %get3A_1164 = arith.index_cast %add3A_1162 : i32 to index
        %get3A_1165 = tpu.vector_load %arg10[%get3A_1163, %get3A_1164] {strides = array<i32>} : memref<208x128xf32, #tpu.memory_space<vmem>>, vector<1x16xf32>,
        %get3A_1166 = vector.shape_cast %get3A_1165 : vector<1x16xf32> to vector<16xf32>
        %add3A_1167 = arith.addf %add3A_1135, %get3A_1166 : vector<16xf32>
        %add3A_1168 = arith.constant 48 : i32
        %add3A_1169 = arith.addi %squeeze3A_1148, %add3A_1168 : i32
        %get3A_1170 = arith.index_cast %add3A_1146 : i32 to index
        %get3A_1171 = arith.index_cast %add3A_1169 : i32 to index
        %get3A_1172 = tpu.vector_load %arg10[%get3A_1170, %get3A_1171] {strides = array<i32>} : memref<208x128xf32, #tpu.memory_space<vmem>>, vector<1x16xf32>,
        %get3A_1173 = vector.shape_cast %get3A_1172 : vector<1x16xf32> to vector<16xf32>
        %add3A_1174 = arith.addf %add3A_1142, %get3A_1173 : vector<16xf32>
        %mul3A_1175 = arith.constant 16 : i32
        %mul3A_1176 = arith.muli %scan3A_935, %mul3A_1175 : i32
        %add3A_1177 = arith.constant 7 : i32
        %add3A_1178 = arith.addi %mul3A_1176, %add3A_1177 : i32
        %slice3A_1179 = vector.extract_strided_slice %mul3A_950 {offsets = [7], sizes = [1], strides = [1]} : vector<16xi32> to vector<1xi32>
        %squeeze3A_1180 = vector.extract %slice3A_1179[0] : i32 from vector<1xi32>
        %get3A_1181 = arith.index_cast %add3A_1178 : i32 to index
        %get3A_1182 = arith.index_cast %squeeze3A_1180 : i32 to index
        %get3A_1183 = tpu.vector_load %arg10[%get3A_1181, %get3A_1182] {strides = array<i32>} : memref<208x128xf32, #tpu.memory_space<vmem>>, vector<1x16xf32>,
        %get3A_1184 = vector.shape_cast %get3A_1183 : vector<1x16xf32> to vector<16xf32>
        %add3A_1185 = arith.addf %add3A_1153, %get3A_1184 : vector<16xf32>
        %add3A_1186 = arith.constant 16 : i32
        %add3A_1187 = arith.addi %squeeze3A_1180, %add3A_1186 : i32
        %get3A_1188 = arith.index_cast %add3A_1178 : i32 to index
        %get3A_1189 = arith.index_cast %add3A_1187 : i32 to index
        %get3A_1190 = tpu.vector_load %arg10[%get3A_1188, %get3A_1189] {strides = array<i32>} : memref<208x128xf32, #tpu.memory_space<vmem>>, vector<1x16xf32>,
        %get3A_1191 = vector.shape_cast %get3A_1190 : vector<1x16xf32> to vector<16xf32>
        %add3A_1192 = arith.addf %add3A_1160, %get3A_1191 : vector<16xf32>
        %add3A_1193 = arith.constant 32 : i32
        %add3A_1194 = arith.addi %squeeze3A_1180, %add3A_1193 : i32
        %get3A_1195 = arith.index_cast %add3A_1178 : i32 to index
        %get3A_1196 = arith.index_cast %add3A_1194 : i32 to index
        %get3A_1197 = tpu.vector_load %arg10[%get3A_1195, %get3A_1196] {strides = array<i32>} : memref<208x128xf32, #tpu.memory_space<vmem>>, vector<1x16xf32>,
        %get3A_1198 = vector.shape_cast %get3A_1197 : vector<1x16xf32> to vector<16xf32>
        %add3A_1199 = arith.addf %add3A_1167, %get3A_1198 : vector<16xf32>
        %add3A_1200 = arith.constant 48 : i32
        %add3A_1201 = arith.addi %squeeze3A_1180, %add3A_1200 : i32
        %get3A_1202 = arith.index_cast %add3A_1178 : i32 to index
        %get3A_1203 = arith.index_cast %add3A_1201 : i32 to index
        %get3A_1204 = tpu.vector_load %arg10[%get3A_1202, %get3A_1203] {strides = array<i32>} : memref<208x128xf32, #tpu.memory_space<vmem>>, vector<1x16xf32>,
        %get3A_1205 = vector.shape_cast %get3A_1204 : vector<1x16xf32> to vector<16xf32>
        %add3A_1206 = arith.addf %add3A_1174, %get3A_1205 : vector<16xf32>
        %mul3A_1207 = arith.constant 16 : i32
        %mul3A_1208 = arith.muli %scan3A_935, %mul3A_1207 : i32
        %add3A_1209 = arith.constant 8 : i32
        %add3A_1210 = arith.addi %mul3A_1208, %add3A_1209 : i32
        %slice3A_1211 = vector.extract_strided_slice %mul3A_950 {offsets = [8], sizes = [1], strides = [1]} : vector<16xi32> to vector<1xi32>
        %squeeze3A_1212 = vector.extract %slice3A_1211[0] : i32 from vector<1xi32>
        %get3A_1213 = arith.index_cast %add3A_1210 : i32 to index
        %get3A_1214 = arith.index_cast %squeeze3A_1212 : i32 to index
        %get3A_1215 = tpu.vector_load %arg10[%get3A_1213, %get3A_1214] {strides = array<i32>} : memref<208x128xf32, #tpu.memory_space<vmem>>, vector<1x16xf32>,
        %get3A_1216 = vector.shape_cast %get3A_1215 : vector<1x16xf32> to vector<16xf32>
        %add3A_1217 = arith.addf %add3A_1185, %get3A_1216 : vector<16xf32>
        %add3A_1218 = arith.constant 16 : i32
        %add3A_1219 = arith.addi %squeeze3A_1212, %add3A_1218 : i32
        %get3A_1220 = arith.index_cast %add3A_1210 : i32 to index
        %get3A_1221 = arith.index_cast %add3A_1219 : i32 to index
        %get3A_1222 = tpu.vector_load %arg10[%get3A_1220, %get3A_1221] {strides = array<i32>} : memref<208x128xf32, #tpu.memory_space<vmem>>, vector<1x16xf32>,
        %get3A_1223 = vector.shape_cast %get3A_1222 : vector<1x16xf32> to vector<16xf32>
        %add3A_1224 = arith.addf %add3A_1192, %get3A_1223 : vector<16xf32>
        %add3A_1225 = arith.constant 32 : i32
        %add3A_1226 = arith.addi %squeeze3A_1212, %add3A_1225 : i32
        %get3A_1227 = arith.index_cast %add3A_1210 : i32 to index
        %get3A_1228 = arith.index_cast %add3A_1226 : i32 to index
        %get3A_1229 = tpu.vector_load %arg10[%get3A_1227, %get3A_1228] {strides = array<i32>} : memref<208x128xf32, #tpu.memory_space<vmem>>, vector<1x16xf32>,
        %get3A_1230 = vector.shape_cast %get3A_1229 : vector<1x16xf32> to vector<16xf32>
        %add3A_1231 = arith.addf %add3A_1199, %get3A_1230 : vector<16xf32>
        %add3A_1232 = arith.constant 48 : i32
        %add3A_1233 = arith.addi %squeeze3A_1212, %add3A_1232 : i32
        %get3A_1234 = arith.index_cast %add3A_1210 : i32 to index
        %get3A_1235 = arith.index_cast %add3A_1233 : i32 to index
        %get3A_1236 = tpu.vector_load %arg10[%get3A_1234, %get3A_1235] {strides = array<i32>} : memref<208x128xf32, #tpu.memory_space<vmem>>, vector<1x16xf32>,
        %get3A_1237 = vector.shape_cast %get3A_1236 : vector<1x16xf32> to vector<16xf32>
        %add3A_1238 = arith.addf %add3A_1206, %get3A_1237 : vector<16xf32>
        %mul3A_1239 = arith.constant 16 : i32
        %mul3A_1240 = arith.muli %scan3A_935, %mul3A_1239 : i32
        %add3A_1241 = arith.constant 9 : i32
        %add3A_1242 = arith.addi %mul3A_1240, %add3A_1241 : i32
        %slice3A_1243 = vector.extract_strided_slice %mul3A_950 {offsets = [9], sizes = [1], strides = [1]} : vector<16xi32> to vector<1xi32>
        %squeeze3A_1244 = vector.extract %slice3A_1243[0] : i32 from vector<1xi32>
        %get3A_1245 = arith.index_cast %add3A_1242 : i32 to index
        %get3A_1246 = arith.index_cast %squeeze3A_1244 : i32 to index
        %get3A_1247 = tpu.vector_load %arg10[%get3A_1245, %get3A_1246] {strides = array<i32>} : memref<208x128xf32, #tpu.memory_space<vmem>>, vector<1x16xf32>,
        %get3A_1248 = vector.shape_cast %get3A_1247 : vector<1x16xf32> to vector<16xf32>
        %add3A_1249 = arith.addf %add3A_1217, %get3A_1248 : vector<16xf32>
        %add3A_1250 = arith.constant 16 : i32
        %add3A_1251 = arith.addi %squeeze3A_1244, %add3A_1250 : i32
        %get3A_1252 = arith.index_cast %add3A_1242 : i32 to index
        %get3A_1253 = arith.index_cast %add3A_1251 : i32 to index
        %get3A_1254 = tpu.vector_load %arg10[%get3A_1252, %get3A_1253] {strides = array<i32>} : memref<208x128xf32, #tpu.memory_space<vmem>>, vector<1x16xf32>,
        %get3A_1255 = vector.shape_cast %get3A_1254 : vector<1x16xf32> to vector<16xf32>
        %add3A_1256 = arith.addf %add3A_1224, %get3A_1255 : vector<16xf32>
        %add3A_1257 = arith.constant 32 : i32
        %add3A_1258 = arith.addi %squeeze3A_1244, %add3A_1257 : i32
        %get3A_1259 = arith.index_cast %add3A_1242 : i32 to index
        %get3A_1260 = arith.index_cast %add3A_1258 : i32 to index
        %get3A_1261 = tpu.vector_load %arg10[%get3A_1259, %get3A_1260] {strides = array<i32>} : memref<208x128xf32, #tpu.memory_space<vmem>>, vector<1x16xf32>,
        %get3A_1262 = vector.shape_cast %get3A_1261 : vector<1x16xf32> to vector<16xf32>
        %add3A_1263 = arith.addf %add3A_1231, %get3A_1262 : vector<16xf32>
        %add3A_1264 = arith.constant 48 : i32
        %add3A_1265 = arith.addi %squeeze3A_1244, %add3A_1264 : i32
        %get3A_1266 = arith.index_cast %add3A_1242 : i32 to index
        %get3A_1267 = arith.index_cast %add3A_1265 : i32 to index
        %get3A_1268 = tpu.vector_load %arg10[%get3A_1266, %get3A_1267] {strides = array<i32>} : memref<208x128xf32, #tpu.memory_space<vmem>>, vector<1x16xf32>,
        %get3A_1269 = vector.shape_cast %get3A_1268 : vector<1x16xf32> to vector<16xf32>
        %add3A_1270 = arith.addf %add3A_1238, %get3A_1269 : vector<16xf32>
        %mul3A_1271 = arith.constant 16 : i32
        %mul3A_1272 = arith.muli %scan3A_935, %mul3A_1271 : i32
        %add3A_1273 = arith.constant 10 : i32
        %add3A_1274 = arith.addi %mul3A_1272, %add3A_1273 : i32
        %slice3A_1275 = vector.extract_strided_slice %mul3A_950 {offsets = [10], sizes = [1], strides = [1]} : vector<16xi32> to vector<1xi32>
        %squeeze3A_1276 = vector.extract %slice3A_1275[0] : i32 from vector<1xi32>
        %get3A_1277 = arith.index_cast %add3A_1274 : i32 to index
        %get3A_1278 = arith.index_cast %squeeze3A_1276 : i32 to index
        %get3A_1279 = tpu.vector_load %arg10[%get3A_1277, %get3A_1278] {strides = array<i32>} : memref<208x128xf32, #tpu.memory_space<vmem>>, vector<1x16xf32>,
        %get3A_1280 = vector.shape_cast %get3A_1279 : vector<1x16xf32> to vector<16xf32>
        %add3A_1281 = arith.addf %add3A_1249, %get3A_1280 : vector<16xf32>
        %add3A_1282 = arith.constant 16 : i32
        %add3A_1283 = arith.addi %squeeze3A_1276, %add3A_1282 : i32
        %get3A_1284 = arith.index_cast %add3A_1274 : i32 to index
        %get3A_1285 = arith.index_cast %add3A_1283 : i32 to index
        %get3A_1286 = tpu.vector_load %arg10[%get3A_1284, %get3A_1285] {strides = array<i32>} : memref<208x128xf32, #tpu.memory_space<vmem>>, vector<1x16xf32>,
        %get3A_1287 = vector.shape_cast %get3A_1286 : vector<1x16xf32> to vector<16xf32>
        %add3A_1288 = arith.addf %add3A_1256, %get3A_1287 : vector<16xf32>
        %add3A_1289 = arith.constant 32 : i32
        %add3A_1290 = arith.addi %squeeze3A_1276, %add3A_1289 : i32
        %get3A_1291 = arith.index_cast %add3A_1274 : i32 to index
        %get3A_1292 = arith.index_cast %add3A_1290 : i32 to index
        %get3A_1293 = tpu.vector_load %arg10[%get3A_1291, %get3A_1292] {strides = array<i32>} : memref<208x128xf32, #tpu.memory_space<vmem>>, vector<1x16xf32>,
        %get3A_1294 = vector.shape_cast %get3A_1293 : vector<1x16xf32> to vector<16xf32>
        %add3A_1295 = arith.addf %add3A_1263, %get3A_1294 : vector<16xf32>
        %add3A_1296 = arith.constant 48 : i32
        %add3A_1297 = arith.addi %squeeze3A_1276, %add3A_1296 : i32
        %get3A_1298 = arith.index_cast %add3A_1274 : i32 to index
        %get3A_1299 = arith.index_cast %add3A_1297 : i32 to index
        %get3A_1300 = tpu.vector_load %arg10[%get3A_1298, %get3A_1299] {strides = array<i32>} : memref<208x128xf32, #tpu.memory_space<vmem>>, vector<1x16xf32>,
        %get3A_1301 = vector.shape_cast %get3A_1300 : vector<1x16xf32> to vector<16xf32>
        %add3A_1302 = arith.addf %add3A_1270, %get3A_1301 : vector<16xf32>
        %mul3A_1303 = arith.constant 16 : i32
        %mul3A_1304 = arith.muli %scan3A_935, %mul3A_1303 : i32
        %add3A_1305 = arith.constant 11 : i32
        %add3A_1306 = arith.addi %mul3A_1304, %add3A_1305 : i32
        %slice3A_1307 = vector.extract_strided_slice %mul3A_950 {offsets = [11], sizes = [1], strides = [1]} : vector<16xi32> to vector<1xi32>
        %squeeze3A_1308 = vector.extract %slice3A_1307[0] : i32 from vector<1xi32>
        %get3A_1309 = arith.index_cast %add3A_1306 : i32 to index
        %get3A_1310 = arith.index_cast %squeeze3A_1308 : i32 to index
        %get3A_1311 = tpu.vector_load %arg10[%get3A_1309, %get3A_1310] {strides = array<i32>} : memref<208x128xf32, #tpu.memory_space<vmem>>, vector<1x16xf32>,
        %get3A_1312 = vector.shape_cast %get3A_1311 : vector<1x16xf32> to vector<16xf32>
        %add3A_1313 = arith.addf %add3A_1281, %get3A_1312 : vector<16xf32>
        %add3A_1314 = arith.constant 16 : i32
        %add3A_1315 = arith.addi %squeeze3A_1308, %add3A_1314 : i32
        %get3A_1316 = arith.index_cast %add3A_1306 : i32 to index
        %get3A_1317 = arith.index_cast %add3A_1315 : i32 to index
        %get3A_1318 = tpu.vector_load %arg10[%get3A_1316, %get3A_1317] {strides = array<i32>} : memref<208x128xf32, #tpu.memory_space<vmem>>, vector<1x16xf32>,
        %get3A_1319 = vector.shape_cast %get3A_1318 : vector<1x16xf32> to vector<16xf32>
        %add3A_1320 = arith.addf %add3A_1288, %get3A_1319 : vector<16xf32>
        %add3A_1321 = arith.constant 32 : i32
        %add3A_1322 = arith.addi %squeeze3A_1308, %add3A_1321 : i32
        %get3A_1323 = arith.index_cast %add3A_1306 : i32 to index
        %get3A_1324 = arith.index_cast %add3A_1322 : i32 to index
        %get3A_1325 = tpu.vector_load %arg10[%get3A_1323, %get3A_1324] {strides = array<i32>} : memref<208x128xf32, #tpu.memory_space<vmem>>, vector<1x16xf32>,
        %get3A_1326 = vector.shape_cast %get3A_1325 : vector<1x16xf32> to vector<16xf32>
        %add3A_1327 = arith.addf %add3A_1295, %get3A_1326 : vector<16xf32>
        %add3A_1328 = arith.constant 48 : i32
        %add3A_1329 = arith.addi %squeeze3A_1308, %add3A_1328 : i32
        %get3A_1330 = arith.index_cast %add3A_1306 : i32 to index
        %get3A_1331 = arith.index_cast %add3A_1329 : i32 to index
        %get3A_1332 = tpu.vector_load %arg10[%get3A_1330, %get3A_1331] {strides = array<i32>} : memref<208x128xf32, #tpu.memory_space<vmem>>, vector<1x16xf32>,
        %get3A_1333 = vector.shape_cast %get3A_1332 : vector<1x16xf32> to vector<16xf32>
        %add3A_1334 = arith.addf %add3A_1302, %get3A_1333 : vector<16xf32>
        %mul3A_1335 = arith.constant 16 : i32
        %mul3A_1336 = arith.muli %scan3A_935, %mul3A_1335 : i32
        %add3A_1337 = arith.constant 12 : i32
        %add3A_1338 = arith.addi %mul3A_1336, %add3A_1337 : i32
        %slice3A_1339 = vector.extract_strided_slice %mul3A_950 {offsets = [12], sizes = [1], strides = [1]} : vector<16xi32> to vector<1xi32>
        %squeeze3A_1340 = vector.extract %slice3A_1339[0] : i32 from vector<1xi32>
        %get3A_1341 = arith.index_cast %add3A_1338 : i32 to index
        %get3A_1342 = arith.index_cast %squeeze3A_1340 : i32 to index
        %get3A_1343 = tpu.vector_load %arg10[%get3A_1341, %get3A_1342] {strides = array<i32>} : memref<208x128xf32, #tpu.memory_space<vmem>>, vector<1x16xf32>,
        %get3A_1344 = vector.shape_cast %get3A_1343 : vector<1x16xf32> to vector<16xf32>
        %add3A_1345 = arith.addf %add3A_1313, %get3A_1344 : vector<16xf32>
        %add3A_1346 = arith.constant 16 : i32
        %add3A_1347 = arith.addi %squeeze3A_1340, %add3A_1346 : i32
        %get3A_1348 = arith.index_cast %add3A_1338 : i32 to index
        %get3A_1349 = arith.index_cast %add3A_1347 : i32 to index
        %get3A_1350 = tpu.vector_load %arg10[%get3A_1348, %get3A_1349] {strides = array<i32>} : memref<208x128xf32, #tpu.memory_space<vmem>>, vector<1x16xf32>,
        %get3A_1351 = vector.shape_cast %get3A_1350 : vector<1x16xf32> to vector<16xf32>
        %add3A_1352 = arith.addf %add3A_1320, %get3A_1351 : vector<16xf32>
        %add3A_1353 = arith.constant 32 : i32
        %add3A_1354 = arith.addi %squeeze3A_1340, %add3A_1353 : i32
        %get3A_1355 = arith.index_cast %add3A_1338 : i32 to index
        %get3A_1356 = arith.index_cast %add3A_1354 : i32 to index
        %get3A_1357 = tpu.vector_load %arg10[%get3A_1355, %get3A_1356] {strides = array<i32>} : memref<208x128xf32, #tpu.memory_space<vmem>>, vector<1x16xf32>,
        %get3A_1358 = vector.shape_cast %get3A_1357 : vector<1x16xf32> to vector<16xf32>
        %add3A_1359 = arith.addf %add3A_1327, %get3A_1358 : vector<16xf32>
        %add3A_1360 = arith.constant 48 : i32
        %add3A_1361 = arith.addi %squeeze3A_1340, %add3A_1360 : i32
        %get3A_1362 = arith.index_cast %add3A_1338 : i32 to index
        %get3A_1363 = arith.index_cast %add3A_1361 : i32 to index
        %get3A_1364 = tpu.vector_load %arg10[%get3A_1362, %get3A_1363] {strides = array<i32>} : memref<208x128xf32, #tpu.memory_space<vmem>>, vector<1x16xf32>,
        %get3A_1365 = vector.shape_cast %get3A_1364 : vector<1x16xf32> to vector<16xf32>
        %add3A_1366 = arith.addf %add3A_1334, %get3A_1365 : vector<16xf32>
        %mul3A_1367 = arith.constant 16 : i32
        %mul3A_1368 = arith.muli %scan3A_935, %mul3A_1367 : i32
        %add3A_1369 = arith.constant 13 : i32
        %add3A_1370 = arith.addi %mul3A_1368, %add3A_1369 : i32
        %slice3A_1371 = vector.extract_strided_slice %mul3A_950 {offsets = [13], sizes = [1], strides = [1]} : vector<16xi32> to vector<1xi32>
        %squeeze3A_1372 = vector.extract %slice3A_1371[0] : i32 from vector<1xi32>
        %get3A_1373 = arith.index_cast %add3A_1370 : i32 to index
        %get3A_1374 = arith.index_cast %squeeze3A_1372 : i32 to index
        %get3A_1375 = tpu.vector_load %arg10[%get3A_1373, %get3A_1374] {strides = array<i32>} : memref<208x128xf32, #tpu.memory_space<vmem>>, vector<1x16xf32>,
        %get3A_1376 = vector.shape_cast %get3A_1375 : vector<1x16xf32> to vector<16xf32>
        %add3A_1377 = arith.addf %add3A_1345, %get3A_1376 : vector<16xf32>
        %add3A_1378 = arith.constant 16 : i32
        %add3A_1379 = arith.addi %squeeze3A_1372, %add3A_1378 : i32
        %get3A_1380 = arith.index_cast %add3A_1370 : i32 to index
        %get3A_1381 = arith.index_cast %add3A_1379 : i32 to index
        %get3A_1382 = tpu.vector_load %arg10[%get3A_1380, %get3A_1381] {strides = array<i32>} : memref<208x128xf32, #tpu.memory_space<vmem>>, vector<1x16xf32>,
        %get3A_1383 = vector.shape_cast %get3A_1382 : vector<1x16xf32> to vector<16xf32>
        %add3A_1384 = arith.addf %add3A_1352, %get3A_1383 : vector<16xf32>
        %add3A_1385 = arith.constant 32 : i32
        %add3A_1386 = arith.addi %squeeze3A_1372, %add3A_1385 : i32
        %get3A_1387 = arith.index_cast %add3A_1370 : i32 to index
        %get3A_1388 = arith.index_cast %add3A_1386 : i32 to index
        %get3A_1389 = tpu.vector_load %arg10[%get3A_1387, %get3A_1388] {strides = array<i32>} : memref<208x128xf32, #tpu.memory_space<vmem>>, vector<1x16xf32>,
        %get3A_1390 = vector.shape_cast %get3A_1389 : vector<1x16xf32> to vector<16xf32>
        %add3A_1391 = arith.addf %add3A_1359, %get3A_1390 : vector<16xf32>
        %add3A_1392 = arith.constant 48 : i32
        %add3A_1393 = arith.addi %squeeze3A_1372, %add3A_1392 : i32
        %get3A_1394 = arith.index_cast %add3A_1370 : i32 to index
        %get3A_1395 = arith.index_cast %add3A_1393 : i32 to index
        %get3A_1396 = tpu.vector_load %arg10[%get3A_1394, %get3A_1395] {strides = array<i32>} : memref<208x128xf32, #tpu.memory_space<vmem>>, vector<1x16xf32>,
        %get3A_1397 = vector.shape_cast %get3A_1396 : vector<1x16xf32> to vector<16xf32>
        %add3A_1398 = arith.addf %add3A_1366, %get3A_1397 : vector<16xf32>
        %mul3A_1399 = arith.constant 16 : i32
        %mul3A_1400 = arith.muli %scan3A_935, %mul3A_1399 : i32
        %add3A_1401 = arith.constant 14 : i32
        %add3A_1402 = arith.addi %mul3A_1400, %add3A_1401 : i32
        %slice3A_1403 = vector.extract_strided_slice %mul3A_950 {offsets = [14], sizes = [1], strides = [1]} : vector<16xi32> to vector<1xi32>
        %squeeze3A_1404 = vector.extract %slice3A_1403[0] : i32 from vector<1xi32>
        %get3A_1405 = arith.index_cast %add3A_1402 : i32 to index
        %get3A_1406 = arith.index_cast %squeeze3A_1404 : i32 to index
        %get3A_1407 = tpu.vector_load %arg10[%get3A_1405, %get3A_1406] {strides = array<i32>} : memref<208x128xf32, #tpu.memory_space<vmem>>, vector<1x16xf32>,
        %get3A_1408 = vector.shape_cast %get3A_1407 : vector<1x16xf32> to vector<16xf32>
        %add3A_1409 = arith.addf %add3A_1377, %get3A_1408 : vector<16xf32>
        %add3A_1410 = arith.constant 16 : i32
        %add3A_1411 = arith.addi %squeeze3A_1404, %add3A_1410 : i32
        %get3A_1412 = arith.index_cast %add3A_1402 : i32 to index
        %get3A_1413 = arith.index_cast %add3A_1411 : i32 to index
        %get3A_1414 = tpu.vector_load %arg10[%get3A_1412, %get3A_1413] {strides = array<i32>} : memref<208x128xf32, #tpu.memory_space<vmem>>, vector<1x16xf32>,
        %get3A_1415 = vector.shape_cast %get3A_1414 : vector<1x16xf32> to vector<16xf32>
        %add3A_1416 = arith.addf %add3A_1384, %get3A_1415 : vector<16xf32>
        %add3A_1417 = arith.constant 32 : i32
        %add3A_1418 = arith.addi %squeeze3A_1404, %add3A_1417 : i32
        %get3A_1419 = arith.index_cast %add3A_1402 : i32 to index
        %get3A_1420 = arith.index_cast %add3A_1418 : i32 to index
        %get3A_1421 = tpu.vector_load %arg10[%get3A_1419, %get3A_1420] {strides = array<i32>} : memref<208x128xf32, #tpu.memory_space<vmem>>, vector<1x16xf32>,
        %get3A_1422 = vector.shape_cast %get3A_1421 : vector<1x16xf32> to vector<16xf32>
        %add3A_1423 = arith.addf %add3A_1391, %get3A_1422 : vector<16xf32>
        %add3A_1424 = arith.constant 48 : i32
        %add3A_1425 = arith.addi %squeeze3A_1404, %add3A_1424 : i32
        %get3A_1426 = arith.index_cast %add3A_1402 : i32 to index
        %get3A_1427 = arith.index_cast %add3A_1425 : i32 to index
        %get3A_1428 = tpu.vector_load %arg10[%get3A_1426, %get3A_1427] {strides = array<i32>} : memref<208x128xf32, #tpu.memory_space<vmem>>, vector<1x16xf32>,
        %get3A_1429 = vector.shape_cast %get3A_1428 : vector<1x16xf32> to vector<16xf32>
        %add3A_1430 = arith.addf %add3A_1398, %get3A_1429 : vector<16xf32>
        %mul3A_1431 = arith.constant 16 : i32
        %mul3A_1432 = arith.muli %scan3A_935, %mul3A_1431 : i32
        %add3A_1433 = arith.constant 15 : i32
        %add3A_1434 = arith.addi %mul3A_1432, %add3A_1433 : i32
        %slice3A_1435 = vector.extract_strided_slice %mul3A_950 {offsets = [15], sizes = [1], strides = [1]} : vector<16xi32> to vector<1xi32>
        %squeeze3A_1436 = vector.extract %slice3A_1435[0] : i32 from vector<1xi32>
        %get3A_1437 = arith.index_cast %add3A_1434 : i32 to index
        %get3A_1438 = arith.index_cast %squeeze3A_1436 : i32 to index
        %get3A_1439 = tpu.vector_load %arg10[%get3A_1437, %get3A_1438] {strides = array<i32>} : memref<208x128xf32, #tpu.memory_space<vmem>>, vector<1x16xf32>,
        %get3A_1440 = vector.shape_cast %get3A_1439 : vector<1x16xf32> to vector<16xf32>
        %add3A_1441 = arith.addf %add3A_1409, %get3A_1440 : vector<16xf32>
        %add3A_1442 = arith.constant 16 : i32
        %add3A_1443 = arith.addi %squeeze3A_1436, %add3A_1442 : i32
        %get3A_1444 = arith.index_cast %add3A_1434 : i32 to index
        %get3A_1445 = arith.index_cast %add3A_1443 : i32 to index
        %get3A_1446 = tpu.vector_load %arg10[%get3A_1444, %get3A_1445] {strides = array<i32>} : memref<208x128xf32, #tpu.memory_space<vmem>>, vector<1x16xf32>,
        %get3A_1447 = vector.shape_cast %get3A_1446 : vector<1x16xf32> to vector<16xf32>
        %add3A_1448 = arith.addf %add3A_1416, %get3A_1447 : vector<16xf32>
        %add3A_1449 = arith.constant 32 : i32
        %add3A_1450 = arith.addi %squeeze3A_1436, %add3A_1449 : i32
        %get3A_1451 = arith.index_cast %add3A_1434 : i32 to index
        %get3A_1452 = arith.index_cast %add3A_1450 : i32 to index
        %get3A_1453 = tpu.vector_load %arg10[%get3A_1451, %get3A_1452] {strides = array<i32>} : memref<208x128xf32, #tpu.memory_space<vmem>>, vector<1x16xf32>,
        %get3A_1454 = vector.shape_cast %get3A_1453 : vector<1x16xf32> to vector<16xf32>
        %add3A_1455 = arith.addf %add3A_1423, %get3A_1454 : vector<16xf32>
        %add3A_1456 = arith.constant 48 : i32
        %add3A_1457 = arith.addi %squeeze3A_1436, %add3A_1456 : i32
        %get3A_1458 = arith.index_cast %add3A_1434 : i32 to index
        %get3A_1459 = arith.index_cast %add3A_1457 : i32 to index
        %get3A_1460 = tpu.vector_load %arg10[%get3A_1458, %get3A_1459] {strides = array<i32>} : memref<208x128xf32, #tpu.memory_space<vmem>>, vector<1x16xf32>,
        %get3A_1461 = vector.shape_cast %get3A_1460 : vector<1x16xf32> to vector<16xf32>
        %add3A_1462 = arith.addf %add3A_1430, %get3A_1461 : vector<16xf32>
        scf.yield %add3A_1441, %add3A_1448, %add3A_1455, %add3A_1462 : vector<16xf32>, vector<16xf32>, vector<16xf32>, vector<16xf32>
      }
      %scan3A_641 = arith.constant 12 : i32
      %get3A_642 = arith.constant 192 : index
      %get3A_643 = tpu.vector_load %arg6[%get3A_642] {strides = array<i32>} : memref<208xi32, #tpu.memory_space<vmem>>, vector<16xi32>,
      %get3A_644 = vector.shape_cast %get3A_643 : vector<16xi32> to vector<16xi32>
      %and3A_645 = arith.constant 1 : i32
      %and3A_646 = vector.broadcast %and3A_645 : i32 to vector<16xi32>
      %and3A_647 = arith.andi %get3A_644, %and3A_646 : vector<16xi32>
      %mul3A_648 = arith.constant 64 : i32
      %mul3A_649 = vector.broadcast %mul3A_648 : i32 to vector<16xi32>
      %mul3A_650 = arith.muli %and3A_647, %mul3A_649 : vector<16xi32>
      %slice3A_651 = vector.extract_strided_slice %mul3A_650 {offsets = [0], sizes = [1], strides = [1]} : vector<16xi32> to vector<1xi32>
      %squeeze3A_652 = vector.extract %slice3A_651[0] : i32 from vector<1xi32>
      %get3A_653 = arith.constant 192 : i32
      %get3A_654 = arith.index_cast %get3A_653 : i32 to index
      %get3A_655 = arith.index_cast %squeeze3A_652 : i32 to index
      %get3A_656 = tpu.vector_load %arg10[%get3A_654, %get3A_655] {strides = array<i32>} : memref<208x128xf32, #tpu.memory_space<vmem>>, vector<1x16xf32>,
      %get3A_657 = vector.shape_cast %get3A_656 : vector<1x16xf32> to vector<16xf32>
      %add3A_658 = arith.addf %scan3A_640#0, %get3A_657 : vector<16xf32>
      %add3A_659 = arith.constant 16 : i32
      %add3A_660 = arith.addi %squeeze3A_652, %add3A_659 : i32
      %get3A_661 = arith.constant 192 : i32
      %get3A_662 = arith.index_cast %get3A_661 : i32 to index
      %get3A_663 = arith.index_cast %add3A_660 : i32 to index
      %get3A_664 = tpu.vector_load %arg10[%get3A_662, %get3A_663] {strides = array<i32>} : memref<208x128xf32, #tpu.memory_space<vmem>>, vector<1x16xf32>,
      %get3A_665 = vector.shape_cast %get3A_664 : vector<1x16xf32> to vector<16xf32>
      %add3A_666 = arith.addf %scan3A_640#1, %get3A_665 : vector<16xf32>
      %add3A_667 = arith.constant 32 : i32
      %add3A_668 = arith.addi %squeeze3A_652, %add3A_667 : i32
      %get3A_669 = arith.constant 192 : i32
      %get3A_670 = arith.index_cast %get3A_669 : i32 to index
      %get3A_671 = arith.index_cast %add3A_668 : i32 to index
      %get3A_672 = tpu.vector_load %arg10[%get3A_670, %get3A_671] {strides = array<i32>} : memref<208x128xf32, #tpu.memory_space<vmem>>, vector<1x16xf32>,
      %get3A_673 = vector.shape_cast %get3A_672 : vector<1x16xf32> to vector<16xf32>
      %add3A_674 = arith.addf %scan3A_640#2, %get3A_673 : vector<16xf32>
      %add3A_675 = arith.constant 48 : i32
      %add3A_676 = arith.addi %squeeze3A_652, %add3A_675 : i32
      %get3A_677 = arith.constant 192 : i32
      %get3A_678 = arith.index_cast %get3A_677 : i32 to index
      %get3A_679 = arith.index_cast %add3A_676 : i32 to index
      %get3A_680 = tpu.vector_load %arg10[%get3A_678, %get3A_679] {strides = array<i32>} : memref<208x128xf32, #tpu.memory_space<vmem>>, vector<1x16xf32>,
      %get3A_681 = vector.shape_cast %get3A_680 : vector<1x16xf32> to vector<16xf32>
      %add3A_682 = arith.addf %scan3A_640#3, %get3A_681 : vector<16xf32>
      %slice3A_683 = vector.extract_strided_slice %mul3A_650 {offsets = [1], sizes = [1], strides = [1]} : vector<16xi32> to vector<1xi32>
      %squeeze3A_684 = vector.extract %slice3A_683[0] : i32 from vector<1xi32>
      %get3A_685 = arith.constant 193 : i32
      %get3A_686 = arith.index_cast %get3A_685 : i32 to index
      %get3A_687 = arith.index_cast %squeeze3A_684 : i32 to index
      %get3A_688 = tpu.vector_load %arg10[%get3A_686, %get3A_687] {strides = array<i32>} : memref<208x128xf32, #tpu.memory_space<vmem>>, vector<1x16xf32>,
      %get3A_689 = vector.shape_cast %get3A_688 : vector<1x16xf32> to vector<16xf32>
      %add3A_690 = arith.addf %add3A_658, %get3A_689 : vector<16xf32>
      %add3A_691 = arith.constant 16 : i32
      %add3A_692 = arith.addi %squeeze3A_684, %add3A_691 : i32
      %get3A_693 = arith.constant 193 : i32
      %get3A_694 = arith.index_cast %get3A_693 : i32 to index
      %get3A_695 = arith.index_cast %add3A_692 : i32 to index
      %get3A_696 = tpu.vector_load %arg10[%get3A_694, %get3A_695] {strides = array<i32>} : memref<208x128xf32, #tpu.memory_space<vmem>>, vector<1x16xf32>,
      %get3A_697 = vector.shape_cast %get3A_696 : vector<1x16xf32> to vector<16xf32>
      %add3A_698 = arith.addf %add3A_666, %get3A_697 : vector<16xf32>
      %add3A_699 = arith.constant 32 : i32
      %add3A_700 = arith.addi %squeeze3A_684, %add3A_699 : i32
      %get3A_701 = arith.constant 193 : i32
      %get3A_702 = arith.index_cast %get3A_701 : i32 to index
      %get3A_703 = arith.index_cast %add3A_700 : i32 to index
      %get3A_704 = tpu.vector_load %arg10[%get3A_702, %get3A_703] {strides = array<i32>} : memref<208x128xf32, #tpu.memory_space<vmem>>, vector<1x16xf32>,
      %get3A_705 = vector.shape_cast %get3A_704 : vector<1x16xf32> to vector<16xf32>
      %add3A_706 = arith.addf %add3A_674, %get3A_705 : vector<16xf32>
      %add3A_707 = arith.constant 48 : i32
      %add3A_708 = arith.addi %squeeze3A_684, %add3A_707 : i32
      %get3A_709 = arith.constant 193 : i32
      %get3A_710 = arith.index_cast %get3A_709 : i32 to index
      %get3A_711 = arith.index_cast %add3A_708 : i32 to index
      %get3A_712 = tpu.vector_load %arg10[%get3A_710, %get3A_711] {strides = array<i32>} : memref<208x128xf32, #tpu.memory_space<vmem>>, vector<1x16xf32>,
      %get3A_713 = vector.shape_cast %get3A_712 : vector<1x16xf32> to vector<16xf32>
      %add3A_714 = arith.addf %add3A_682, %get3A_713 : vector<16xf32>
      %slice3A_715 = vector.extract_strided_slice %mul3A_650 {offsets = [2], sizes = [1], strides = [1]} : vector<16xi32> to vector<1xi32>
      %squeeze3A_716 = vector.extract %slice3A_715[0] : i32 from vector<1xi32>
      %get3A_717 = arith.constant 194 : i32
      %get3A_718 = arith.index_cast %get3A_717 : i32 to index
      %get3A_719 = arith.index_cast %squeeze3A_716 : i32 to index
      %get3A_720 = tpu.vector_load %arg10[%get3A_718, %get3A_719] {strides = array<i32>} : memref<208x128xf32, #tpu.memory_space<vmem>>, vector<1x16xf32>,
      %get3A_721 = vector.shape_cast %get3A_720 : vector<1x16xf32> to vector<16xf32>
      %add3A_722 = arith.addf %add3A_690, %get3A_721 : vector<16xf32>
      %add3A_723 = arith.constant 16 : i32
      %add3A_724 = arith.addi %squeeze3A_716, %add3A_723 : i32
      %get3A_725 = arith.constant 194 : i32
      %get3A_726 = arith.index_cast %get3A_725 : i32 to index
      %get3A_727 = arith.index_cast %add3A_724 : i32 to index
      %get3A_728 = tpu.vector_load %arg10[%get3A_726, %get3A_727] {strides = array<i32>} : memref<208x128xf32, #tpu.memory_space<vmem>>, vector<1x16xf32>,
      %get3A_729 = vector.shape_cast %get3A_728 : vector<1x16xf32> to vector<16xf32>
      %add3A_730 = arith.addf %add3A_698, %get3A_729 : vector<16xf32>
      %add3A_731 = arith.constant 32 : i32
      %add3A_732 = arith.addi %squeeze3A_716, %add3A_731 : i32
      %get3A_733 = arith.constant 194 : i32
      %get3A_734 = arith.index_cast %get3A_733 : i32 to index
      %get3A_735 = arith.index_cast %add3A_732 : i32 to index
      %get3A_736 = tpu.vector_load %arg10[%get3A_734, %get3A_735] {strides = array<i32>} : memref<208x128xf32, #tpu.memory_space<vmem>>, vector<1x16xf32>,
      %get3A_737 = vector.shape_cast %get3A_736 : vector<1x16xf32> to vector<16xf32>
      %add3A_738 = arith.addf %add3A_706, %get3A_737 : vector<16xf32>
      %add3A_739 = arith.constant 48 : i32
      %add3A_740 = arith.addi %squeeze3A_716, %add3A_739 : i32
      %get3A_741 = arith.constant 194 : i32
      %get3A_742 = arith.index_cast %get3A_741 : i32 to index
      %get3A_743 = arith.index_cast %add3A_740 : i32 to index
      %get3A_744 = tpu.vector_load %arg10[%get3A_742, %get3A_743] {strides = array<i32>} : memref<208x128xf32, #tpu.memory_space<vmem>>, vector<1x16xf32>,
      %get3A_745 = vector.shape_cast %get3A_744 : vector<1x16xf32> to vector<16xf32>
      %add3A_746 = arith.addf %add3A_714, %get3A_745 : vector<16xf32>
      %slice3A_747 = vector.extract_strided_slice %mul3A_650 {offsets = [3], sizes = [1], strides = [1]} : vector<16xi32> to vector<1xi32>
      %squeeze3A_748 = vector.extract %slice3A_747[0] : i32 from vector<1xi32>
      %get3A_749 = arith.constant 195 : i32
      %get3A_750 = arith.index_cast %get3A_749 : i32 to index
      %get3A_751 = arith.index_cast %squeeze3A_748 : i32 to index
      %get3A_752 = tpu.vector_load %arg10[%get3A_750, %get3A_751] {strides = array<i32>} : memref<208x128xf32, #tpu.memory_space<vmem>>, vector<1x16xf32>,
      %get3A_753 = vector.shape_cast %get3A_752 : vector<1x16xf32> to vector<16xf32>
      %add3A_754 = arith.addf %add3A_722, %get3A_753 : vector<16xf32>
      %add3A_755 = arith.constant 16 : i32
      %add3A_756 = arith.addi %squeeze3A_748, %add3A_755 : i32
      %get3A_757 = arith.constant 195 : i32
      %get3A_758 = arith.index_cast %get3A_757 : i32 to index
      %get3A_759 = arith.index_cast %add3A_756 : i32 to index
      %get3A_760 = tpu.vector_load %arg10[%get3A_758, %get3A_759] {strides = array<i32>} : memref<208x128xf32, #tpu.memory_space<vmem>>, vector<1x16xf32>,
      %get3A_761 = vector.shape_cast %get3A_760 : vector<1x16xf32> to vector<16xf32>
      %add3A_762 = arith.addf %add3A_730, %get3A_761 : vector<16xf32>
      %add3A_763 = arith.constant 32 : i32
      %add3A_764 = arith.addi %squeeze3A_748, %add3A_763 : i32
      %get3A_765 = arith.constant 195 : i32
      %get3A_766 = arith.index_cast %get3A_765 : i32 to index
      %get3A_767 = arith.index_cast %add3A_764 : i32 to index
      %get3A_768 = tpu.vector_load %arg10[%get3A_766, %get3A_767] {strides = array<i32>} : memref<208x128xf32, #tpu.memory_space<vmem>>, vector<1x16xf32>,
      %get3A_769 = vector.shape_cast %get3A_768 : vector<1x16xf32> to vector<16xf32>
      %add3A_770 = arith.addf %add3A_738, %get3A_769 : vector<16xf32>
      %add3A_771 = arith.constant 48 : i32
      %add3A_772 = arith.addi %squeeze3A_748, %add3A_771 : i32
      %get3A_773 = arith.constant 195 : i32
      %get3A_774 = arith.index_cast %get3A_773 : i32 to index
      %get3A_775 = arith.index_cast %add3A_772 : i32 to index
      %get3A_776 = tpu.vector_load %arg10[%get3A_774, %get3A_775] {strides = array<i32>} : memref<208x128xf32, #tpu.memory_space<vmem>>, vector<1x16xf32>,
      %get3A_777 = vector.shape_cast %get3A_776 : vector<1x16xf32> to vector<16xf32>
      %add3A_778 = arith.addf %add3A_746, %get3A_777 : vector<16xf32>
      %slice3A_779 = vector.extract_strided_slice %mul3A_650 {offsets = [4], sizes = [1], strides = [1]} : vector<16xi32> to vector<1xi32>
      %squeeze3A_780 = vector.extract %slice3A_779[0] : i32 from vector<1xi32>
      %get3A_781 = arith.constant 196 : i32
      %get3A_782 = arith.index_cast %get3A_781 : i32 to index
      %get3A_783 = arith.index_cast %squeeze3A_780 : i32 to index
      %get3A_784 = tpu.vector_load %arg10[%get3A_782, %get3A_783] {strides = array<i32>} : memref<208x128xf32, #tpu.memory_space<vmem>>, vector<1x16xf32>,
      %get3A_785 = vector.shape_cast %get3A_784 : vector<1x16xf32> to vector<16xf32>
      %add3A_786 = arith.addf %add3A_754, %get3A_785 : vector<16xf32>
      %add3A_787 = arith.constant 16 : i32
      %add3A_788 = arith.addi %squeeze3A_780, %add3A_787 : i32
      %get3A_789 = arith.constant 196 : i32
      %get3A_790 = arith.index_cast %get3A_789 : i32 to index
      %get3A_791 = arith.index_cast %add3A_788 : i32 to index
      %get3A_792 = tpu.vector_load %arg10[%get3A_790, %get3A_791] {strides = array<i32>} : memref<208x128xf32, #tpu.memory_space<vmem>>, vector<1x16xf32>,
      %get3A_793 = vector.shape_cast %get3A_792 : vector<1x16xf32> to vector<16xf32>
      %add3A_794 = arith.addf %add3A_762, %get3A_793 : vector<16xf32>
      %add3A_795 = arith.constant 32 : i32
      %add3A_796 = arith.addi %squeeze3A_780, %add3A_795 : i32
      %get3A_797 = arith.constant 196 : i32
      %get3A_798 = arith.index_cast %get3A_797 : i32 to index
      %get3A_799 = arith.index_cast %add3A_796 : i32 to index
      %get3A_800 = tpu.vector_load %arg10[%get3A_798, %get3A_799] {strides = array<i32>} : memref<208x128xf32, #tpu.memory_space<vmem>>, vector<1x16xf32>,
      %get3A_801 = vector.shape_cast %get3A_800 : vector<1x16xf32> to vector<16xf32>
      %add3A_802 = arith.addf %add3A_770, %get3A_801 : vector<16xf32>
      %add3A_803 = arith.constant 48 : i32
      %add3A_804 = arith.addi %squeeze3A_780, %add3A_803 : i32
      %get3A_805 = arith.constant 196 : i32
      %get3A_806 = arith.index_cast %get3A_805 : i32 to index
      %get3A_807 = arith.index_cast %add3A_804 : i32 to index
      %get3A_808 = tpu.vector_load %arg10[%get3A_806, %get3A_807] {strides = array<i32>} : memref<208x128xf32, #tpu.memory_space<vmem>>, vector<1x16xf32>,
      %get3A_809 = vector.shape_cast %get3A_808 : vector<1x16xf32> to vector<16xf32>
      %add3A_810 = arith.addf %add3A_778, %get3A_809 : vector<16xf32>
      %slice3A_811 = vector.extract_strided_slice %mul3A_650 {offsets = [5], sizes = [1], strides = [1]} : vector<16xi32> to vector<1xi32>
      %squeeze3A_812 = vector.extract %slice3A_811[0] : i32 from vector<1xi32>
      %get3A_813 = arith.constant 197 : i32
      %get3A_814 = arith.index_cast %get3A_813 : i32 to index
      %get3A_815 = arith.index_cast %squeeze3A_812 : i32 to index
      %get3A_816 = tpu.vector_load %arg10[%get3A_814, %get3A_815] {strides = array<i32>} : memref<208x128xf32, #tpu.memory_space<vmem>>, vector<1x16xf32>,
      %get3A_817 = vector.shape_cast %get3A_816 : vector<1x16xf32> to vector<16xf32>
      %add3A_818 = arith.addf %add3A_786, %get3A_817 : vector<16xf32>
      %add3A_819 = arith.constant 16 : i32
      %add3A_820 = arith.addi %squeeze3A_812, %add3A_819 : i32
      %get3A_821 = arith.constant 197 : i32
      %get3A_822 = arith.index_cast %get3A_821 : i32 to index
      %get3A_823 = arith.index_cast %add3A_820 : i32 to index
      %get3A_824 = tpu.vector_load %arg10[%get3A_822, %get3A_823] {strides = array<i32>} : memref<208x128xf32, #tpu.memory_space<vmem>>, vector<1x16xf32>,
      %get3A_825 = vector.shape_cast %get3A_824 : vector<1x16xf32> to vector<16xf32>
      %add3A_826 = arith.addf %add3A_794, %get3A_825 : vector<16xf32>
      %add3A_827 = arith.constant 32 : i32
      %add3A_828 = arith.addi %squeeze3A_812, %add3A_827 : i32
      %get3A_829 = arith.constant 197 : i32
      %get3A_830 = arith.index_cast %get3A_829 : i32 to index
      %get3A_831 = arith.index_cast %add3A_828 : i32 to index
      %get3A_832 = tpu.vector_load %arg10[%get3A_830, %get3A_831] {strides = array<i32>} : memref<208x128xf32, #tpu.memory_space<vmem>>, vector<1x16xf32>,
      %get3A_833 = vector.shape_cast %get3A_832 : vector<1x16xf32> to vector<16xf32>
      %add3A_834 = arith.addf %add3A_802, %get3A_833 : vector<16xf32>
      %add3A_835 = arith.constant 48 : i32
      %add3A_836 = arith.addi %squeeze3A_812, %add3A_835 : i32
      %get3A_837 = arith.constant 197 : i32
      %get3A_838 = arith.index_cast %get3A_837 : i32 to index
      %get3A_839 = arith.index_cast %add3A_836 : i32 to index
      %get3A_840 = tpu.vector_load %arg10[%get3A_838, %get3A_839] {strides = array<i32>} : memref<208x128xf32, #tpu.memory_space<vmem>>, vector<1x16xf32>,
      %get3A_841 = vector.shape_cast %get3A_840 : vector<1x16xf32> to vector<16xf32>
      %add3A_842 = arith.addf %add3A_810, %get3A_841 : vector<16xf32>
      %slice3A_843 = vector.extract_strided_slice %mul3A_650 {offsets = [6], sizes = [1], strides = [1]} : vector<16xi32> to vector<1xi32>
      %squeeze3A_844 = vector.extract %slice3A_843[0] : i32 from vector<1xi32>
      %get3A_845 = arith.constant 198 : i32
      %get3A_846 = arith.index_cast %get3A_845 : i32 to index
      %get3A_847 = arith.index_cast %squeeze3A_844 : i32 to index
      %get3A_848 = tpu.vector_load %arg10[%get3A_846, %get3A_847] {strides = array<i32>} : memref<208x128xf32, #tpu.memory_space<vmem>>, vector<1x16xf32>,
      %get3A_849 = vector.shape_cast %get3A_848 : vector<1x16xf32> to vector<16xf32>
      %add3A_850 = arith.addf %add3A_818, %get3A_849 : vector<16xf32>
      %add3A_851 = arith.constant 16 : i32
      %add3A_852 = arith.addi %squeeze3A_844, %add3A_851 : i32
      %get3A_853 = arith.constant 198 : i32
      %get3A_854 = arith.index_cast %get3A_853 : i32 to index
      %get3A_855 = arith.index_cast %add3A_852 : i32 to index
      %get3A_856 = tpu.vector_load %arg10[%get3A_854, %get3A_855] {strides = array<i32>} : memref<208x128xf32, #tpu.memory_space<vmem>>, vector<1x16xf32>,
      %get3A_857 = vector.shape_cast %get3A_856 : vector<1x16xf32> to vector<16xf32>
      %add3A_858 = arith.addf %add3A_826, %get3A_857 : vector<16xf32>
      %add3A_859 = arith.constant 32 : i32
      %add3A_860 = arith.addi %squeeze3A_844, %add3A_859 : i32
      %get3A_861 = arith.constant 198 : i32
      %get3A_862 = arith.index_cast %get3A_861 : i32 to index
      %get3A_863 = arith.index_cast %add3A_860 : i32 to index
      %get3A_864 = tpu.vector_load %arg10[%get3A_862, %get3A_863] {strides = array<i32>} : memref<208x128xf32, #tpu.memory_space<vmem>>, vector<1x16xf32>,
      %get3A_865 = vector.shape_cast %get3A_864 : vector<1x16xf32> to vector<16xf32>
      %add3A_866 = arith.addf %add3A_834, %get3A_865 : vector<16xf32>
      %add3A_867 = arith.constant 48 : i32
      %add3A_868 = arith.addi %squeeze3A_844, %add3A_867 : i32
      %get3A_869 = arith.constant 198 : i32
      %get3A_870 = arith.index_cast %get3A_869 : i32 to index
      %get3A_871 = arith.index_cast %add3A_868 : i32 to index
      %get3A_872 = tpu.vector_load %arg10[%get3A_870, %get3A_871] {strides = array<i32>} : memref<208x128xf32, #tpu.memory_space<vmem>>, vector<1x16xf32>,
      %get3A_873 = vector.shape_cast %get3A_872 : vector<1x16xf32> to vector<16xf32>
      %add3A_874 = arith.addf %add3A_842, %get3A_873 : vector<16xf32>
      %slice3A_875 = vector.extract_strided_slice %mul3A_650 {offsets = [7], sizes = [1], strides = [1]} : vector<16xi32> to vector<1xi32>
      %squeeze3A_876 = vector.extract %slice3A_875[0] : i32 from vector<1xi32>
      %get3A_877 = arith.constant 199 : i32
      %get3A_878 = arith.index_cast %get3A_877 : i32 to index
      %get3A_879 = arith.index_cast %squeeze3A_876 : i32 to index
      %get3A_880 = tpu.vector_load %arg10[%get3A_878, %get3A_879] {strides = array<i32>} : memref<208x128xf32, #tpu.memory_space<vmem>>, vector<1x16xf32>,
      %get3A_881 = vector.shape_cast %get3A_880 : vector<1x16xf32> to vector<16xf32>
      %add3A_882 = arith.addf %add3A_850, %get3A_881 : vector<16xf32>
      %add3A_883 = arith.constant 16 : i32
      %add3A_884 = arith.addi %squeeze3A_876, %add3A_883 : i32
      %get3A_885 = arith.constant 199 : i32
      %get3A_886 = arith.index_cast %get3A_885 : i32 to index
      %get3A_887 = arith.index_cast %add3A_884 : i32 to index
      %get3A_888 = tpu.vector_load %arg10[%get3A_886, %get3A_887] {strides = array<i32>} : memref<208x128xf32, #tpu.memory_space<vmem>>, vector<1x16xf32>,
      %get3A_889 = vector.shape_cast %get3A_888 : vector<1x16xf32> to vector<16xf32>
      %add3A_890 = arith.addf %add3A_858, %get3A_889 : vector<16xf32>
      %add3A_891 = arith.constant 32 : i32
      %add3A_892 = arith.addi %squeeze3A_876, %add3A_891 : i32
      %get3A_893 = arith.constant 199 : i32
      %get3A_894 = arith.index_cast %get3A_893 : i32 to index
      %get3A_895 = arith.index_cast %add3A_892 : i32 to index
      %get3A_896 = tpu.vector_load %arg10[%get3A_894, %get3A_895] {strides = array<i32>} : memref<208x128xf32, #tpu.memory_space<vmem>>, vector<1x16xf32>,
      %get3A_897 = vector.shape_cast %get3A_896 : vector<1x16xf32> to vector<16xf32>
      %add3A_898 = arith.addf %add3A_866, %get3A_897 : vector<16xf32>
      %add3A_899 = arith.constant 48 : i32
      %add3A_900 = arith.addi %squeeze3A_876, %add3A_899 : i32
      %get3A_901 = arith.constant 199 : i32
      %get3A_902 = arith.index_cast %get3A_901 : i32 to index
      %get3A_903 = arith.index_cast %add3A_900 : i32 to index
      %get3A_904 = tpu.vector_load %arg10[%get3A_902, %get3A_903] {strides = array<i32>} : memref<208x128xf32, #tpu.memory_space<vmem>>, vector<1x16xf32>,
      %get3A_905 = vector.shape_cast %get3A_904 : vector<1x16xf32> to vector<16xf32>
      %add3A_906 = arith.addf %add3A_874, %get3A_905 : vector<16xf32>
      %swap3A_907 = arith.index_cast %add3A_176 : i32 to index
      %swap3A_908 = arith.constant 0 : index
      %swap3A_909 = tpu.vector_load %arg11[%swap3A_907, %swap3A_908] {strides = array<i32>} : memref<256x64xf32, #tpu.memory_space<vmem>>, vector<1x16xf32>,
      %swap3A_910 = vector.shape_cast %swap3A_909 : vector<1x16xf32> to vector<16xf32>
      %swap3A_911 = vector.shape_cast %add3A_882 : vector<16xf32> to vector<1x16xf32>
      tpu.vector_store %arg11[%swap3A_907, %swap3A_908], %swap3A_911 {strides = array<i32>} : memref<256x64xf32, #tpu.memory_space<vmem>>, vector<1x16xf32>,
      %swap3A_912 = arith.index_cast %add3A_176 : i32 to index
      %swap3A_913 = arith.constant 16 : index
      %swap3A_914 = tpu.vector_load %arg11[%swap3A_912, %swap3A_913] {strides = array<i32>} : memref<256x64xf32, #tpu.memory_space<vmem>>, vector<1x16xf32>,
      %swap3A_915 = vector.shape_cast %swap3A_914 : vector<1x16xf32> to vector<16xf32>
      %swap3A_916 = vector.shape_cast %add3A_890 : vector<16xf32> to vector<1x16xf32>
      tpu.vector_store %arg11[%swap3A_912, %swap3A_913], %swap3A_916 {strides = array<i32>} : memref<256x64xf32, #tpu.memory_space<vmem>>, vector<1x16xf32>,
      %swap3A_917 = arith.index_cast %add3A_176 : i32 to index
      %swap3A_918 = arith.constant 32 : index
      %swap3A_919 = tpu.vector_load %arg11[%swap3A_917, %swap3A_918] {strides = array<i32>} : memref<256x64xf32, #tpu.memory_space<vmem>>, vector<1x16xf32>,
      %swap3A_920 = vector.shape_cast %swap3A_919 : vector<1x16xf32> to vector<16xf32>
      %swap3A_921 = vector.shape_cast %add3A_898 : vector<16xf32> to vector<1x16xf32>
      tpu.vector_store %arg11[%swap3A_917, %swap3A_918], %swap3A_921 {strides = array<i32>} : memref<256x64xf32, #tpu.memory_space<vmem>>, vector<1x16xf32>,
      %swap3A_922 = arith.index_cast %add3A_176 : i32 to index
      %swap3A_923 = arith.constant 48 : index
      %swap3A_924 = tpu.vector_load %arg11[%swap3A_922, %swap3A_923] {strides = array<i32>} : memref<256x64xf32, #tpu.memory_space<vmem>>, vector<1x16xf32>,
      %swap3A_925 = vector.shape_cast %swap3A_924 : vector<1x16xf32> to vector<16xf32>
      %swap3A_926 = vector.shape_cast %add3A_906 : vector<16xf32> to vector<1x16xf32>
      tpu.vector_store %arg11[%swap3A_922, %swap3A_923], %swap3A_926 {strides = array<i32>} : memref<256x64xf32, #tpu.memory_space<vmem>>, vector<1x16xf32>,
      %add3A_927 = arith.constant 2 : i32
      %add3A_928 = arith.addi %add3A_176, %add3A_927 : i32
      %lt3A_929 = arith.constant 256 : i32
      %lt3A_930 = arith.cmpi slt, %add3A_928, %lt3A_929 : i32
      %convert_element_type3A_931 = arith.extui %lt3A_930 : i1 to i32
      %cond3A_932 = arith.constant 0 : i32
      %cond3A_933 = arith.cmpi ne, %convert_element_type3A_931, %cond3A_932 : i32
      scf.if %cond3A_933 {
        %add3A_935 = arith.constant 2 : i32
        %add3A_936 = arith.addi %add3A_176, %add3A_935 : i32
        %add3A_937 = arith.addi %mul3A_2, %add3A_936 : i32
        %mul3A_938 = arith.constant 200 : i32
        %mul3A_939 = arith.muli %add3A_937, %mul3A_938 : i32
        %dma_start3A_940 = arith.constant 0 : i32
        %dma_start3A_941 = tpu.memref_slice %arg6[%dma_start3A_940] : memref<208xi32, #tpu.memory_space<vmem>> -> memref<200xi32, #tpu.memory_space<vmem>>
        %dma_start3A_942 = tpu.memref_slice %arg2[%mul3A_939] : memref<1638400xi32, #tpu.memory_space<hbm>> -> memref<200xi32, #tpu.memory_space<hbm>>
        %dma_start3A_943 = arith.constant 0 : i32
        %dma_start3A_944 = tpu.memref_slice %arg6[%dma_start3A_943] : memref<208xi32, #tpu.memory_space<vmem>> -> memref<200xi32, #tpu.memory_space<vmem>>
        %dma_start3A_945 = tpu.memref_slice %arg2[%mul3A_939] : memref<1638400xi32, #tpu.memory_space<hbm>> -> memref<200xi32, #tpu.memory_space<hbm>>
        tpu.enqueue_dma source(%dma_start3A_945 : memref<200xi32, #tpu.memory_space<hbm>>) target(%dma_start3A_944 : memref<200xi32, #tpu.memory_space<vmem>>) target_semaphore(%arg13 : memref<!tpu.dma_semaphore, #tpu.memory_space<semaphore_mem>>)
      } else {
      }
      %scan3A_934 = arith.constant 0 : i32
      scf.yield %scan3A_934 : i32
    }
    %scan3A_168 = arith.constant 128 : i32
    "tpu.region"() ({
      %run_scoped3A = tpu.sem_alloc : memref<!tpu.dma_semaphore, #tpu.memory_space<semaphore_mem>>
      %dma_start3A_169 = arith.constant 0 : i32
      %dma_start3A_170 = tpu.memref_slice %arg4[%mul3A_2, %dma_start3A_169] : memref<8192x64xf32, #tpu.memory_space<hbm>> -> memref<256x64xf32, #tpu.memory_space<hbm>>
      %dma_start3A_171 = arith.constant 0 : i32
      %dma_start3A_172 = tpu.memref_slice %arg4[%mul3A_2, %dma_start3A_171] : memref<8192x64xf32, #tpu.memory_space<hbm>> -> memref<256x64xf32, #tpu.memory_space<hbm>>
      tpu.enqueue_dma source(%arg11 : memref<256x64xf32, #tpu.memory_space<vmem>>) target(%dma_start3A_172 : memref<256x64xf32, #tpu.memory_space<hbm>>) target_semaphore(%run_scoped3A : memref<!tpu.dma_semaphore, #tpu.memory_space<semaphore_mem>>)
      %dma_wait3A_173 = arith.constant 0 : i32
      %dma_wait3A_174 = tpu.memref_slice %arg4[%mul3A_2, %dma_wait3A_173] : memref<8192x64xf32, #tpu.memory_space<hbm>> -> memref<256x64xf32, #tpu.memory_space<hbm>>
      %dma_wait3A_175 = arith.constant 0 : i32
      %dma_wait3A_176 = tpu.memref_slice %arg4[%mul3A_2, %dma_wait3A_175] : memref<8192x64xf32, #tpu.memory_space<hbm>> -> memref<256x64xf32, #tpu.memory_space<hbm>>
      tpu.wait_dma2 semaphore(%run_scoped3A : memref<!tpu.dma_semaphore, #tpu.memory_space<semaphore_mem>>) src(%arg11 : memref<256x64xf32, #tpu.memory_space<vmem>>) dst(%dma_wait3A_176 : memref<256x64xf32, #tpu.memory_space<hbm>>)
      tpu.yield
    }) : () -> ()
    return
  }
}

module attributes {stable_mosaic.version = 14 : i64} {
  func.func @_mlp_body(%arg0: i32, %arg1: memref<512x64xf32, #tpu.memory_space<vmem>>, %arg2: memref<512x64xf32, #tpu.memory_space<vmem>>, %arg3: memref<64x128xf32, #tpu.memory_space<vmem>>, %arg4: memref<64x128xf32, #tpu.memory_space<vmem>>, %arg5: memref<1x128xf32, #tpu.memory_space<vmem>>, %arg6: memref<128x2xf32, #tpu.memory_space<vmem>>, %arg7: memref<512x2xf32, #tpu.memory_space<vmem>>) attributes {dimension_semantics = [#tpu.dimension_semantics<arbitrary>], iteration_bounds = array<i64: 8>, scalar_prefetch = 0 : i64, scratch_operands = 0 : i64, tpu.core_type = #tpu.core_type<tc>, window_params = [{transform_indices = @transform_0, window_bounds = array<i64: 512, 64>}, {transform_indices = @transform_1, window_bounds = array<i64: 512, 64>}, {transform_indices = @transform_2, window_bounds = array<i64: 64, 128>}, {transform_indices = @transform_3, window_bounds = array<i64: 64, 128>}, {pipeline_mode = #tpu.pipeline_mode<synchronous>, transform_indices = @transform_4, window_bounds = array<i64: 1, 128>}, {pipeline_mode = #tpu.pipeline_mode<synchronous>, transform_indices = @transform_5, window_bounds = array<i64: 128, 2>}, {transform_indices = @transform_6, window_bounds = array<i64: 512, 2>}]} {
    %get3A = arith.constant 0 : index
    %get3A_0 = arith.constant 0 : index
    %get3A_1 = vector.load %arg1[%get3A, %get3A_0] : memref<512x64xf32, #tpu.memory_space<vmem>>, vector<512x64xf32>
    %get3A_2 = arith.constant 0 : index
    %get3A_3 = arith.constant 0 : index
    %get3A_4 = vector.load %arg3[%get3A_2, %get3A_3] : memref<64x128xf32, #tpu.memory_space<vmem>>, vector<64x128xf32>
    %dot_general3A = arith.constant dense<0.000000e+00> : vector<512x128xf32>
    %dot_general3A_5 = tpu.matmul %get3A_1, %get3A_4, %dot_general3A {dimension_numbers = #tpu.dot_dimension_numbers<[1], [0], [0], [1], [0, 0, 1, 1], [], []>, transpose_lhs_hint = false} : vector<512x64xf32>, vector<64x128xf32>, vector<512x128xf32> -> vector<512x128xf32>
    %get3A_6 = arith.constant 0 : index
    %get3A_7 = arith.constant 0 : index
    %get3A_8 = vector.load %arg2[%get3A_6, %get3A_7] : memref<512x64xf32, #tpu.memory_space<vmem>>, vector<512x64xf32>
    %get3A_9 = arith.constant 0 : index
    %get3A_10 = arith.constant 0 : index
    %get3A_11 = vector.load %arg4[%get3A_9, %get3A_10] : memref<64x128xf32, #tpu.memory_space<vmem>>, vector<64x128xf32>
    %dot_general3A_12 = arith.constant dense<0.000000e+00> : vector<512x128xf32>
    %dot_general3A_13 = tpu.matmul %get3A_8, %get3A_11, %dot_general3A_12 {dimension_numbers = #tpu.dot_dimension_numbers<[1], [0], [0], [1], [0, 0, 1, 1], [], []>, transpose_lhs_hint = false} : vector<512x64xf32>, vector<64x128xf32>, vector<512x128xf32> -> vector<512x128xf32>
    %add3A = arith.addf %dot_general3A_5, %dot_general3A_13 : vector<512x128xf32>
    %get3A_14 = arith.constant 0 : index
    %get3A_15 = arith.constant 0 : index
    %get3A_16 = vector.load %arg5[%get3A_14, %get3A_15] : memref<1x128xf32, #tpu.memory_space<vmem>>, vector<1x128xf32>
    %add3A_17 = vector.broadcast %get3A_16 : vector<1x128xf32> to vector<512x128xf32>
    %add3A_18 = arith.addf %add3A, %add3A_17 : vector<512x128xf32>
    %max3A = arith.constant 0.000000e+00 : f32
    %max3A_19 = vector.broadcast %max3A : f32 to vector<512x128xf32>
    %max3A_20 = arith.maximumf %add3A_18, %max3A_19 : vector<512x128xf32>
    %get3A_21 = arith.constant 0 : index
    %get3A_22 = arith.constant 0 : index
    %get3A_23 = vector.load %arg6[%get3A_21, %get3A_22] : memref<128x2xf32, #tpu.memory_space<vmem>>, vector<128x2xf32>
    %dot_general3A_24 = arith.constant dense<0.000000e+00> : vector<512x2xf32>
    %dot_general3A_25 = tpu.matmul %max3A_20, %get3A_23, %dot_general3A_24 {dimension_numbers = #tpu.dot_dimension_numbers<[1], [0], [0], [1], [0, 0, 1, 1], [], []>, transpose_lhs_hint = false} : vector<512x128xf32>, vector<128x2xf32>, vector<512x2xf32> -> vector<512x2xf32>
    %reduce_max3A = arith.constant dense<0xFF800000> : vector<512xf32>
    %reduce_max3A_26 = vector.multi_reduction <maximumf>, %dot_general3A_25, %reduce_max3A [1] : vector<512x2xf32> to vector<512xf32>
    %broadcast_in_dim3A = vector.shape_cast %reduce_max3A_26 : vector<512xf32> to vector<512x1xf32>
    %sub3A = vector.broadcast %broadcast_in_dim3A : vector<512x1xf32> to vector<512x2xf32>
    %sub3A_27 = arith.subf %dot_general3A_25, %sub3A : vector<512x2xf32>
    %exp3A = math.exp %sub3A_27 : vector<512x2xf32>
    %reduce_sum3A = arith.constant dense<0.000000e+00> : vector<512xf32>
    %reduce_sum3A_28 = vector.multi_reduction <add>, %exp3A, %reduce_sum3A [1] : vector<512x2xf32> to vector<512xf32>
    %broadcast_in_dim3A_29 = vector.shape_cast %reduce_sum3A_28 : vector<512xf32> to vector<512x1xf32>
    %div3A = vector.broadcast %broadcast_in_dim3A_29 : vector<512x1xf32> to vector<512x2xf32>
    %div3A_30 = arith.divf %exp3A, %div3A : vector<512x2xf32>
    %swap3A = arith.constant 0 : index
    %swap3A_31 = arith.constant 0 : index
    %swap3A_32 = vector.load %arg7[%swap3A, %swap3A_31] : memref<512x2xf32, #tpu.memory_space<vmem>>, vector<512x2xf32>
    tpu.vector_store %arg7[%swap3A, %swap3A_31], %div3A_30 {strides = array<i32>} : memref<512x2xf32, #tpu.memory_space<vmem>>, vector<512x2xf32>,
    return
  }
  func.func @transform_0(%arg0: i32) -> (i32, i32) {
    %c0_i32 = arith.constant 0 : i32
    %c0_i32_0 = arith.constant 0 : i32
    return %arg0, %c0_i32 : i32, i32
  }
  func.func @transform_1(%arg0: i32) -> (i32, i32) {
    %add3A = arith.constant 8 : i32
    %add3A_0 = arith.addi %arg0, %add3A : i32
    %c0_i32 = arith.constant 0 : i32
    %c0_i32_1 = arith.constant 0 : i32
    return %add3A_0, %c0_i32 : i32, i32
  }
  func.func @transform_2(%arg0: i32) -> (i32, i32) {
    %c0_i32 = arith.constant 0 : i32
    %c0_i32_0 = arith.constant 0 : i32
    %c0_i32_1 = arith.constant 0 : i32
    return %c0_i32, %c0_i32_0 : i32, i32
  }
  func.func @transform_3(%arg0: i32) -> (i32, i32) {
    %c1_i32 = arith.constant 1 : i32
    %c0_i32 = arith.constant 0 : i32
    %c0_i32_0 = arith.constant 0 : i32
    return %c1_i32, %c0_i32 : i32, i32
  }
  func.func @transform_4(%arg0: i32) -> (i32, i32) {
    %c0_i32 = arith.constant 0 : i32
    %c0_i32_0 = arith.constant 0 : i32
    %c0_i32_1 = arith.constant 0 : i32
    return %c0_i32, %c0_i32_0 : i32, i32
  }
  func.func @transform_5(%arg0: i32) -> (i32, i32) {
    %c0_i32 = arith.constant 0 : i32
    %c0_i32_0 = arith.constant 0 : i32
    %c0_i32_1 = arith.constant 0 : i32
    return %c0_i32, %c0_i32_0 : i32, i32
  }
  func.func @transform_6(%arg0: i32) -> (i32, i32) {
    %c0_i32 = arith.constant 0 : i32
    %c0_i32_0 = arith.constant 0 : i32
    return %arg0, %c0_i32 : i32, i32
  }
}

</mosaic_0001>

<sc_bundles>
// kernel: kernel.4.cloned.1.call-start
scs
__scs_entry_jumppad:
0x0: {  	(pc) =	sbr.rel $0x88, $3  }
0x1: {  	(tag) =	ssettag $0x0;
	lr =	simm.s32 $0x1  }
0x2: {  	[smem:$0x3F9C] =	sst lr;
	_ =	strace $0xD0000000  }
0x3: {  	_ = 	snop  }
0x4: {  	_ = 	snop  }
0x5: {  	_ = 	snop  }
0x6: {  	_ = 	snop  }
0x7: {  	_ = 	snop  }
__scs_overlays_trampoline_lowered:
0x8: {  	[smem:$0x3FAB] =	sst s0  }
0x9: {  	[smem:$0x3FAC] =	sst s1  }
0xa: {  	[smem:$0x3FAD] =	sst s2  }
0xb: {  	[smem:$0x3FAE] =	sst s3  }
0xc: {  	[smem:$0x3FAF] =	sst s4  }
0xd: {  	[smem:$0x3FB0] =	sst s5  }
0xe: {  	[smem:$0x3FB1] =	sst s6  }
0xf: {  	[smem:$0x3FB2] =	sst s7  }
0x10: {  	[smem:$0x3FB3] =	sst s8  }
0x11: {  	[smem:$0x3FB4] =	sst s9;
	s0 =	simm.s32 @!p0 $0x0  }
0x12: {  	s1 =	sld [smem:$0x3F9A];
	s0 =	simm.s32 @p0 $0x1  }
0x13: {  	[smem:$0x3FB5] =	sst s0;
	s0 =	simm.s32 @!p1 $0x0  }
0x14: {  	s2 =	sld [smem:$0x3F99];
	s0 =	simm.s32 @p1 $0x1  }
0x15: {  	[smem:$0x3FB6] =	sst s0;
	s0 =	simm.s32 @!p2 $0x0  }
0x16: {  	s3 =	sld [smem:$0x3FDB];
	s0 =	simm.s32 @p2 $0x1  }
0x17: {  	s4 =	simm.s32 $0x1BF5;
	[smem:$0x3FB8] =	sst s0  }
0x18: {  	s0 =	sld [smem:$0x3F9B];
	_ =	swait.ge [sflag:s4], $0x0  }
0x19: {  	s7 =	sld [smem:$0x3F9C]  }
0x1a: {  	s8 =	sadd.s32 $0xFFFFE003, lr  }
0x1b: {  	s9 =	sadd.s32 $0xFFFFFEF7, lr;
	s5 =	simm.s32 $0xFFFFFFFF;
	p2 =	slt.u32 s8, $0xFFFFF086  }
0x1c: {  	p1 =	slt.u32 s9, $0xF7A;
	s5 =	simm.s32 @!p2 $0x0  }
0x1d: {  	s5 =	simm.s32 @p1 $0x1;
	p0 =	seq.s32 s7, s2  }
0x1e: {  	s7 =	smul.u32 @!p0 $0xF7A, s2;
	p2 =	seq.s32 @!p0 s5, $0x0  }
0x1f: {  	s9 =	smul.u32 $0xF7A, s1;
	s8 =	simm.s32 @!p0 $0x1BF5;
	p2 =	por !p2, p0  }
0x20: {  	[sflag:s8] =	ssyncset.s32 @!p0 $0xFFFFF086;
	s6 =	sadd.s32 @!p0 s3, s7;
	s7 =	simm.s32 @!p0 $0x108  }
0x21: {  	s3 =	sadd.s32 s3, s9;
	s6 =	sadd.s32 @!p0 $0x88, s6;
	s7 =	simm.s32 @p2 $0x1082  }
0x22: {  	[simem:s7], [sflag:s8] =	dma.local @!p0 [hbm:s6], $0xF7A  }
0x23: {  	s9 =	sor.u32 $0xD0000000, s2;
	s6 =	simm.s32 $0x108;
	_ =	swait.ge @!p0 [sflag:s8], $0x0  }
0x24: {  	s3 =	sadd.s32 $0x88, s3;
	s6 =	simm.s32 @!p1 $0x1082;
	[sflag:s4] =	ssyncset.s32 $0xFFFFF086  }
0x25: {  	[simem:s6], [sflag:s4] =	dma.local [hbm:s3], $0xF7A  }
0x26: {  	[smem:$0x3F9C] =	sst s1;
	(tag) =	ssettag s2;
	_ =	strace s9  }
0x27: {  	s1 =	sld [smem:$0x3FAC]  }
0x28: {  	s2 =	sld [smem:$0x3FAD]  }
0x29: {  	s4 =	sld [smem:$0x3FAF]  }
0x2a: {  	p0 =	seq.s32 s5, $0x0;
	s5 =	sld [smem:$0x3FB0]  }
0x2b: {  	s6 =	sld [smem:$0x3FB1]  }
0x2c: {  	s7 =	sld [smem:$0x3FB2]  }
0x2d: {  	s3 =	simm.s32 $0x108;
	s8 =	sld [smem:$0x3FB3]  }
0x2e: {  	s3 =	simm.s32 @!p0 $0x1082;
	s9 =	sld [smem:$0x3FB4]  }
0x2f: {  	lr =	sadd.s32 s0, s3;
	s0 =	sld [smem:$0x3FAB]  }
0x30: {  	s3 =	sld [smem:$0x3FAE]  }
0x31: {  	[smem:$0x3FB7] =	sst s10  }
0x32: {  	s10 =	sld [smem:$0x3FB5];
	_ =	sdelay $0x3  }
0x33: {  	p0 =	seq.s32 s10, $0x1;
	s10 =	sld [smem:$0x3FB7];
	_ =	sdelay $0x3  }
0x34: {  	[smem:$0x3FB7] =	sst s10  }
0x35: {  	s10 =	sld [smem:$0x3FB6];
	_ =	sdelay $0x3  }
0x36: {  	p1 =	seq.s32 s10, $0x1;
	s10 =	sld [smem:$0x3FB7];
	_ =	sdelay $0x3  }
0x37: {  	[smem:$0x3FB7] =	sst s10  }
0x38: {  	s10 =	sld [smem:$0x3FB8]  }
0x39: {  	_ = 	snop;
	(pc) =	sbr.ind lr, $3  }
0x3a: {  	_ = 	snop  }
0x3b: {  	_ = 	snop  }
0x3c: {  	p2 =	seq.s32 s10, $0x1;
	s10 =	sld [smem:$0x3FB7]  }
0x3d: {  	_ =	shalt  }
0x3e: {  	_ =	shalt  }
0x3f: {  	_ =	shalt  }
0x40: {  	_ =	shalt  }
0x41: {  	_ =	shalt  }
0x42: {  	_ =	shalt  }
0x43: {  	_ =	shalt  }
0x44: {  	_ =	shalt  }
0x45: {  	_ =	shalt  }
0x46: {  	_ =	shalt  }
0x47: {  	_ =	shalt  }
0x48: {  	_ =	shalt  }
0x49: {  	_ =	shalt  }
0x4a: {  	_ =	shalt  }
0x4b: {  	_ =	shalt  }
0x4c: {  	_ =	shalt  }
0x4d: {  	_ =	shalt  }
0x4e: {  	_ =	shalt  }
0x4f: {  	_ =	shalt  }
0x50: {  	_ =	shalt  }
0x51: {  	_ =	shalt  }
0x52: {  	_ =	shalt  }
0x53: {  	_ =	shalt  }
0x54: {  	_ =	shalt  }
0x55: {  	_ =	shalt  }
0x56: {  	_ =	shalt  }
0x57: {  	_ =	shalt  }
0x58: {  	_ =	shalt  }
0x59: {  	_ =	shalt  }
0x5a: {  	_ =	shalt  }
0x5b: {  	_ =	shalt  }
0x5c: {  	_ =	shalt  }
0x5d: {  	_ =	shalt  }
0x5e: {  	_ =	shalt  }
0x5f: {  	_ =	shalt  }
0x60: {  	_ =	shalt  }
0x61: {  	_ =	shalt  }
0x62: {  	_ =	shalt  }
0x63: {  	_ =	shalt  }
0x64: {  	_ =	shalt  }
0x65: {  	_ =	shalt  }
0x66: {  	_ =	shalt  }
0x67: {  	_ =	shalt  }
0x68: {  	_ =	shalt  }
0x69: {  	_ =	shalt  }
0x6a: {  	_ =	shalt  }
0x6b: {  	_ =	shalt  }
0x6c: {  	_ =	shalt  }
0x6d: {  	_ =	shalt  }
0x6e: {  	_ =	shalt  }
0x6f: {  	_ =	shalt  }
0x70: {  	_ =	shalt  }
0x71: {  	_ =	shalt  }
0x72: {  	_ =	shalt  }
0x73: {  	_ =	shalt  }
0x74: {  	_ =	shalt  }
0x75: {  	_ =	shalt  }
0x76: {  	_ =	shalt  }
0x77: {  	_ =	shalt  }
0x78: {  	_ =	shalt  }
0x79: {  	_ =	shalt  }
0x7a: {  	_ =	shalt  }
0x7b: {  	_ =	shalt  }
0x7c: {  	_ =	shalt  }
0x7d: {  	_ =	shalt  }
0x7e: {  	_ =	shalt  }
0x7f: {  	_ =	shalt  }
0x80: {  	_ =	shalt  }
0x81: {  	_ =	shalt  }
0x82: {  	_ =	shalt  }
0x83: {  	_ =	shalt  }
0x84: {  	_ =	shalt  }
0x85: {  	_ =	shalt  }
0x86: {  	_ =	shalt  }
0x87: {  	_ =	shalt  }
.Lfunc_end0:
.L_simem_size_0:
called_computation_lowered:
.L_overlay_start_0:
0x88: {  	s2 =	sld [smem:$0x3FD9]  }
0x89: {  	s3 =	sld [smem:$0x3FFE];
	_ =	sdelay $0x1  }
0x8a: {  	s1 =	srdreg.scid  }
0x8b: {  	s0 =	sand.u32 $0x1, s1  }
0x8c: {  	s16 =	sshll.u32 s0, $0xA;
	s2 =	sadd.s32 s3, s2  }
0x8d: {  	s2 =	sadd.s32 s2, s16  }
0x8e: {  	[smem:$0x3FC3] =	sst s2  }
0x8f: {  	_ = 	snop  }
0x90: {  	(tm) =	ssettm $0x1  }
0x91: {  	s17 =	sld [smem:$0x3FFB];
	_ =	sdelay $0x3  }
0x92: {  	_ =	strace s17  }
0x93: {  	s2 =	sld [smem:$0x3FFC];
	_ =	sdelay $0x3  }
0x94: {  	_ =	strace s2  }
0x95: {  	s2 =	sld [smem:$0x3FFD];
	_ =	sdelay $0x3  }
0x96: {  	_ =	strace s2  }
0x97: {  	_ =	strace $0x8FFFFFFF  }
0x98: {  	s18 =	sld [smem:$0x3FDB];
	_ =	sdelay $0x1  }
0x99: {  	s19 =	simm.s32 $_scs_section_size  }
0x9a: {  	s4 =	simm.s32 $_size__tile_overlayer_lowered;
	s5 =	simm.s32 $_tile_overlayer_lowered  }
0x9b: {  	s22 =	simm.s32 $0x1BFF;
	s21 =	sshll.u32 s5, $0x1;
	s2 =	sadd.s32 s19, s18  }
0x9c: {  	s6 =	simm.s32 $0x0;
	s20 =	sshll.u32 s4, $0x1;
	s4 =	sadd.s32 s21, s2  }
0x9d: {  	[timem:s6], [sflag:s22] =	dma.local [hbm:s4], s20  }
0x9e: {  	_ =	swait.ge [sflag:s22], s20  }
0x9f: {  	s3 =	ssub.s32 $0x0, s20;
	[sflag:s22] =	ssyncset.done $0x0  }
0xa0: {  	[sflag:s22] =	ssyncadd.s32 s3;
	_ =	sdelay $0x1  }
0xa1: {  	s23 =	simm.s32 $0x1B8B  }
0xa2: {  	_ =	swait.ge [sflag:s23], $0x1  }
0xa3: {  	[sflag:s23] =	ssyncset.done $0x0  }
0xa4: {  	s25 =	simm.s32 $0x1B8E;
	s24 =	sld [smem:$0x3FFE];
	[sflag:s23] =	ssyncadd.s32 $0xFFFFFFFF  }
0xa5: {  	s26 =	simm.s32 $execute0_lowered;
	[smem:$0x3FD2] =	sst s25  }
0xa6: {  	s4 =	sshll.u32 s26, $0x1;
	_ =	strace $0x80000046;
	[dreg:$0x1] =	wrdreg $0xFFFFFFFF  }
0xa7: {  	s28 =	simm.s32 $_size_execute0_lowered;
	s2 =	sadd.s32 s2, s4;
	[dreg:$0x0] =	wrdreg $0x0  }
0xa8: {  	s4 =	sshll.u32 s28, $0x1;
	[dreg:$0x2] =	wrdreg s2  }
0xa9: {  	[dreg:$0x3] =	wrdreg s4  }
0xaa: {  	[dreg:$0x4] =	wrdreg $0xC0  }
0xab: {  	_ =	task [dreg:s6], $0x5FFFF  }
0xac: {  	[dreg:$0x1] =	wrdreg $0xFFFFFFFF  }
0xad: {  	[dreg:$0x0] =	wrdreg $0x60  }
0xae: {  	[dreg:$0x2] =	wrdreg s24  }
0xaf: {  	[dreg:$0x3] =	wrdreg $0x9  }
0xb0: {  	_ =	task.clear_ibuf [dreg:s6], $0x4FFFF;
	_ =	strace $0x90000046  }
0xb1: {  	s29 =	simm.s32 $0x9;
	_ =	strace $0x80000048  }
0xb2: {  	_ =	swait.ge [sflag:s29], $0x1  }
0xb3: {  	[sflag:s29] =	ssyncadd.s32 $0xFFFFFFFF  }
0xb4: {  	_ =	strace $0x90000048  }
0xb5: {  	_ =	sfence  }
0xb6: {  	s30 =	sld [smem:$0x0];
	_ =	sdelay $0x2  }
0xb7: {  	s31 =	sshll.u32 s1, $0xD;
	s1 =	sshrl.u32 s1, $0x2  }
0xb8: {  	s3 =	sand.u32 $0x4000, s31;
	s1 =	sadd.s32 s1, s30  }
0xb9: {  	s0 =	sor.u32 s3, s0;
	s1 =	sshll.u32 s1, $0x11  }
0xba: {  	s0 =	sor.u32 s1, s0  }
0xbb: {  	s0 =	sadd.s32 $0x8F2B, s0  }
0xbc: {  	[sflag:s0] =	ssyncadd.remote.s32 $0x1  }
0xbd: {  	_ =	sfence.sel $0xFFFF  }
0xbe: {  	[dreg:$0x0] =	wrdreg $0xFFFFFFFF;
	(pc) =	sbr.abs _section_cstart, $3  }
0xbf: {  	[dreg:$0x1] =	wrdreg $0xFFFFFFFF  }
0xc0: {  	_ =	task.clear_ibuf [dreg:s6], $0x2FFFF;
	_ =	strace $0x9FFFFFFF  }
0xc1: {  	(tm) =	ssettm $0x7FFFFFFF  }
tec
execute0_lowered:
.L_overlay_start_1:
0x0: {  	(tag) =	ssettag $0x1  }
0x1: {  	s0 =	rddreg [dreg:$0x0];
	s2 =	simm.s32 $0x0  }
0x2: {  	s1 =	srdreg.scid;
	s3 =	stileid.u32;
	s11 =	simm.s32 $0x1  }
0x3: {  	s12 =	simm.s32 $0xD0;
	s15 =	simm.s32 $0x100;
	s16 =	simm.s32 $0x3  }
0x4: {  	s17 =	simm.s32 $0x2;
	s18 =	simm.s32 $0x300;
	s19 =	simm.s32 $0x6C00  }
0x5: {  	s21 =	simm.s32 $0x5;
	s1 =	sand.u32 $0x1, s1;
	s3 =	sshll.u32 s3, $0x1  }
0x6: {  	[smem:$0x7FF] =	sst s2;
	s4 =	sadd.s32 $0xF43200, s0;
	s5 =	sor.u32 s1, s3  }
0x7: {  	s22 =	simm.s32 $0x0;
	_ =	strace $0x80000047;
	s7 =	smul.u32 $0x1900, s5  }
.Ltmp0:
0x8: {  	s3 =	sadd.s32 $0xE00, s0;
	s1 =	ssub.s32 $0x2, s1;
	(pc) =	sbr.rel .LBB2_1-.Ltmp0, $4  }
0x9: {  	s6 =	sshll.u32 s5, $0xC;
	s30 =	sshrl.u32 s1, $0x1;
	s8 =	sshll.u32 s5, $0x8  }
0xa: {  	s0 =	sadd.s32 s6, s0;
	s1 =	ssub.s32 s1, s30;
	s5 =	sadd.s32 s3, s7  }
0xb: {  	s7 =	sor.u32 $0x2, s8;
	s8 =	sor.u32 $0x3, s8;
	s31 =	sadd.s32 $0x19, s5  }
0xc: {  	vm0 =	vmmov $0xff;
	s9 =	sadd.s32 $0x32E00, s0;
	s10 =	smax.u32 s1, $0x1;
	[dreg:$0x2] =	wrdreg s31  }
.LBB2_8:
0xd: {  	s22 =	sadd.s32 $0x1, s22  }
0xe: {  	p0 =	sne.s32 s22, s10  }
.Ltmp1:
0xf: {  	s0 =	simm.s32 $0xD400;
	(pc) =	sbr.rel @!p0 .LBB2_9-.Ltmp1, $4  }
0x10: {  	[hbm4b:s9+s2] =	stream.linear.scatter [tilespmem:s0], [sflag:$0x5], $0x8000, $0x38;
	[tilespmem:$0x15400] =	vst v63  }
0x11: {  	_ =	swait.ge [sflag:s21], $0x8000  }
0x12: {  	[sflag:s21] =	ssyncset.done $0x0  }
0x13: {  	[sflag:s21] =	ssyncadd.s32 $0xFFFF8000  }
.LBB2_1:
0x14: {  	[tilespmem:s2], [sflag:$0x1] =	stream.linear.gather [hbm4b:s5+s2], $0xC8, $0x38;
	[tilespmem:$0x15400] =	vst v63  }
0x15: {  	_ =	swait.ge [sflag:s11], $0xC8  }
0x16: {  	[sflag:s11] =	ssyncset.done $0x0  }
0x17: {  	[sflag:s11] =	ssyncadd.s32 $0xFFFFFF38  }
0x18: {  	v0 =	vld [tilespmem:$0x0]  }
0x19: {  	v1 =	vld [tilespmem:$0x10]  }
0x1a: {  	v2 =	vld [tilespmem:$0x20]  }
0x1b: {  	v3 =	vld [tilespmem:$0x30]  }
0x1c: {  	v4 =	vld [tilespmem:$0x40]  }
0x1d: {  	v5 =	vld [tilespmem:$0x50]  }
0x1e: {  	v6 =	vld [tilespmem:$0x60];
	v0 =	vshrl.u32 v0, $0x1  }
0x1f: {  	v46 =	vld [tilespmem:$0x70];
	v45 =	vshrl.u32 v1, $0x1;
	[tilespmem:$0x200] =	vst v0  }
0x20: {  	v48 =	vld [tilespmem:$0x80];
	v47 =	vshrl.u32 v2, $0x1;
	[tilespmem:$0x210] =	vst v45  }
0x21: {  	v50 =	vld [tilespmem:$0x90];
	v49 =	vshrl.u32 v3, $0x1;
	[tilespmem:$0x220] =	vst v47  }
0x22: {  	v52 =	vld [tilespmem:$0xA0];
	v51 =	vshrl.u32 v4, $0x1;
	[tilespmem:$0x230] =	vst v49  }
0x23: {  	v54 =	vld [tilespmem:$0xB0];
	v53 =	vshrl.u32 v5, $0x1;
	[tilespmem:$0x240] =	vst v51  }
0x24: {  	v56 =	vld [tilespmem:$0xC0];
	v55 =	vshrl.u32 v6, $0x1;
	[tilespmem:$0x250] =	vst v53  }
0x25: {  	v57 =	vshrl.u32 v46, $0x1;
	[tilespmem:$0x260] =	vst v55  }
0x26: {  	v58 =	vshrl.u32 v48, $0x1;
	[tilespmem:$0x270] =	vst v57  }
0x27: {  	v59 =	vshrl.u32 v50, $0x1;
	[tilespmem:$0x280] =	vst v58  }
0x28: {  	v60 =	vshrl.u32 v52, $0x1;
	[tilespmem:$0x290] =	vst v59  }
0x29: {  	v61 =	vshrl.u32 v54, $0x1;
	v62 =	vshrl.u32 v56, $0x1;
	[tilespmem:$0x2A0] =	vst v60  }
0x2a: {  	[tilespmem:$0x2B0] =	vst v61;
	v63 =	vnsel vm0, $0x0, v62  }
0x2b: {  	s0 =	simm.s32 $0x200;
	s1 =	simm.s32 $0x400;
	[tilespmem:$0x2C0] =	vst v63  }
0x2c: {  	[tilespmem:s1], [sflag:$0x3] =	stream.indirect.gather [hbm4b:s4+s12], $0x80, s0, s12, $0xb8;
	[tilespmem:$0x15400] =	vst v63  }
0x2d: {  	s23 =	simm.s32 $0x0;
	s31 =	rddreg [dreg:$0x2]  }
0x2e: {  	[tilespmem:s15], [sflag:$0x2] =	stream.linear.gather [hbm4b:s31+s2], $0xC8, $0x38;
	[tilespmem:$0x15400] =	vst v63  }
.LBB2_2:
0x2f: {  	_ =	swait.ge [sflag:s16], $0x6800  }
0x30: {  	[sflag:s16] =	ssyncset.done $0x0  }
0x31: {  	[sflag:s16] =	ssyncadd.s32 $0xFFFF9800  }
0x32: {  	_ =	swait.ge [sflag:s17], $0xC8  }
0x33: {  	[sflag:s17] =	ssyncset.done $0x0  }
0x34: {  	[sflag:s17] =	ssyncadd.s32 $0xFFFFFF38  }
0x35: {  	v0 =	vld [tilespmem:$0x100]  }
0x36: {  	v1 =	vld [tilespmem:$0x110]  }
0x37: {  	v2 =	vld [tilespmem:$0x120]  }
0x38: {  	v3 =	vld [tilespmem:$0x130]  }
0x39: {  	v4 =	vld [tilespmem:$0x140]  }
0x3a: {  	v5 =	vld [tilespmem:$0x150]  }
0x3b: {  	v6 =	vld [tilespmem:$0x160];
	v0 =	vshrl.u32 v0, $0x1  }
0x3c: {  	[tilespmem:$0x300] =	vst v0;
	v0 =	vshrl.u32 v1, $0x1;
	v1 =	vld [tilespmem:$0x170]  }
0x3d: {  	[tilespmem:$0x310] =	vst v0;
	v0 =	vshrl.u32 v2, $0x1;
	v2 =	vld [tilespmem:$0x180]  }
0x3e: {  	[tilespmem:$0x320] =	vst v0;
	v0 =	vshrl.u32 v3, $0x1;
	v3 =	vld [tilespmem:$0x190]  }
0x3f: {  	[tilespmem:$0x330] =	vst v0;
	v0 =	vshrl.u32 v4, $0x1;
	v4 =	vld [tilespmem:$0x1A0]  }
0x40: {  	[tilespmem:$0x340] =	vst v0;
	v0 =	vshrl.u32 v5, $0x1;
	v5 =	vld [tilespmem:$0x1B0]  }
0x41: {  	[tilespmem:$0x350] =	vst v0;
	v0 =	vshrl.u32 v6, $0x1;
	v6 =	vld [tilespmem:$0x1C0]  }
0x42: {  	[tilespmem:$0x360] =	vst v0;
	v0 =	vshrl.u32 v1, $0x1  }
0x43: {  	[tilespmem:$0x370] =	vst v0;
	v0 =	vshrl.u32 v2, $0x1  }
0x44: {  	[tilespmem:$0x380] =	vst v0;
	v0 =	vshrl.u32 v3, $0x1  }
0x45: {  	[tilespmem:$0x390] =	vst v0;
	v0 =	vshrl.u32 v4, $0x1  }
0x46: {  	[tilespmem:$0x3A0] =	vst v0;
	v0 =	vshrl.u32 v5, $0x1;
	v1 =	vshrl.u32 v6, $0x1  }
0x47: {  	[tilespmem:$0x3B0] =	vst v0;
	v0 =	vnsel vm0, $0x0, v1  }
0x48: {  	s25 =	simm.s32 $0x0;
	[tilespmem:$0x3C0] =	vst v0  }
0x49: {  	[tilespmem:s19], [sflag:$0x4] =	stream.indirect.gather [hbm4b:s4+s12], $0x80, s18, s12, $0xb8;
	[tilespmem:$0x15400] =	vst v63  }
0x4a: {  	v0 =	vld [tilespmem:s25+$0x0];
	_ =	sdelay $0x4  }
0x4b: {  	v0 =	vshll.u32 v0, $0x6  }
0x4c: {  	s0 =	simm.s32 $0x0;
	v0 =	vand.u32 $0x40, v0  }
0x4d: {  	v13 =	vadd.s32 s0, v0  }
0x4e: {  	(v2sf) =	vpush v13, $0xF  }
0x4f: {  	(v2sf) =	vpush v13, $0x9;
	_ =	sdelay $0x2  }
0x50: {  	(v2sf) =	vpush v13, $0x6;
	_ =	sdelay $0x3  }
0x51: {  	(v2sf) =	vpush v13, $0x8;
	_ =	sdelay $0x1  }
0x52: {  	(v2sf) =	vpush v13, $0x4;
	_ =	sdelay $0x3  }
0x53: {  	(v2sf) =	vpush v13, $0x1  }
0x54: {  	s24 =	spop (v2sf)  }
0x55: {  	s30 =	spop (v2sf)  }
0x56: {  	v1 =	vld [tilespmem:s30+$0x8B0]  }
0x57: {  	(v2sf) =	vpush v13, $0x3;
	v0 =	vld [tilespmem:s30+$0x890]  }
0x58: {  	s31 =	spop (v2sf);
	v6 =	vld [tilespmem:s30+$0x8A0]  }
0x59: {  	v4 =	vld [tilespmem:s31+$0x710]  }
0x5a: {  	(v2sf) =	vpush v13, $0x2;
	v5 =	vld [tilespmem:s31+$0x730]  }
0x5b: {  	(v2sf) =	vpush v13, $0x5;
	v9 =	vld [tilespmem:s31+$0x700]  }
0x5c: {  	(v2sf) =	vpush v13, $0x0;
	s28 =	spop (v2sf);
	v8 =	vld [tilespmem:s31+$0x720]  }
0x5d: {  	(v2sf) =	vpush v13, $0x7;
	v2 =	vld [tilespmem:s28+$0x830]  }
0x5e: {  	v3 =	vld [tilespmem:s28+$0x810];
	s1 =	spop (v2sf)  }
0x5f: {  	v11 =	vld [tilespmem:s1+$0x610]  }
0x60: {  	v15 =	vld [tilespmem:s1+$0x620]  }
0x61: {  	v17 =	vld [tilespmem:s1+$0x600]  }
0x62: {  	s13 =	spop (v2sf);
	v10 =	vld [tilespmem:s1+$0x630]  }
0x63: {  	v32 =	vld [tilespmem:s13+$0x490]  }
0x64: {  	v27 =	vld [tilespmem:s13+$0x4B0]  }
0x65: {  	v24 =	vld [tilespmem:s13+$0x4A0]  }
0x66: {  	s14 =	spop (v2sf);
	v34 =	vld [tilespmem:s13+$0x480]  }
0x67: {  	v18 =	vld [tilespmem:s14+$0x590]  }
0x68: {  	(v2sf) =	vpush v13, $0xA;
	v26 =	vld [tilespmem:s14+$0x5A0]  }
0x69: {  	s20 =	spop (v2sf);
	v28 =	vld [tilespmem:s14+$0x580]  }
0x6a: {  	v20 =	vld [tilespmem:s14+$0x5B0];
	s0 =	spop (v2sf)  }
0x6b: {  	v23 =	vld [tilespmem:s20+$0x510];
	s1 =	spop (v2sf)  }
0x6c: {  	v21 =	vld [tilespmem:s20+$0x530];
	s14 =	spop (v2sf);
	(v2sf) =	vpush v13, $0xB  }
0x6d: {  	v29 =	vld [tilespmem:s20+$0x520]  }
0x6e: {  	v30 =	vld [tilespmem:s20+$0x500];
	(v2sf) =	vpush v13, $0xC  }
0x6f: {  	v7 =	vld [tilespmem:s0+$0x6B0]  }
0x70: {  	v16 =	vld [tilespmem:s0+$0x680]  }
0x71: {  	v19 =	vld [tilespmem:s0+$0x6A0]  }
0x72: {  	v22 =	vld [tilespmem:s1+$0x430];
	(v2sf) =	vpush v13, $0xE  }
0x73: {  	v35 =	vld [tilespmem:s1+$0x420]  }
0x74: {  	v36 =	vld [tilespmem:s1+$0x400];
	(v2sf) =	vpush v13, $0xD  }
0x75: {  	v14 =	vld [tilespmem:s14+$0x7A0]  }
0x76: {  	v25 =	vimm.f32 $0.0e+00;
	v12 =	vld [tilespmem:s14+$0x790]  }
0x77: {  	s26 =	simm.s32 $0x2000;
	v31 =	vimm.f32 $0.0e+00;
	v33 =	vimm.f32 $0.0e+00;
	s29 =	spop (v2sf);
	v13 =	vld [tilespmem:s14+$0x7B0];
	v22 =	vadd.f32 v22, v25  }
.LBB2_3:
0x78: {  	p0 =	sne.s32 s26, $0x16000  }
0x79: {  	v37 =	vld [tilespmem:s29+$0x920];
	s25 =	sadd.s32 $0x10, s25;
	s20 =	smov.u32 s26;
	s26 =	sadd.s32 $0x2000, s26  }
0x7a: {  	v38 =	vld [tilespmem:s1+$0x410]  }
0x7b: {  	v35 =	vadd.f32 v35, v25;
	v39 =	vld [tilespmem:s14+$0x780];
	s13 =	spop (v2sf)  }
0x7c: {  	v31 =	vadd.f32 v36, v31;
	v25 =	vld [tilespmem:s13+$0x9B0]  }
0x7d: {  	v35 =	vadd.f32 v24, v35;
	v36 =	vld [tilespmem:s30+$0x880];
	s1 =	spop (v2sf)  }
0x7e: {  	v31 =	vadd.f32 v34, v31;
	v24 =	vld [tilespmem:s1+$0xA30]  }
0x7f: {  	v34 =	vld [tilespmem:s25+$0x0];
	v33 =	vadd.f32 v38, v33;
	v29 =	vadd.f32 v29, v35  }
0x80: {  	v30 =	vadd.f32 v30, v31;
	v31 =	vld [tilespmem:s0+$0x690]  }
0x81: {  	v32 =	vadd.f32 v32, v33;
	v33 =	vld [tilespmem:s29+$0x900];
	s0 =	spop (v2sf)  }
0x82: {  	v26 =	vadd.f32 v26, v29;
	v28 =	vadd.f32 v28, v30;
	v29 =	vld [tilespmem:s0+$0xB00]  }
0x83: {  	v30 =	vadd.f32 v23, v32;
	v23 =	vld [tilespmem:s24+$0xBB0];
	s14 =	spop (v2sf)  }
0x84: {  	v15 =	vadd.f32 v15, v26;
	v32 =	vshll.u32 v34, $0x6;
	v17 =	vadd.f32 v17, v28;
	v26 =	vld [tilespmem:s14+$0xA80]  }
0x85: {  	v27 =	vadd.f32 v27, v22;
	s20 =	sshra.s32 s20, $0x2;
	v28 =	vand.u32 $0x40, v32;
	v30 =	vadd.f32 v18, v30;
	v18 =	vld [tilespmem:s0+$0xB30]  }
0x86: {  	v15 =	vadd.f32 v19, v15;
	v22 =	vadd.s32 s20, v28;
	v16 =	vadd.f32 v16, v17;
	v17 =	vld [tilespmem:s28+$0x800]  }
0x87: {  	v19 =	vadd.f32 v21, v27;
	(v2sf) =	vpush v22, $0xF;
	v21 =	vld [tilespmem:s28+$0x820]  }
0x88: {  	v11 =	vadd.f32 v11, v30;
	(v2sf) =	vpush v22, $0x9;
	v27 =	vld [tilespmem:s1+$0xA00]  }
0x89: {  	v19 =	vadd.f32 v20, v19;
	(v2sf) =	vpush v22, $0x6;
	v20 =	vld [tilespmem:s13+$0x980]  }
0x8a: {  	v9 =	vadd.f32 v9, v16;
	(v2sf) =	vpush v22, $0x8;
	v16 =	vld [tilespmem:s29+$0x910]  }
0x8b: {  	v8 =	vadd.f32 v8, v15;
	(v2sf) =	vpush v22, $0x4;
	v15 =	vld [tilespmem:s14+$0xAB0]  }
0x8c: {  	v9 =	vadd.f32 v39, v9;
	(v2sf) =	vpush v22, $0x1;
	v28 =	vld [tilespmem:s13+$0x990]  }
0x8d: {  	v11 =	vadd.f32 v31, v11;
	(v2sf) =	vpush v22, $0x3;
	v30 =	vld [tilespmem:s13+$0x9A0]  }
0x8e: {  	v8 =	vadd.f32 v14, v8;
	(v2sf) =	vpush v22, $0x2;
	v14 =	vld [tilespmem:s1+$0xA10]  }
0x8f: {  	v10 =	vadd.f32 v10, v19;
	v9 =	vadd.f32 v17, v9;
	v17 =	vld [tilespmem:s1+$0xA20]  }
0x90: {  	v8 =	vadd.f32 v21, v8;
	(v2sf) =	vpush v22, $0x5;
	v19 =	vld [tilespmem:s14+$0xA90]  }
0x91: {  	v7 =	vadd.f32 v7, v10;
	(v2sf) =	vpush v22, $0x0;
	v10 =	vld [tilespmem:s14+$0xAA0]  }
0x92: {  	v9 =	vadd.f32 v36, v9;
	v6 =	vadd.f32 v6, v8;
	v21 =	vld [tilespmem:s0+$0xB10]  }
0x93: {  	v4 =	vadd.f32 v4, v11;
	v5 =	vadd.f32 v5, v7;
	v7 =	vld [tilespmem:s0+$0xB20]  }
0x94: {  	v8 =	vadd.f32 v33, v9;
	v6 =	vadd.f32 v37, v6;
	v32 =	vld [tilespmem:s24+$0xB90]  }
0x95: {  	v4 =	vadd.f32 v12, v4;
	v5 =	vadd.f32 v13, v5;
	v11 =	vld [tilespmem:s24+$0xBA0]  }
0x96: {  	v8 =	vadd.f32 v20, v8;
	v6 =	vadd.f32 v30, v6;
	s0 =	spop (v2sf);
	v9 =	vld [tilespmem:s29+$0x930]  }
0x97: {  	v3 =	vadd.f32 v3, v4;
	v2 =	vadd.f32 v2, v5;
	s30 =	spop (v2sf);
	v12 =	vld [tilespmem:s24+$0xB80];
	s24 =	smov.u32 s0  }
0x98: {  	v5 =	vadd.f32 v27, v8;
	v6 =	vadd.f32 v17, v6;
	v13 =	vld [tilespmem:s30+$0x8B0];
	s0 =	spop (v2sf)  }
0x99: {  	v3 =	vadd.f32 v0, v3;
	v1 =	vadd.f32 v1, v2;
	s28 =	spop (v2sf);
	v0 =	vld [tilespmem:s30+$0x890]  }
0x9a: {  	v8 =	vadd.f32 v26, v5;
	v6 =	vadd.f32 v10, v6;
	v4 =	vld [tilespmem:s0+$0x710];
	s14 =	spop (v2sf)  }
0x9b: {  	v10 =	vadd.f32 v16, v3;
	v5 =	vld [tilespmem:s0+$0x730];
	s13 =	spop (v2sf);
	v9 =	vadd.f32 v9, v1  }
0x9c: {  	v8 =	vadd.f32 v29, v8;
	v6 =	vadd.f32 v7, v6;
	v2 =	vld [tilespmem:s28+$0x830];
	s20 =	spop (v2sf)  }
0x9d: {  	v7 =	vadd.f32 v28, v10;
	v3 =	vld [tilespmem:s28+$0x810];
	s29 =	spop (v2sf);
	v10 =	vadd.f32 v25, v9;
	v1 =	vmov v13  }
0x9e: {  	v31 =	vadd.f32 v12, v8;
	v25 =	vadd.f32 v11, v6;
	v9 =	vld [tilespmem:s0+$0x700]  }
0x9f: {  	v7 =	vadd.f32 v14, v7;
	v8 =	vld [tilespmem:s0+$0x720];
	s0 =	spop (v2sf);
	v10 =	vadd.f32 v24, v10  }
0xa0: {  	v11 =	vld [tilespmem:s14+$0x610];
	s1 =	spop (v2sf);
	(v2sf) =	vpush v22, $0x7  }
0xa1: {  	v7 =	vadd.f32 v19, v7;
	v6 =	vld [tilespmem:s30+$0x8A0];
	v10 =	vadd.f32 v15, v10  }
0xa2: {  	v15 =	vld [tilespmem:s14+$0x620]  }
0xa3: {  	v12 =	vadd.f32 v21, v7;
	v17 =	vld [tilespmem:s14+$0x600];
	v13 =	vadd.f32 v18, v10  }
0xa4: {  	v7 =	vld [tilespmem:s0+$0x6B0]  }
0xa5: {  	v33 =	vadd.f32 v32, v12;
	v10 =	vld [tilespmem:s14+$0x630];
	v13 =	vadd.f32 v23, v13  }
0xa6: {  	v18 =	vld [tilespmem:s20+$0x590];
	(v2sf) =	vpush v22, $0xA  }
0xa7: {  	v16 =	vld [tilespmem:s0+$0x680]  }
0xa8: {  	v23 =	vld [tilespmem:s29+$0x510]  }
0xa9: {  	v19 =	vld [tilespmem:s0+$0x6A0]  }
0xaa: {  	v26 =	vld [tilespmem:s20+$0x5A0]  }
0xab: {  	v21 =	vld [tilespmem:s29+$0x530]  }
0xac: {  	v29 =	vld [tilespmem:s29+$0x520]  }
0xad: {  	v28 =	vld [tilespmem:s20+$0x580];
	(v2sf) =	vpush v22, $0xB  }
0xae: {  	v30 =	vld [tilespmem:s29+$0x500]  }
0xaf: {  	v20 =	vld [tilespmem:s20+$0x5B0];
	s14 =	spop (v2sf);
	(v2sf) =	vpush v22, $0xC  }
0xb0: {  	v32 =	vld [tilespmem:s13+$0x490]  }
0xb1: {  	v27 =	vld [tilespmem:s13+$0x4B0]  }
0xb2: {  	v14 =	vld [tilespmem:s14+$0x7A0]  }
0xb3: {  	v37 =	vld [tilespmem:s1+$0x430];
	(v2sf) =	vpush v22, $0xE  }
0xb4: {  	v24 =	vld [tilespmem:s13+$0x4A0]  }
.Ltmp2:
0xb5: {  	v12 =	vld [tilespmem:s14+$0x790];
	s29 =	spop (v2sf);
	(v2sf) =	vpush v22, $0xD;
	(pc) =	sbr.rel @p0 .LBB2_3-.Ltmp2, $4  }
0xb6: {  	v34 =	vld [tilespmem:s13+$0x480]  }
0xb7: {  	v35 =	vld [tilespmem:s1+$0x420]  }
0xb8: {  	v36 =	vld [tilespmem:s1+$0x400];
	v22 =	vadd.f32 v37, v13  }
0xb9: {  	v13 =	vld [tilespmem:s14+$0x7B0]  }
0xba: {  	v37 =	vld [tilespmem:s29+$0x920]  }
0xbb: {  	v38 =	vld [tilespmem:s1+$0x410]  }
0xbc: {  	v39 =	vld [tilespmem:s14+$0x780]  }
0xbd: {  	v41 =	vld [tilespmem:s30+$0x880]  }
0xbe: {  	v43 =	vld [tilespmem:s0+$0x690]  }
0xbf: {  	v44 =	vld [tilespmem:s29+$0x900]  }
0xc0: {  	v45 =	vld [tilespmem:$0xC0]  }
0xc1: {  	v47 =	vld [tilespmem:s24+$0xBB0]  }
0xc2: {  	v50 =	vld [tilespmem:s28+$0x800]  }
0xc3: {  	v59 =	vld [tilespmem:s28+$0x820]  }
0xc4: {  	v62 =	vld [tilespmem:s29+$0x910];
	s20 =	spop (v2sf);
	v25 =	vadd.f32 v35, v25  }
0xc5: {  	v40 =	vld [tilespmem:s20+$0x9B0]  }
0xc6: {  	v63 =	vld [tilespmem:s20+$0x990];
	s13 =	spop (v2sf);
	v24 =	vadd.f32 v24, v25  }
0xc7: {  	v31 =	vadd.f32 v36, v31;
	v42 =	vld [tilespmem:s13+$0xA30];
	v45 =	vshll.u32 v45, $0x6  }
0xc8: {  	v61 =	vld [tilespmem:s13+$0xA00];
	v60 =	vand.u32 $0x40, v45;
	v24 =	vadd.f32 v29, v24  }
0xc9: {  	v25 =	vadd.f32 v34, v31;
	v31 =	vld [tilespmem:s20+$0x980];
	s25 =	spop (v2sf);
	(v2sf) =	vpush v60, $0x0  }
0xca: {  	v33 =	vadd.f32 v38, v33;
	v24 =	vadd.f32 v26, v24;
	v26 =	vld [tilespmem:s13+$0xA10]  }
0xcb: {  	v25 =	vadd.f32 v30, v25;
	v46 =	vld [tilespmem:s25+$0xB00]  }
0xcc: {  	v22 =	vadd.f32 v27, v22;
	v30 =	vadd.f32 v32, v33;
	v49 =	vld [tilespmem:s25+$0xB30]  }
0xcd: {  	(v2sf) =	vpush v60, $0x1;
	v25 =	vadd.f32 v28, v25;
	v28 =	vld [tilespmem:s20+$0x9A0];
	s26 =	spop (v2sf)  }
0xce: {  	v48 =	vld [tilespmem:s26+$0xA80]  }
0xcf: {  	v21 =	vadd.f32 v21, v22;
	v23 =	vadd.f32 v23, v30;
	v29 =	vld [tilespmem:s26+$0xAB0]  }
0xd0: {  	v15 =	vadd.f32 v15, v24;
	v17 =	vadd.f32 v17, v25;
	v25 =	vld [tilespmem:s13+$0xA20]  }
0xd1: {  	(v2sf) =	vpush v60, $0x2;
	v24 =	vld [tilespmem:s26+$0xA90];
	v18 =	vadd.f32 v18, v23  }
0xd2: {  	v22 =	vld [tilespmem:s26+$0xAA0];
	(v2sf) =	vpush v60, $0x3;
	v15 =	vadd.f32 v19, v15  }
0xd3: {  	v19 =	vld [tilespmem:s25+$0xB20];
	(v2sf) =	vpush v60, $0x4;
	v16 =	vadd.f32 v16, v17  }
0xd4: {  	v17 =	vld [tilespmem:s25+$0xB10];
	v11 =	vadd.f32 v11, v18;
	v18 =	vadd.f32 v20, v21  }
0xd5: {  	(v2sf) =	vpush v60, $0x5;
	v8 =	vadd.f32 v8, v15;
	v15 =	vld [tilespmem:s24+$0xBA0]  }
0xd6: {  	v9 =	vadd.f32 v9, v16;
	v16 =	vld [tilespmem:s24+$0xB90];
	v10 =	vadd.f32 v10, v18  }
0xd7: {  	(v2sf) =	vpush v60, $0x6;
	v11 =	vadd.f32 v43, v11;
	v18 =	vld [tilespmem:s29+$0x930]  }
0xd8: {  	v8 =	vadd.f32 v14, v8;
	v7 =	vadd.f32 v7, v10;
	v10 =	vld [tilespmem:s24+$0xB80];
	s1 =	spop (v2sf)  }
0xd9: {  	v9 =	vadd.f32 v39, v9;
	v4 =	vadd.f32 v4, v11;
	v11 =	vld [tilespmem:s1+$0x6400]  }
0xda: {  	v8 =	vadd.f32 v59, v8;
	v5 =	vadd.f32 v5, v7;
	v7 =	vld [tilespmem:s1+$0x6410]  }
0xdb: {  	v9 =	vadd.f32 v50, v9;
	v4 =	vadd.f32 v12, v4;
	v12 =	vld [tilespmem:s1+$0x6420]  }
0xdc: {  	v6 =	vadd.f32 v6, v8;
	v5 =	vadd.f32 v13, v5;
	v13 =	vld [tilespmem:s1+$0x6430];
	s6 =	spop (v2sf)  }
0xdd: {  	v9 =	vadd.f32 v41, v9;
	v3 =	vadd.f32 v3, v4;
	v4 =	vld [tilespmem:s6+$0x6480]  }
0xde: {  	v6 =	vadd.f32 v37, v6;
	v2 =	vadd.f32 v2, v5;
	v5 =	vld [tilespmem:s6+$0x6490]  }
0xdf: {  	v8 =	vadd.f32 v44, v9;
	v0 =	vadd.f32 v0, v3;
	v3 =	vld [tilespmem:s6+$0x64A0]  }
0xe0: {  	v6 =	vadd.f32 v28, v6;
	v1 =	vadd.f32 v1, v2;
	v2 =	vld [tilespmem:s6+$0x64B0];
	s13 =	spop (v2sf)  }
0xe1: {  	(v2sf) =	vpush v60, $0x7;
	v0 =	vadd.f32 v62, v0;
	v9 =	vld [tilespmem:s13+$0x6500]  }
0xe2: {  	v8 =	vadd.f32 v31, v8;
	v14 =	vld [tilespmem:s13+$0x6510];
	v6 =	vadd.f32 v25, v6  }
0xe3: {  	v20 =	vld [tilespmem:s13+$0x6530];
	v1 =	vadd.f32 v18, v1;
	v0 =	vadd.f32 v63, v0  }
0xe4: {  	s14 =	spop (v2sf);
	v18 =	vld [tilespmem:s13+$0x6520];
	v8 =	vadd.f32 v61, v8;
	v6 =	vadd.f32 v22, v6  }
0xe5: {  	v21 =	vld [tilespmem:s14+$0x6580];
	v1 =	vadd.f32 v40, v1;
	v0 =	vadd.f32 v26, v0  }
0xe6: {  	v23 =	vld [tilespmem:s14+$0x6590];
	v8 =	vadd.f32 v48, v8;
	v6 =	vadd.f32 v19, v6  }
0xe7: {  	v22 =	vld [tilespmem:s14+$0x65B0];
	v1 =	vadd.f32 v42, v1;
	v0 =	vadd.f32 v24, v0  }
0xe8: {  	s20 =	spop (v2sf);
	v24 =	vld [tilespmem:s14+$0x65A0];
	v8 =	vadd.f32 v46, v8;
	v6 =	vadd.f32 v15, v6  }
0xe9: {  	s24 =	spop (v2sf);
	v1 =	vadd.f32 v29, v1;
	v0 =	vadd.f32 v17, v0;
	v17 =	vld [tilespmem:s20+$0x6600]  }
0xea: {  	s25 =	spop (v2sf);
	v8 =	vadd.f32 v10, v8;
	v10 =	vld [tilespmem:s20+$0x6610];
	v6 =	vadd.f32 v12, v6  }
0xeb: {  	v12 =	vld [tilespmem:s25+$0x6720];
	v1 =	vadd.f32 v49, v1;
	v0 =	vadd.f32 v16, v0  }
0xec: {  	v16 =	vld [tilespmem:s20+$0x6620];
	v8 =	vadd.f32 v11, v8  }
0xed: {  	v11 =	vld [tilespmem:s20+$0x6630];
	v1 =	vadd.f32 v47, v1;
	v0 =	vadd.f32 v7, v0  }
0xee: {  	v3 =	vadd.f32 v3, v6;
	v6 =	vld [tilespmem:s24+$0x66B0];
	v4 =	vadd.f32 v4, v8  }
0xef: {  	v7 =	vld [tilespmem:s24+$0x6680];
	v1 =	vadd.f32 v13, v1;
	v0 =	vadd.f32 v5, v0  }
0xf0: {  	v8 =	vld [tilespmem:s24+$0x6690];
	v4 =	vadd.f32 v9, v4  }
0xf1: {  	v5 =	vld [tilespmem:s24+$0x66A0];
	v1 =	vadd.f32 v2, v1;
	v0 =	vadd.f32 v14, v0  }
0xf2: {  	v3 =	vadd.f32 v18, v3;
	v9 =	vld [tilespmem:s25+$0x6710];
	v4 =	vadd.f32 v21, v4  }
0xf3: {  	v2 =	vld [tilespmem:s25+$0x6700];
	v1 =	vadd.f32 v20, v1;
	v0 =	vadd.f32 v23, v0  }
0xf4: {  	s26 =	spop (v2sf);
	v13 =	vld [tilespmem:s25+$0x6730];
	v3 =	vadd.f32 v24, v3;
	v4 =	vadd.f32 v17, v4  }
0xf5: {  	v1 =	vadd.f32 v22, v1;
	v0 =	vadd.f32 v10, v0;
	v10 =	vld [tilespmem:s26+$0x6780]  }
0xf6: {  	v3 =	vadd.f32 v16, v3;
	v4 =	vadd.f32 v7, v4;
	v7 =	vld [tilespmem:s26+$0x6790]  }
0xf7: {  	v1 =	vadd.f32 v11, v1;
	v0 =	vadd.f32 v8, v0;
	v8 =	vld [tilespmem:s26+$0x67A0]  }
0xf8: {  	v3 =	vadd.f32 v5, v3;
	v2 =	vadd.f32 v2, v4;
	v4 =	vld [tilespmem:s26+$0x67B0]  }
0xf9: {  	v1 =	vadd.f32 v6, v1;
	v0 =	vadd.f32 v9, v0  }
0xfa: {  	s1 =	sshll.u32 s23, $0x8;
	v3 =	vadd.f32 v12, v3;
	v2 =	vadd.f32 v10, v2  }
0xfb: {  	s24 =	sand.u32 $0x3FFFFF00, s1;
	v1 =	vadd.f32 v13, v1;
	v0 =	vadd.f32 v7, v0  }
0xfc: {  	v3 =	vadd.f32 v8, v3;
	[tilespmem:s24+$0xD400] =	vst v2  }
0xfd: {  	v1 =	vadd.f32 v4, v1;
	[tilespmem:s24+$0xD410] =	vst v0  }
0xfe: {  	p0 =	seq.s32 s23, $0x7F;
	s25 =	sshll.u32 s23, $0x1;
	[tilespmem:s24+$0xD420] =	vst v3  }
0xff: {  	s0 =	simm.s32 @p0 $0x4;
	s1 =	sadd.s32 @!p0 s25, s7;
	[tilespmem:s24+$0xD430] =	vst v1  }
0x100: {  	s1 =	smul.u32 @!p0 $0x19, s1;
	_ =	swait.ge @p0 [sflag:s0], $0x6800  }
0x101: {  	[sflag:s0] =	ssyncset.done @p0 $0x0  }
0x102: {  	[sflag:s0] =	ssyncadd.s32 @p0 $0xFFFF9800;
	s0 =	sadd.s32 @!p0 s3, s1;
	s1 =	simm.s32 @!p0 $0x0  }
0x103: {  	[tilespmem:s1], [sflag:$0x1] =	stream.linear.gather @!p0 [hbm4b:s0+s1], $0xC8, $0x38;
	[tilespmem:$0x15400] =	vst v63  }
0x104: {  	s0 =	simm.s32 @!p0 $0x4  }
0x105: {  	_ =	swait.ge @!p0 [sflag:s0], $0x6800  }
0x106: {  	[sflag:s0] =	ssyncset.done @!p0 $0x0  }
0x107: {  	[sflag:s0] =	ssyncadd.s32 @!p0 $0xFFFF9800;
	s0 =	simm.s32 @!p0 $0x1  }
0x108: {  	_ =	swait.ge @!p0 [sflag:s0], $0xC8  }
0x109: {  	[sflag:s0] =	ssyncset.done @!p0 $0x0  }
0x10a: {  	[sflag:s0] =	ssyncadd.s32 @!p0 $0xFFFFFF38  }
0x10b: {  	v0 =	vld @!p0 [tilespmem:$0x0]  }
0x10c: {  	v1 =	vld @!p0 [tilespmem:$0x10]  }
0x10d: {  	v2 =	vld @!p0 [tilespmem:$0x20]  }
0x10e: {  	v3 =	vld @!p0 [tilespmem:$0x30]  }
0x10f: {  	v4 =	vld @!p0 [tilespmem:$0x40]  }
0x110: {  	v5 =	vld @!p0 [tilespmem:$0x50]  }
0x111: {  	v6 =	vld @!p0 [tilespmem:$0x60];
	v0 =	vshrl.u32 @!p0 v0, $0x1  }
0x112: {  	[tilespmem:$0x200] =	vst @!p0 v0;
	v0 =	vshrl.u32 @!p0 v1, $0x1;
	v1 =	vld @!p0 [tilespmem:$0x70]  }
0x113: {  	[tilespmem:$0x210] =	vst @!p0 v0;
	v0 =	vshrl.u32 @!p0 v2, $0x1;
	v2 =	vld @!p0 [tilespmem:$0x80]  }
0x114: {  	[tilespmem:$0x220] =	vst @!p0 v0;
	v0 =	vshrl.u32 @!p0 v3, $0x1;
	v3 =	vld @!p0 [tilespmem:$0x90]  }
0x115: {  	[tilespmem:$0x230] =	vst @!p0 v0;
	v0 =	vshrl.u32 @!p0 v4, $0x1;
	v4 =	vld @!p0 [tilespmem:$0xA0]  }
0x116: {  	[tilespmem:$0x240] =	vst @!p0 v0;
	v0 =	vshrl.u32 @!p0 v5, $0x1;
	v5 =	vld @!p0 [tilespmem:$0xB0]  }
0x117: {  	[tilespmem:$0x250] =	vst @!p0 v0;
	v0 =	vshrl.u32 @!p0 v6, $0x1;
	v6 =	vld @!p0 [tilespmem:$0xC0]  }
0x118: {  	[tilespmem:$0x260] =	vst @!p0 v0;
	v0 =	vshrl.u32 @!p0 v1, $0x1  }
0x119: {  	[tilespmem:$0x270] =	vst @!p0 v0;
	v0 =	vshrl.u32 @!p0 v2, $0x1  }
0x11a: {  	[tilespmem:$0x280] =	vst @!p0 v0;
	v0 =	vshrl.u32 @!p0 v3, $0x1  }
0x11b: {  	[tilespmem:$0x290] =	vst @!p0 v0;
	v0 =	vshrl.u32 @!p0 v4, $0x1  }
0x11c: {  	vm1 =	vmmov @!p0 $0xff;
	[tilespmem:$0x2A0] =	vst @!p0 v0;
	v0 =	vshrl.u32 @!p0 v5, $0x1;
	v1 =	vshrl.u32 @!p0 v6, $0x1  }
0x11d: {  	s28 =	simm.s32 $0x100;
	[tilespmem:$0x2B0] =	vst @!p0 v0;
	v0 =	vnsel @!p0 vm1, $0x0, v1  }
0x11e: {  	s13 =	simm.s32 @!p0 $0x400;
	s1 =	simm.s32 @!p0 $0x200;
	s0 =	simm.s32 @!p0 $0xD0;
	[tilespmem:$0x2C0] =	vst @!p0 v0  }
0x11f: {  	[tilespmem:s13], [sflag:$0x3] =	stream.indirect.gather @!p0 [hbm4b:s4+s0], $0x80, s1, s0, $0xb8;
	[tilespmem:$0x15400] =	vst v63  }
0x120: {  	v0 =	vld [tilespmem:s28+$0x0];
	_ =	sdelay $0x4  }
0x121: {  	v0 =	vshll.u32 v0, $0x6  }
0x122: {  	s6 =	simm.s32 $0x0;
	v0 =	vand.u32 $0x40, v0  }
0x123: {  	v13 =	vadd.s32 s6, v0  }
0x124: {  	(v2sf) =	vpush v13, $0xF  }
0x125: {  	(v2sf) =	vpush v13, $0x9;
	_ =	sdelay $0x2  }
0x126: {  	(v2sf) =	vpush v13, $0x6;
	_ =	sdelay $0x3  }
0x127: {  	(v2sf) =	vpush v13, $0x8;
	_ =	sdelay $0x1  }
0x128: {  	(v2sf) =	vpush v13, $0x4;
	_ =	sdelay $0x3  }
0x129: {  	(v2sf) =	vpush v13, $0x1  }
0x12a: {  	s26 =	spop (v2sf)  }
0x12b: {  	s0 =	spop (v2sf)  }
0x12c: {  	v1 =	vld [tilespmem:s0+$0x70B0]  }
0x12d: {  	(v2sf) =	vpush v13, $0x3;
	v0 =	vld [tilespmem:s0+$0x7090]  }
0x12e: {  	s13 =	spop (v2sf);
	v6 =	vld [tilespmem:s0+$0x70A0]  }
0x12f: {  	v4 =	vld [tilespmem:s13+$0x6F10]  }
0x130: {  	(v2sf) =	vpush v13, $0x2;
	v5 =	vld [tilespmem:s13+$0x6F30]  }
0x131: {  	(v2sf) =	vpush v13, $0x5;
	v9 =	vld [tilespmem:s13+$0x6F00]  }
0x132: {  	(v2sf) =	vpush v13, $0x0;
	s30 =	spop (v2sf);
	v8 =	vld [tilespmem:s13+$0x6F20]  }
0x133: {  	(v2sf) =	vpush v13, $0x7;
	v2 =	vld [tilespmem:s30+$0x7030]  }
0x134: {  	v3 =	vld [tilespmem:s30+$0x7010];
	s14 =	spop (v2sf)  }
0x135: {  	v11 =	vld [tilespmem:s14+$0x6E10]  }
0x136: {  	v15 =	vld [tilespmem:s14+$0x6E20]  }
0x137: {  	v17 =	vld [tilespmem:s14+$0x6E00]  }
0x138: {  	s6 =	spop (v2sf);
	v10 =	vld [tilespmem:s14+$0x6E30]  }
0x139: {  	v32 =	vld [tilespmem:s6+$0x6C90]  }
0x13a: {  	v27 =	vld [tilespmem:s6+$0x6CB0]  }
0x13b: {  	v24 =	vld [tilespmem:s6+$0x6CA0]  }
0x13c: {  	s20 =	spop (v2sf);
	v34 =	vld [tilespmem:s6+$0x6C80]  }
0x13d: {  	v18 =	vld [tilespmem:s20+$0x6D90]  }
0x13e: {  	(v2sf) =	vpush v13, $0xA;
	v26 =	vld [tilespmem:s20+$0x6DA0]  }
0x13f: {  	s29 =	spop (v2sf);
	v28 =	vld [tilespmem:s20+$0x6D80]  }
0x140: {  	v20 =	vld [tilespmem:s20+$0x6DB0];
	s1 =	spop (v2sf)  }
0x141: {  	v23 =	vld [tilespmem:s29+$0x6D10];
	s13 =	spop (v2sf)  }
0x142: {  	v21 =	vld [tilespmem:s29+$0x6D30];
	s20 =	spop (v2sf);
	(v2sf) =	vpush v13, $0xB  }
0x143: {  	v29 =	vld [tilespmem:s29+$0x6D20]  }
0x144: {  	v30 =	vld [tilespmem:s29+$0x6D00];
	(v2sf) =	vpush v13, $0xC  }
0x145: {  	v7 =	vld [tilespmem:s1+$0x6EB0]  }
0x146: {  	v16 =	vld [tilespmem:s1+$0x6E80]  }
0x147: {  	v19 =	vld [tilespmem:s1+$0x6EA0]  }
0x148: {  	v22 =	vld [tilespmem:s13+$0x6C30];
	(v2sf) =	vpush v13, $0xE  }
0x149: {  	v35 =	vld [tilespmem:s13+$0x6C20]  }
0x14a: {  	v36 =	vld [tilespmem:s13+$0x6C00];
	(v2sf) =	vpush v13, $0xD  }
0x14b: {  	v14 =	vld [tilespmem:s20+$0x6FA0]  }
0x14c: {  	v25 =	vimm.f32 $0.0e+00;
	v12 =	vld [tilespmem:s20+$0x6F90]  }
0x14d: {  	v33 =	vimm.f32 $0.0e+00;
	v31 =	vimm.f32 $0.0e+00;
	s29 =	simm.s32 $0x2000;
	s31 =	spop (v2sf);
	v13 =	vld [tilespmem:s20+$0x6FB0];
	v22 =	vadd.f32 v22, v25  }
.LBB2_5:
0x14e: {  	p1 =	sne.s32 s29, $0x16000  }
0x14f: {  	v37 =	vld [tilespmem:s31+$0x7120];
	s28 =	sadd.s32 $0x10, s28;
	s6 =	smov.u32 s29;
	s29 =	sadd.s32 $0x2000, s29  }
0x150: {  	v38 =	vld [tilespmem:s13+$0x6C10]  }
0x151: {  	v35 =	vadd.f32 v35, v25;
	v39 =	vld [tilespmem:s20+$0x6F80];
	s14 =	spop (v2sf)  }
0x152: {  	v31 =	vadd.f32 v36, v31;
	v25 =	vld [tilespmem:s14+$0x71B0]  }
0x153: {  	v35 =	vadd.f32 v24, v35;
	v36 =	vld [tilespmem:s0+$0x7080];
	s13 =	spop (v2sf)  }
0x154: {  	v31 =	vadd.f32 v34, v31;
	v24 =	vld [tilespmem:s13+$0x7230]  }
0x155: {  	v34 =	vld [tilespmem:s28+$0x0];
	v33 =	vadd.f32 v38, v33;
	v29 =	vadd.f32 v29, v35  }
0x156: {  	v30 =	vadd.f32 v30, v31;
	v31 =	vld [tilespmem:s1+$0x6E90]  }
0x157: {  	v32 =	vadd.f32 v32, v33;
	v33 =	vld [tilespmem:s31+$0x7100];
	s0 =	spop (v2sf)  }
0x158: {  	v26 =	vadd.f32 v26, v29;
	v28 =	vadd.f32 v28, v30;
	v29 =	vld [tilespmem:s0+$0x7300]  }
0x159: {  	v30 =	vadd.f32 v23, v32;
	v23 =	vld [tilespmem:s26+$0x73B0];
	s1 =	spop (v2sf)  }
0x15a: {  	v15 =	vadd.f32 v15, v26;
	v32 =	vshll.u32 v34, $0x6;
	v17 =	vadd.f32 v17, v28;
	v26 =	vld [tilespmem:s1+$0x7280]  }
0x15b: {  	v27 =	vadd.f32 v27, v22;
	s6 =	sshra.s32 s6, $0x2;
	v28 =	vand.u32 $0x40, v32;
	v30 =	vadd.f32 v18, v30;
	v18 =	vld [tilespmem:s0+$0x7330]  }
0x15c: {  	v15 =	vadd.f32 v19, v15;
	v22 =	vadd.s32 s6, v28;
	v16 =	vadd.f32 v16, v17;
	v17 =	vld [tilespmem:s30+$0x7000]  }
0x15d: {  	v19 =	vadd.f32 v21, v27;
	(v2sf) =	vpush v22, $0xF;
	v21 =	vld [tilespmem:s30+$0x7020]  }
0x15e: {  	v11 =	vadd.f32 v11, v30;
	(v2sf) =	vpush v22, $0x9;
	v27 =	vld [tilespmem:s13+$0x7200]  }
0x15f: {  	v19 =	vadd.f32 v20, v19;
	(v2sf) =	vpush v22, $0x6;
	v20 =	vld [tilespmem:s14+$0x7180]  }
0x160: {  	v9 =	vadd.f32 v9, v16;
	(v2sf) =	vpush v22, $0x8;
	v16 =	vld [tilespmem:s31+$0x7110]  }
0x161: {  	v8 =	vadd.f32 v8, v15;
	(v2sf) =	vpush v22, $0x4;
	v15 =	vld [tilespmem:s1+$0x72B0]  }
0x162: {  	v9 =	vadd.f32 v39, v9;
	(v2sf) =	vpush v22, $0x1;
	v28 =	vld [tilespmem:s14+$0x7190]  }
0x163: {  	v11 =	vadd.f32 v31, v11;
	(v2sf) =	vpush v22, $0x3;
	v30 =	vld [tilespmem:s14+$0x71A0]  }
0x164: {  	v8 =	vadd.f32 v14, v8;
	(v2sf) =	vpush v22, $0x2;
	v14 =	vld [tilespmem:s13+$0x7210]  }
0x165: {  	v10 =	vadd.f32 v10, v19;
	v9 =	vadd.f32 v17, v9;
	v17 =	vld [tilespmem:s13+$0x7220]  }
0x166: {  	v8 =	vadd.f32 v21, v8;
	(v2sf) =	vpush v22, $0x5;
	v19 =	vld [tilespmem:s1+$0x7290]  }
0x167: {  	v7 =	vadd.f32 v7, v10;
	(v2sf) =	vpush v22, $0x0;
	v10 =	vld [tilespmem:s1+$0x72A0]  }
0x168: {  	v9 =	vadd.f32 v36, v9;
	v6 =	vadd.f32 v6, v8;
	v21 =	vld [tilespmem:s0+$0x7310]  }
0x169: {  	v4 =	vadd.f32 v4, v11;
	v5 =	vadd.f32 v5, v7;
	v7 =	vld [tilespmem:s0+$0x7320]  }
0x16a: {  	v8 =	vadd.f32 v33, v9;
	v6 =	vadd.f32 v37, v6;
	v32 =	vld [tilespmem:s26+$0x7390]  }
0x16b: {  	v4 =	vadd.f32 v12, v4;
	v5 =	vadd.f32 v13, v5;
	v11 =	vld [tilespmem:s26+$0x73A0]  }
0x16c: {  	v8 =	vadd.f32 v20, v8;
	v6 =	vadd.f32 v30, v6;
	s1 =	spop (v2sf);
	v9 =	vld [tilespmem:s31+$0x7130]  }
0x16d: {  	v3 =	vadd.f32 v3, v4;
	v2 =	vadd.f32 v2, v5;
	s0 =	spop (v2sf);
	v12 =	vld [tilespmem:s26+$0x7380];
	s26 =	smov.u32 s1  }
0x16e: {  	v5 =	vadd.f32 v27, v8;
	v6 =	vadd.f32 v17, v6;
	v13 =	vld [tilespmem:s0+$0x70B0];
	s1 =	spop (v2sf)  }
0x16f: {  	v3 =	vadd.f32 v0, v3;
	v1 =	vadd.f32 v1, v2;
	s30 =	spop (v2sf);
	v0 =	vld [tilespmem:s0+$0x7090]  }
0x170: {  	v8 =	vadd.f32 v26, v5;
	v6 =	vadd.f32 v10, v6;
	v4 =	vld [tilespmem:s1+$0x6F10];
	s6 =	spop (v2sf)  }
0x171: {  	v10 =	vadd.f32 v16, v3;
	v5 =	vld [tilespmem:s1+$0x6F30];
	s14 =	spop (v2sf);
	v9 =	vadd.f32 v9, v1  }
0x172: {  	v8 =	vadd.f32 v29, v8;
	v6 =	vadd.f32 v7, v6;
	v2 =	vld [tilespmem:s30+$0x7030];
	s20 =	spop (v2sf)  }
0x173: {  	v7 =	vadd.f32 v28, v10;
	v3 =	vld [tilespmem:s30+$0x7010];
	s31 =	spop (v2sf);
	v10 =	vadd.f32 v25, v9;
	v1 =	vmov v13  }
0x174: {  	v31 =	vadd.f32 v12, v8;
	v25 =	vadd.f32 v11, v6;
	v9 =	vld [tilespmem:s1+$0x6F00]  }
0x175: {  	v7 =	vadd.f32 v14, v7;
	v8 =	vld [tilespmem:s1+$0x6F20];
	s1 =	spop (v2sf);
	v10 =	vadd.f32 v24, v10  }
0x176: {  	v11 =	vld [tilespmem:s6+$0x6E10];
	s13 =	spop (v2sf);
	(v2sf) =	vpush v22, $0x7  }
0x177: {  	v7 =	vadd.f32 v19, v7;
	v6 =	vld [tilespmem:s0+$0x70A0];
	v10 =	vadd.f32 v15, v10  }
0x178: {  	v15 =	vld [tilespmem:s6+$0x6E20]  }
0x179: {  	v12 =	vadd.f32 v21, v7;
	v17 =	vld [tilespmem:s6+$0x6E00];
	v13 =	vadd.f32 v18, v10  }
0x17a: {  	v7 =	vld [tilespmem:s1+$0x6EB0]  }
0x17b: {  	v33 =	vadd.f32 v32, v12;
	v10 =	vld [tilespmem:s6+$0x6E30];
	v13 =	vadd.f32 v23, v13  }
0x17c: {  	v18 =	vld [tilespmem:s20+$0x6D90];
	(v2sf) =	vpush v22, $0xA  }
0x17d: {  	v16 =	vld [tilespmem:s1+$0x6E80]  }
0x17e: {  	v23 =	vld [tilespmem:s31+$0x6D10]  }
0x17f: {  	v19 =	vld [tilespmem:s1+$0x6EA0]  }
0x180: {  	v26 =	vld [tilespmem:s20+$0x6DA0]  }
0x181: {  	v21 =	vld [tilespmem:s31+$0x6D30]  }
0x182: {  	v29 =	vld [tilespmem:s31+$0x6D20]  }
0x183: {  	v28 =	vld [tilespmem:s20+$0x6D80];
	(v2sf) =	vpush v22, $0xB  }
0x184: {  	v30 =	vld [tilespmem:s31+$0x6D00]  }
0x185: {  	v20 =	vld [tilespmem:s20+$0x6DB0];
	s20 =	spop (v2sf);
	(v2sf) =	vpush v22, $0xC  }
0x186: {  	v32 =	vld [tilespmem:s14+$0x6C90]  }
0x187: {  	v27 =	vld [tilespmem:s14+$0x6CB0]  }
0x188: {  	v14 =	vld [tilespmem:s20+$0x6FA0]  }
0x189: {  	v37 =	vld [tilespmem:s13+$0x6C30];
	(v2sf) =	vpush v22, $0xE  }
0x18a: {  	v24 =	vld [tilespmem:s14+$0x6CA0]  }
.Ltmp3:
0x18b: {  	v12 =	vld [tilespmem:s20+$0x6F90];
	s31 =	spop (v2sf);
	(v2sf) =	vpush v22, $0xD;
	(pc) =	sbr.rel @p1 .LBB2_5-.Ltmp3, $4  }
0x18c: {  	v34 =	vld [tilespmem:s14+$0x6C80]  }
0x18d: {  	v35 =	vld [tilespmem:s13+$0x6C20]  }
0x18e: {  	v36 =	vld [tilespmem:s13+$0x6C00];
	v22 =	vadd.f32 v37, v13  }
0x18f: {  	v13 =	vld [tilespmem:s20+$0x6FB0]  }
0x190: {  	v37 =	vld [tilespmem:s31+$0x7120]  }
0x191: {  	v38 =	vld [tilespmem:s13+$0x6C10]  }
0x192: {  	v39 =	vld [tilespmem:s20+$0x6F80]  }
0x193: {  	v41 =	vld [tilespmem:s0+$0x7080]  }
0x194: {  	v43 =	vld [tilespmem:s1+$0x6E90]  }
0x195: {  	v44 =	vld [tilespmem:s31+$0x7100]  }
0x196: {  	v45 =	vld [tilespmem:$0x1C0]  }
0x197: {  	v47 =	vld [tilespmem:s26+$0x73B0]  }
0x198: {  	v50 =	vld [tilespmem:s30+$0x7000]  }
0x199: {  	v62 =	vld [tilespmem:s30+$0x7020]  }
0x19a: {  	v54 =	vld [tilespmem:s26+$0x7390]  }
0x19b: {  	v55 =	vld [tilespmem:s26+$0x73A0]  }
0x19c: {  	v22 =	vadd.f32 v27, v22;
	v56 =	vld [tilespmem:s31+$0x7130];
	s6 =	spop (v2sf)  }
0x19d: {  	v57 =	vld [tilespmem:s26+$0x7380];
	v25 =	vadd.f32 v35, v25;
	s20 =	spop (v2sf);
	v45 =	vshll.u32 v45, $0x6  }
0x19e: {  	v21 =	vadd.f32 v21, v22;
	v40 =	vld [tilespmem:s6+$0x71B0];
	v31 =	vadd.f32 v36, v31;
	v36 =	vand.u32 $0x40, v45;
	s28 =	spop (v2sf)  }
0x19f: {  	v24 =	vadd.f32 v24, v25;
	v42 =	vld [tilespmem:s20+$0x7230];
	s29 =	spop (v2sf);
	(v2sf) =	vpush v36, $0x0  }
0x1a0: {  	v52 =	vadd.f32 v20, v21;
	v63 =	vadd.f32 v34, v31;
	v31 =	vld [tilespmem:s6+$0x7180]  }
0x1a1: {  	v33 =	vadd.f32 v38, v33;
	v34 =	vld [tilespmem:s31+$0x7110]  }
0x1a2: {  	v45 =	vld [tilespmem:s20+$0x7200];
	v24 =	vadd.f32 v29, v24;
	v10 =	vadd.f32 v10, v52  }
0x1a3: {  	v38 =	vadd.f32 v32, v33;
	v32 =	vld [tilespmem:s6+$0x7190];
	(v2sf) =	vpush v36, $0x1  }
0x1a4: {  	v25 =	vadd.f32 v30, v63;
	v24 =	vadd.f32 v26, v24;
	v26 =	vld [tilespmem:s20+$0x7210]  }
0x1a5: {  	v46 =	vld [tilespmem:s28+$0x7300]  }
0x1a6: {  	v7 =	vadd.f32 v7, v10;
	v49 =	vld [tilespmem:s28+$0x7330];
	v25 =	vadd.f32 v28, v25  }
0x1a7: {  	v28 =	vld [tilespmem:s6+$0x71A0];
	v23 =	vadd.f32 v23, v38;
	(v2sf) =	vpush v36, $0x2  }
0x1a8: {  	v51 =	vld [tilespmem:s28+$0x7310];
	v15 =	vadd.f32 v15, v24  }
0x1a9: {  	v53 =	vld [tilespmem:s28+$0x7320];
	v5 =	vadd.f32 v5, v7;
	v18 =	vadd.f32 v18, v23  }
0x1aa: {  	v48 =	vld [tilespmem:s29+$0x7280];
	v17 =	vadd.f32 v17, v25;
	v15 =	vadd.f32 v19, v15  }
0x1ab: {  	v29 =	vld [tilespmem:s29+$0x72B0];
	v11 =	vadd.f32 v11, v18;
	(v2sf) =	vpush v36, $0x3  }
0x1ac: {  	v25 =	vld [tilespmem:s20+$0x7220];
	v5 =	vadd.f32 v13, v5;
	v16 =	vadd.f32 v16, v17  }
0x1ad: {  	v24 =	vld [tilespmem:s29+$0x7290];
	v8 =	vadd.f32 v8, v15;
	v11 =	vadd.f32 v43, v11  }
0x1ae: {  	v22 =	vld [tilespmem:s29+$0x72A0];
	v2 =	vadd.f32 v2, v5;
	v9 =	vadd.f32 v9, v16;
	s13 =	spop (v2sf)  }
0x1af: {  	v4 =	vadd.f32 v4, v11;
	(v2sf) =	vpush v36, $0x4;
	v58 =	vld [tilespmem:s13+$0xCC00]  }
0x1b0: {  	v8 =	vadd.f32 v14, v8;
	v9 =	vadd.f32 v39, v9;
	v59 =	vld [tilespmem:s13+$0xCC10]  }
0x1b1: {  	v1 =	vadd.f32 v1, v2;
	v4 =	vadd.f32 v12, v4;
	v60 =	vld [tilespmem:s13+$0xCC20]  }
0x1b2: {  	v8 =	vadd.f32 v62, v8;
	v9 =	vadd.f32 v50, v9;
	v61 =	vld [tilespmem:s13+$0xCC30];
	s14 =	spop (v2sf)  }
0x1b3: {  	v3 =	vadd.f32 v3, v4;
	(v2sf) =	vpush v36, $0x5;
	v62 =	vld [tilespmem:s14+$0xCC80]  }
0x1b4: {  	v6 =	vadd.f32 v6, v8;
	v9 =	vadd.f32 v41, v9;
	v63 =	vld [tilespmem:s14+$0xCC90]  }
0x1b5: {  	v1 =	vadd.f32 v56, v1;
	v0 =	vadd.f32 v0, v3;
	v33 =	vld [tilespmem:s14+$0xCCA0]  }
0x1b6: {  	v6 =	vadd.f32 v37, v6;
	v30 =	vadd.f32 v44, v9;
	v35 =	vld [tilespmem:s14+$0xCCB0];
	s20 =	spop (v2sf)  }
0x1b7: {  	v0 =	vadd.f32 v34, v0;
	(v2sf) =	vpush v36, $0x6;
	v37 =	vld [tilespmem:s20+$0xCD00]  }
0x1b8: {  	v8 =	vadd.f32 v31, v30;
	v38 =	vld [tilespmem:s20+$0xCD10]  }
0x1b9: {  	v1 =	vadd.f32 v40, v1;
	v0 =	vadd.f32 v32, v0;
	v39 =	vld [tilespmem:s20+$0xCD20]  }
0x1ba: {  	v6 =	vadd.f32 v28, v6;
	v8 =	vadd.f32 v45, v8;
	v40 =	vld [tilespmem:s20+$0xCD30];
	s26 =	spop (v2sf)  }
0x1bb: {  	(v2sf) =	vpush v36, $0x7;
	v0 =	vadd.f32 v26, v0;
	v41 =	vld [tilespmem:s26+$0xCD80]  }
0x1bc: {  	v6 =	vadd.f32 v25, v6;
	v8 =	vadd.f32 v48, v8;
	v43 =	vld [tilespmem:s26+$0xCD90]  }
0x1bd: {  	v1 =	vadd.f32 v42, v1;
	v44 =	vld [tilespmem:s26+$0xCDA0];
	v0 =	vadd.f32 v24, v0  }
0x1be: {  	v6 =	vadd.f32 v22, v6;
	v45 =	vld [tilespmem:s26+$0xCDB0];
	v8 =	vadd.f32 v46, v8;
	s28 =	spop (v2sf)  }
0x1bf: {  	v1 =	vadd.f32 v29, v1;
	v0 =	vadd.f32 v51, v0;
	v46 =	vld [tilespmem:s28+$0xCE00]  }
0x1c0: {  	v6 =	vadd.f32 v53, v6;
	v8 =	vadd.f32 v57, v8;
	v48 =	vld [tilespmem:s28+$0xCE10]  }
0x1c1: {  	v1 =	vadd.f32 v49, v1;
	v0 =	vadd.f32 v54, v0;
	v50 =	vld [tilespmem:s28+$0xCE20]  }
0x1c2: {  	v6 =	vadd.f32 v55, v6;
	v8 =	vadd.f32 v58, v8;
	v51 =	vld [tilespmem:s28+$0xCE30];
	s29 =	spop (v2sf)  }
0x1c3: {  	v1 =	vadd.f32 v47, v1;
	v0 =	vadd.f32 v59, v0;
	v52 =	vld [tilespmem:s29+$0xCE80]  }
0x1c4: {  	v6 =	vadd.f32 v60, v6;
	v4 =	vadd.f32 v62, v8;
	v53 =	vld [tilespmem:s29+$0xCE90]  }
0x1c5: {  	v1 =	vadd.f32 v61, v1;
	v0 =	vadd.f32 v63, v0;
	v54 =	vld [tilespmem:s29+$0xCEA0]  }
0x1c6: {  	v3 =	vadd.f32 v33, v6;
	v4 =	vadd.f32 v37, v4;
	v55 =	vld [tilespmem:s29+$0xCEB0];
	s30 =	spop (v2sf)  }
0x1c7: {  	v1 =	vadd.f32 v35, v1;
	v0 =	vadd.f32 v38, v0;
	v56 =	vld [tilespmem:s30+$0xCF00]  }
0x1c8: {  	v3 =	vadd.f32 v39, v3;
	v4 =	vadd.f32 v41, v4;
	v57 =	vld [tilespmem:s30+$0xCF10]  }
0x1c9: {  	v1 =	vadd.f32 v40, v1;
	v0 =	vadd.f32 v43, v0;
	v58 =	vld [tilespmem:s30+$0xCF20]  }
0x1ca: {  	v3 =	vadd.f32 v44, v3;
	v59 =	vld [tilespmem:s30+$0xCF30];
	s31 =	spop (v2sf);
	v4 =	vadd.f32 v46, v4  }
0x1cb: {  	v1 =	vadd.f32 v45, v1;
	v60 =	vld [tilespmem:s31+$0xCF80];
	v0 =	vadd.f32 v48, v0  }
0x1cc: {  	v61 =	vld [tilespmem:s31+$0xCF90];
	v3 =	vadd.f32 v50, v3;
	v4 =	vadd.f32 v52, v4  }
0x1cd: {  	v62 =	vld [tilespmem:s31+$0xCFA0];
	v1 =	vadd.f32 v51, v1;
	v0 =	vadd.f32 v53, v0  }
0x1ce: {  	v63 =	vld [tilespmem:s31+$0xCFB0];
	v3 =	vadd.f32 v54, v3;
	v2 =	vadd.f32 v56, v4  }
0x1cf: {  	v1 =	vadd.f32 v55, v1;
	v0 =	vadd.f32 v57, v0  }
0x1d0: {  	v3 =	vadd.f32 v58, v3;
	v2 =	vadd.f32 v60, v2  }
.Ltmp4:
0x1d1: {  	v1 =	vadd.f32 v59, v1;
	v0 =	vadd.f32 v61, v0;
	(pc) =	sbr.rel @p0 .LBB2_8-.Ltmp4, $4  }
0x1d2: {  	v3 =	vadd.f32 v62, v3;
	[tilespmem:s24+$0xD480] =	vst v2  }
0x1d3: {  	v1 =	vadd.f32 v63, v1;
	[tilespmem:s24+$0xD490] =	vst v0  }
0x1d4: {  	[tilespmem:s24+$0xD4A0] =	vst v3  }
0x1d5: {  	[tilespmem:s24+$0xD4B0] =	vst v1  }
.Ltmp5:
0x1d6: {  	s0 =	sadd.s32 s25, s8;
	(pc) =	sbr.rel .LBB2_2-.Ltmp5, $3  }
0x1d7: {  	s0 =	smul.u32 $0x19, s0;
	_ =	sdelay $0x1  }
0x1d8: {  	s23 =	sadd.s32 $0x1, s23;
	s0 =	sadd.s32 s3, s0  }
0x1d9: {  	[tilespmem:s15], [sflag:$0x2] =	stream.linear.gather [hbm4b:s0+s2], $0xC8, $0x38;
	[tilespmem:$0x15400] =	vst v63  }
.LBB2_9:
0x1da: {  	_ =	sfence.sel $0x180000  }
0x1db: {  	[bflag:$0x0] =	sbarrier.arrive $0xFFFF  }
0x1dc: {  	_ =	strace $0x90000047  }
0x1dd: {  	s0 =	stileid.u32;
	[bflag:$0x2] =	sbarrier.arrive $0xFFFF  }
0x1de: {  	p0 =	sne.s32 s0, $0x0;
	s0 =	rddreg [dreg:$0x1]  }
0x1df: {  	s0 =	sadd.s32 @!p0 $0x100000, s0  }
0x1e0: {  	[sflag:s0] =	ssyncadd.tile.s32 @!p0 $0x1;
	_ =	shalt  }
.Lfunc_end2:
_tile_overlayer_lowered:
.L_overlay_start_2:
0x1e1: {  	(tag) =	ssettag $0x2  }
0x1e2: {  	s0 =	rddreg [dreg:$0x0];
	s2 =	stileid.u32  }
0x1e3: {  	s1 =	rddreg [dreg:$0x1];
	p0 =	sne.s32 s2, $0x0  }
0x1e4: {  	s3 =	rddreg [dreg:$0x2];
	[bflag:$0x3] =	sbarrier.arrive $0xFFFF;
	s2 =	simm.s32 @!p0 $0x1C05  }
0x1e5: {  	[timem:s3], [sflag:s2] =	dma.local @!p0 [hbm:s0], s1  }
0x1e6: {  	s0 =	simm.s32 @!p0 $0x5  }
0x1e7: {  	_ =	swait.ge @!p0 [sflag:s0], s1  }
0x1e8: {  	s1 =	ssub.s32 @!p0 $0x0, s1;
	[sflag:s0] =	ssyncset.done @!p0 $0x0  }
0x1e9: {  	[sflag:s0] =	ssyncadd.s32 @!p0 s1  }
0x1ea: {  	[bflag:$0x3] =	sbarrier.arrive $0xFFFF  }
0x1eb: {  	_ =	shalt  }

</sc_bundles>
